<compile_context>
chip_gen: v7x
topology: tpu7x:2x2x1
jax: 0.10.2.dev20260603
libtpu: 0.0.44.dev20260713+nightly
codegen_flags: <defaults>
</compile_context>

<pallas_src>
import functools

import jax
import jax.numpy as jnp
from jax import lax
from jax.experimental import pallas as pl
from jax.experimental.pallas import tpu as pltpu
from jax.experimental.pallas import tpu_sc as plsc

N_NODES = 10000
N_EDGES = 160000
D_IN = 256
D_HID = 256
DH = 128
D_OUT = 41
GW = 128

NC = 2
NS = 16
EPT1 = N_EDGES // NS
K1 = 80
C1 = EPT1 // K1
NB1 = 2
EPT2 = N_EDGES // (NC * NS)
K2 = 40
C2 = EPT2 // K2
NB2 = 4
RPT = 640
RPT_LAST = N_NODES - RPT * (NS - 1)
N_PAD = RPT * NS
MB = 1000


def _mm1(x, W1):
    def body(x_ref, w_ref, o_ref):
        o_ref[...] = jnp.dot(x_ref[...], w_ref[...],
                             preferred_element_type=jnp.float32)

    nb = N_NODES // MB
    return pl.pallas_call(
        body,
        grid=(nb, NC),
        in_specs=[pl.BlockSpec((MB, D_IN), lambda i, j: (i, 0)),
                  pl.BlockSpec((D_IN, DH), lambda i, j: (0, j))],
        out_specs=pl.BlockSpec((MB, DH), lambda i, j: (j * nb + i, 0)),
        out_shape=jax.ShapeDtypeStruct((NC * N_NODES, DH), jnp.float32),
    )(x, W1)


def _writeback(acc, out_hbm, c, s):
    @pl.when(s < NS - 1)
    def _():
        pltpu.sync_copy(acc.at[pl.ds(s * RPT, RPT)],
                        out_hbm.at[pl.ds(c * N_NODES + s * RPT, RPT)])

    @pl.when(s == NS - 1)
    def _():
        pltpu.sync_copy(acc.at[pl.ds((NS - 1) * RPT, RPT_LAST)],
                        out_hbm.at[pl.ds(c * N_NODES + (NS - 1) * RPT,
                                         RPT_LAST)])


def _spmm1(h1, col1, row1, z1):
    mesh = plsc.VectorSubcoreMesh(core_axis_name="c", subcore_axis_name="s")

    @functools.partial(
        pl.kernel,
        mesh=mesh,
        out_type=jax.ShapeDtypeStruct((NC * N_NODES, DH), jnp.float32),
        scratch_types=(
            [pltpu.VMEM((K1,), jnp.int32)] * (2 * NB1)
            + [pltpu.VMEM((K1,), jnp.int32)] * (2 * NB1)
            + [pltpu.VMEM((K1, DH), jnp.float32)] * (2 * NB1)
            + [pltpu.VMEM_SHARED((N_PAD, DH), jnp.float32),
               pltpu.SemaphoreType.DMA, pltpu.SemaphoreType.DMA,
               pltpu.SemaphoreType.DMA]),
    )
    def k(h_hbm, col_hbm, row_hbm, z_hbm, out_hbm, *rest):
        colvs = rest[0:2 * NB1]
        rowvs = rest[2 * NB1:4 * NB1]
        gbufs = rest[4 * NB1:6 * NB1]
        acc, semi, semg0, semg1 = rest[6 * NB1:6 * NB1 + 4]
        c = lax.axis_index("c")
        s = lax.axis_index("s")
        pltpu.sync_copy(z_hbm, acc.at[pl.ds(s * RPT, RPT)])
        plsc.subcore_barrier()
        _spmm2_pipeline(h_hbm.at[pl.ds(c * N_NODES, N_NODES)], col_hbm,
                        row_hbm, acc, colvs, rowvs, gbufs,
                        semi, semg0, semg1, s * EPT1, C1, NB1, K1)
        plsc.subcore_barrier()
        _writeback(acc, out_hbm, c, s)

    return k(h1, col1, row1, z1)


def _mm2(s1, W2p):
    def body(a_ref, b_ref, w_ref, o_ref):
        o_ref[...] = (
            jnp.dot(jnp.maximum(a_ref[...], 0.0), w_ref[0:DH, :],
                    preferred_element_type=jnp.float32)
            + jnp.dot(jnp.maximum(b_ref[...], 0.0), w_ref[DH:D_HID, :],
                      preferred_element_type=jnp.float32))

    nb = N_NODES // MB
    return pl.pallas_call(
        body,
        grid=(nb,),
        in_specs=[pl.BlockSpec((MB, DH), lambda i: (i, 0)),
                  pl.BlockSpec((MB, DH), lambda i: (i + nb, 0)),
                  pl.BlockSpec((D_HID, GW), lambda i: (0, 0))],
        out_specs=pl.BlockSpec((MB, GW), lambda i: (i, 0)),
        out_shape=jax.ShapeDtypeStruct((N_NODES, GW), jnp.float32),
    )(s1, s1, W2p)



def _spmm2_pipeline(h_hbm, col_hbm, row_hbm, acc, colvs, rowvs, gbufs,
                    semi, semg0, semg1, base, n_chunks, nb, k):
    n_full = n_chunks // nb
    tail = n_chunks % nb
    semg = [semg0, semg1]

    def fire_idx(par, g):
        for b in range(nb):
            off = base + g * (nb * k) + b * k
            pltpu.make_async_copy(col_hbm.at[pl.ds(off, k)],
                                  colvs[par * nb + b], semi).start()
            pltpu.make_async_copy(row_hbm.at[pl.ds(off, k)],
                                  rowvs[par * nb + b], semi).start()

    def drain_idx(par):
        for b in range(nb):
            pltpu.make_async_copy(col_hbm.at[pl.ds(base, k)],
                                  colvs[par * nb + b], semi).wait()
            pltpu.make_async_copy(row_hbm.at[pl.ds(base, k)],
                                  rowvs[par * nb + b], semi).wait()

    def fire_g(par):
        for b in range(nb):
            pltpu.make_async_copy(h_hbm.at[colvs[par * nb + b]],
                                  gbufs[par * nb + b], semg[par]).start()

    def drain_g(par):
        for b in range(nb):
            pltpu.make_async_copy(h_hbm.at[colvs[par * nb + b]],
                                  gbufs[par * nb + b], semg[par]).wait()

    def scatter(par):
        for b in range(nb):
            pltpu.sync_copy(gbufs[par * nb + b],
                            acc.at[rowvs[par * nb + b]], add=True)

    def half(q, g, g_next):
        drain_idx(q)
        fire_g(q)
        drain_g(1 - q)
        scatter(1 - q)
        fire_idx(1 - q, g_next)

    fire_idx(0, 0)
    drain_idx(0)
    fire_g(0)
    fire_idx(1, 1)

    def outer(i, carry):
        half(1, 2 * i + 1, 2 * i + 2)
        half(0, 2 * i + 2, jnp.minimum(2 * i + 3, n_full - 1))
        return carry

    lax.fori_loop(0, (n_full - 1) // 2, outer, 0)
    if n_full % 2:
        drain_idx(1)
        drain_g(0)
        scatter(0)
    else:
        drain_idx(1)
        fire_g(1)
        drain_g(0)
        scatter(0)
        drain_g(1)
        scatter(1)
    if tail:
        for b in range(tail):
            off = base + n_full * (nb * k) + b * k
            pltpu.make_async_copy(col_hbm.at[pl.ds(off, k)],
                                  colvs[nb + b], semi).start()
            pltpu.make_async_copy(row_hbm.at[pl.ds(off, k)],
                                  rowvs[nb + b], semi).start()
        for b in range(tail):
            pltpu.make_async_copy(col_hbm.at[pl.ds(base, k)],
                                  colvs[nb + b], semi).wait()
            pltpu.make_async_copy(row_hbm.at[pl.ds(base, k)],
                                  rowvs[nb + b], semi).wait()
        for b in range(tail):
            pltpu.make_async_copy(h_hbm.at[colvs[nb + b]],
                                  gbufs[nb + b], semg1).start()
        for b in range(tail):
            pltpu.make_async_copy(h_hbm.at[colvs[nb + b]],
                                  gbufs[nb + b], semg1).wait()
        for b in range(tail):
            pltpu.sync_copy(gbufs[nb + b],
                            acc.at[rowvs[nb + b]], add=True)


def _spmm2(h2, col2, row2, z2):
    mesh = plsc.VectorSubcoreMesh(core_axis_name="c", subcore_axis_name="s")

    @functools.partial(
        pl.kernel,
        mesh=mesh,
        out_type=jax.ShapeDtypeStruct((NC * N_NODES, GW), jnp.float32),
        scratch_types=(
            [pltpu.VMEM((K2,), jnp.int32)] * (2 * NB2)
            + [pltpu.VMEM((K2,), jnp.int32)] * (2 * NB2)
            + [pltpu.VMEM((K2, GW), jnp.float32)] * (2 * NB2)
            + [pltpu.VMEM_SHARED((N_PAD, GW), jnp.float32),
               pltpu.SemaphoreType.DMA, pltpu.SemaphoreType.DMA,
               pltpu.SemaphoreType.DMA]),
    )
    def k(h_hbm, col_hbm, row_hbm, z_hbm, out_hbm, *rest):
        colvs = rest[0:2 * NB2]
        rowvs = rest[2 * NB2:4 * NB2]
        gbufs = rest[4 * NB2:6 * NB2]
        acc, semi, semg0, semg1 = rest[6 * NB2:6 * NB2 + 4]
        c = lax.axis_index("c")
        s = lax.axis_index("s")
        t = c * NS + s
        pltpu.sync_copy(z_hbm, acc.at[pl.ds(s * RPT, RPT)])
        plsc.subcore_barrier()
        _spmm2_pipeline(h_hbm, col_hbm, row_hbm, acc, colvs, rowvs, gbufs,
                        semi, semg0, semg1, t * EPT2, C2, NB2, K2)
        plsc.subcore_barrier()
        _writeback(acc, out_hbm, c, s)

    return k(h2, col2, row2, z2)


def _final_add(p):
    def body(a_ref, b_ref, o_ref):
        o_ref[...] = a_ref[:, :D_OUT] + b_ref[:, :D_OUT]

    nb = N_NODES // MB
    return pl.pallas_call(
        body,
        grid=(nb,),
        in_specs=[pl.BlockSpec((MB, GW), lambda i: (i, 0)),
                  pl.BlockSpec((MB, GW), lambda i: (i + nb, 0))],
        out_specs=pl.BlockSpec((MB, D_OUT), lambda i: (i, 0)),
        out_shape=jax.ShapeDtypeStruct((N_NODES, D_OUT), jnp.float32),
    )(p, p)


def kernel(edge_index, x, W1, W2):
    row = edge_index[0]
    col = edge_index[1]

    z1 = jnp.zeros((RPT, DH), jnp.float32)
    W2p = jnp.pad(W2, ((0, 0), (0, GW - D_OUT)))

    h1 = _mm1(x, W1)
    s1 = _spmm1(h1, col, row, z1)
    h2 = _mm2(s1, W2p)
    p = _spmm2(h2, col, row, z1)
    return _final_add(p)

# --- scband reference (transcript-rebuilt; emitter-appended) ---
"""Pipeline reference for scband-gcn-torch-sparse-58377195487750 (READ-ONLY COPY).

The authoritative reference and input builder live on the scoring server;
editing this copy changes nothing except your own understanding.
"""

import jax, jax.numpy as jnp
import numpy as np

N_NODES = 10000
N_EDGES = 160000
IN_SIZE = 256
HIDDEN = 256
OUT_SIZE = 41

def setup_inputs(seed: int = 0) -> dict:
    key = jax.random.key(seed)
    k1, k2, k3, k4 = jax.random.split(key, 4)
    edge_index = jax.random.randint(k1, (2, N_EDGES), 0, N_NODES, dtype=jnp.int64 if jax.config.jax_enable_x64 else jnp.int32).astype(jnp.int32)
    x = jax.random.normal(k2, (N_NODES, IN_SIZE), dtype=jnp.float32)
    # Linear layers without bias: store as [in, out] so forward is x @ W
    W1 = jax.random.normal(k3, (IN_SIZE, HIDDEN), dtype=jnp.float32) * (1.0 / np.sqrt(IN_SIZE))
    W2 = jax.random.normal(k4, (HIDDEN, OUT_SIZE), dtype=jnp.float32) * (1.0 / np.sqrt(HIDDEN))
    return {"edge_index": edge_index, "x": x, "W1": W1, "W2": W2}

def _spmm(edge_index, h):
    # adj_t @ h : out[row] += h[col] (unweighted sparse adjacency)
    row = edge_index[0]
    col = edge_index[1]
    gathered = jnp.take(h, col, axis=0)
    return jax.ops.segment_sum(gathered, row, num_segments=N_NODES)

def reference(edge_index, x, W1, W2):
    # conv1: Linear then sparse matmul
    h = x @ W1
    h = _spmm(edge_index, h)
    h = jax.nn.relu(h)
    # conv2
    h = h @ W2
    out = _spmm(edge_index, h)
    return out

if __name__ == "__main__":
    import jax
    _d = setup_inputs()
    print(jax.jit(kernel)(*tuple(_d.values())))

</pallas_src>

<mosaic_0001>
#map = affine_map<(d0, d1) -> (0, 0)>
#map1 = affine_map<(d0, d1) -> (0)>
module attributes {stable_mosaic.version = 14 : i64} {
  func.func @k(%arg0: i32, %arg1: i32, %arg2: memref<20000x128xf32, #tpu.memory_space<hbm>>, %arg3: memref<160000xi32, #tpu.memory_space<hbm>>, %arg4: memref<160000xi32, #tpu.memory_space<hbm>>, %arg5: memref<640x128xf32, #tpu.memory_space<hbm>>, %arg6: memref<20000x128xf32, #tpu.memory_space<hbm>>, %arg7: memref<80xi32, #tpu.memory_space<vmem>>, %arg8: memref<80xi32, #tpu.memory_space<vmem>>, %arg9: memref<80xi32, #tpu.memory_space<vmem>>, %arg10: memref<80xi32, #tpu.memory_space<vmem>>, %arg11: memref<80xi32, #tpu.memory_space<vmem>>, %arg12: memref<80xi32, #tpu.memory_space<vmem>>, %arg13: memref<80xi32, #tpu.memory_space<vmem>>, %arg14: memref<80xi32, #tpu.memory_space<vmem>>, %arg15: memref<80x128xf32, #tpu.memory_space<vmem>>, %arg16: memref<80x128xf32, #tpu.memory_space<vmem>>, %arg17: memref<80x128xf32, #tpu.memory_space<vmem>>, %arg18: memref<80x128xf32, #tpu.memory_space<vmem>>, %arg19: memref<10240x128xf32, #tpu.memory_space<vmem_shared>>, %arg20: memref<!tpu.dma_semaphore, #tpu.memory_space<semaphore_mem>>, %arg21: memref<!tpu.dma_semaphore, #tpu.memory_space<semaphore_mem>>, %arg22: memref<!tpu.dma_semaphore, #tpu.memory_space<semaphore_mem>>) attributes {dimension_semantics = [#tpu.dimension_semantics<core_parallel>, #tpu.dimension_semantics<subcore_parallel>], iteration_bounds = array<i64: 2, 16>, scalar_prefetch = 0 : i64, scratch_operands = 16 : i64, tpu.core_type = #tpu.core_type<sc_vector_subcore>, window_params = [{transform_indices = #map}, {transform_indices = #map1}, {transform_indices = #map1}, {transform_indices = #map}, {transform_indices = #map}]} {
    %mul3A = arith.constant 640 : i32
    %mul3A_0 = arith.muli %arg1, %mul3A : i32
    "tpu.region"() ({
      %run_scoped3A = tpu.sem_alloc : memref<!tpu.dma_semaphore, #tpu.memory_space<semaphore_mem>>
      %dma_start3A_124 = arith.constant 0 : i32
      %dma_start3A_125 = tpu.memref_slice %arg19[%mul3A_0, %dma_start3A_124] : memref<10240x128xf32, #tpu.memory_space<vmem_shared>> -> memref<640x128xf32, #tpu.memory_space<vmem_shared>>
      tpu.enqueue_dma source(%arg5 : memref<640x128xf32, #tpu.memory_space<hbm>>) target(%dma_start3A_125 : memref<640x128xf32, #tpu.memory_space<vmem_shared>>) target_semaphore(%run_scoped3A : memref<!tpu.dma_semaphore, #tpu.memory_space<semaphore_mem>>)
      %dma_wait3A_126 = arith.constant 0 : i32
      %dma_wait3A_127 = tpu.memref_slice %arg19[%mul3A_0, %dma_wait3A_126] : memref<10240x128xf32, #tpu.memory_space<vmem_shared>> -> memref<640x128xf32, #tpu.memory_space<vmem_shared>>
      tpu.wait_dma2 semaphore(%run_scoped3A : memref<!tpu.dma_semaphore, #tpu.memory_space<semaphore_mem>>) src(%arg5 : memref<640x128xf32, #tpu.memory_space<hbm>>) dst(%dma_wait3A_127 : memref<640x128xf32, #tpu.memory_space<vmem_shared>>)
      tpu.yield
    }) : () -> ()
    %barrier3A = arith.constant 0 : index
    tpu.barrier barrier_id(%barrier3A)
    %mul3A_1 = arith.constant 10000 : i32
    %mul3A_2 = arith.muli %arg0, %mul3A_1 : i32
    %mul3A_3 = arith.constant 10000 : i32
    %mul3A_4 = arith.muli %arg1, %mul3A_3 : i32
    %add3A = arith.constant 0 : i32
    %add3A_5 = arith.addi %mul3A_4, %add3A : i32
    %add3A_6 = arith.constant 0 : i32
    %add3A_7 = arith.addi %add3A_5, %add3A_6 : i32
    %dma_start3A = tpu.memref_slice %arg3[%add3A_7] : memref<160000xi32, #tpu.memory_space<hbm>> -> memref<80xi32, #tpu.memory_space<hbm>>
    %dma_start3A_8 = tpu.memref_slice %arg3[%add3A_7] : memref<160000xi32, #tpu.memory_space<hbm>> -> memref<80xi32, #tpu.memory_space<hbm>>
    tpu.enqueue_dma source(%dma_start3A_8 : memref<80xi32, #tpu.memory_space<hbm>>) target(%arg7 : memref<80xi32, #tpu.memory_space<vmem>>) target_semaphore(%arg20 : memref<!tpu.dma_semaphore, #tpu.memory_space<semaphore_mem>>)
    %dma_start3A_9 = tpu.memref_slice %arg4[%add3A_7] : memref<160000xi32, #tpu.memory_space<hbm>> -> memref<80xi32, #tpu.memory_space<hbm>>
    %dma_start3A_10 = tpu.memref_slice %arg4[%add3A_7] : memref<160000xi32, #tpu.memory_space<hbm>> -> memref<80xi32, #tpu.memory_space<hbm>>
    tpu.enqueue_dma source(%dma_start3A_10 : memref<80xi32, #tpu.memory_space<hbm>>) target(%arg11 : memref<80xi32, #tpu.memory_space<vmem>>) target_semaphore(%arg20 : memref<!tpu.dma_semaphore, #tpu.memory_space<semaphore_mem>>)
    %add3A_11 = arith.constant 0 : i32
    %add3A_12 = arith.addi %mul3A_4, %add3A_11 : i32
    %add3A_13 = arith.constant 80 : i32
    %add3A_14 = arith.addi %add3A_12, %add3A_13 : i32
    %dma_start3A_15 = tpu.memref_slice %arg3[%add3A_14] : memref<160000xi32, #tpu.memory_space<hbm>> -> memref<80xi32, #tpu.memory_space<hbm>>
    %dma_start3A_16 = tpu.memref_slice %arg3[%add3A_14] : memref<160000xi32, #tpu.memory_space<hbm>> -> memref<80xi32, #tpu.memory_space<hbm>>
    tpu.enqueue_dma source(%dma_start3A_16 : memref<80xi32, #tpu.memory_space<hbm>>) target(%arg8 : memref<80xi32, #tpu.memory_space<vmem>>) target_semaphore(%arg20 : memref<!tpu.dma_semaphore, #tpu.memory_space<semaphore_mem>>)
    %dma_start3A_17 = tpu.memref_slice %arg4[%add3A_14] : memref<160000xi32, #tpu.memory_space<hbm>> -> memref<80xi32, #tpu.memory_space<hbm>>
    %dma_start3A_18 = tpu.memref_slice %arg4[%add3A_14] : memref<160000xi32, #tpu.memory_space<hbm>> -> memref<80xi32, #tpu.memory_space<hbm>>
    tpu.enqueue_dma source(%dma_start3A_18 : memref<80xi32, #tpu.memory_space<hbm>>) target(%arg12 : memref<80xi32, #tpu.memory_space<vmem>>) target_semaphore(%arg20 : memref<!tpu.dma_semaphore, #tpu.memory_space<semaphore_mem>>)
    %dma_wait3A = tpu.memref_slice %arg3[%mul3A_4] : memref<160000xi32, #tpu.memory_space<hbm>> -> memref<80xi32, #tpu.memory_space<hbm>>
    %dma_wait3A_19 = tpu.memref_slice %arg3[%mul3A_4] : memref<160000xi32, #tpu.memory_space<hbm>> -> memref<80xi32, #tpu.memory_space<hbm>>
    tpu.wait_dma2 semaphore(%arg20 : memref<!tpu.dma_semaphore, #tpu.memory_space<semaphore_mem>>) src(%dma_wait3A_19 : memref<80xi32, #tpu.memory_space<hbm>>) dst(%arg7 : memref<80xi32, #tpu.memory_space<vmem>>)
    %dma_wait3A_20 = tpu.memref_slice %arg4[%mul3A_4] : memref<160000xi32, #tpu.memory_space<hbm>> -> memref<80xi32, #tpu.memory_space<hbm>>
    %dma_wait3A_21 = tpu.memref_slice %arg4[%mul3A_4] : memref<160000xi32, #tpu.memory_space<hbm>> -> memref<80xi32, #tpu.memory_space<hbm>>
    tpu.wait_dma2 semaphore(%arg20 : memref<!tpu.dma_semaphore, #tpu.memory_space<semaphore_mem>>) src(%dma_wait3A_21 : memref<80xi32, #tpu.memory_space<hbm>>) dst(%arg11 : memref<80xi32, #tpu.memory_space<vmem>>)
    %dma_wait3A_22 = tpu.memref_slice %arg3[%mul3A_4] : memref<160000xi32, #tpu.memory_space<hbm>> -> memref<80xi32, #tpu.memory_space<hbm>>
    %dma_wait3A_23 = tpu.memref_slice %arg3[%mul3A_4] : memref<160000xi32, #tpu.memory_space<hbm>> -> memref<80xi32, #tpu.memory_space<hbm>>
    tpu.wait_dma2 semaphore(%arg20 : memref<!tpu.dma_semaphore, #tpu.memory_space<semaphore_mem>>) src(%dma_wait3A_23 : memref<80xi32, #tpu.memory_space<hbm>>) dst(%arg8 : memref<80xi32, #tpu.memory_space<vmem>>)
    %dma_wait3A_24 = tpu.memref_slice %arg4[%mul3A_4] : memref<160000xi32, #tpu.memory_space<hbm>> -> memref<80xi32, #tpu.memory_space<hbm>>
    %dma_wait3A_25 = tpu.memref_slice %arg4[%mul3A_4] : memref<160000xi32, #tpu.memory_space<hbm>> -> memref<80xi32, #tpu.memory_space<hbm>>
    tpu.wait_dma2 semaphore(%arg20 : memref<!tpu.dma_semaphore, #tpu.memory_space<semaphore_mem>>) src(%dma_wait3A_25 : memref<80xi32, #tpu.memory_space<hbm>>) dst(%arg12 : memref<80xi32, #tpu.memory_space<vmem>>)
    %dma_start3A_26 = arith.constant 0 : i32
    %dma_start3A_27 = tpu.memref_slice %arg2[%mul3A_2, %dma_start3A_26] : memref<20000x128xf32, #tpu.memory_space<hbm>> -> memref<10000x128xf32, #tpu.memory_space<hbm>>
    %dma_start3A_28 = arith.constant 0 : i32
    %dma_start3A_29 = arith.constant 0 : i32
    %dma_start3A_30 = tpu.memref_slice %dma_start3A_27[%dma_start3A_28, %dma_start3A_29] : memref<10000x128xf32, #tpu.memory_space<hbm>> -> memref<10000x128xf32, #tpu.memory_space<hbm>>
    tpu.enqueue_indirect_dma source(%dma_start3A_30 : memref<10000x128xf32, #tpu.memory_space<hbm>>) target(%arg15 : memref<80x128xf32, #tpu.memory_space<vmem>>) offsets(%arg7 : memref<80xi32, #tpu.memory_space<vmem>>) semaphore(%arg21 : memref<!tpu.dma_semaphore, #tpu.memory_space<semaphore_mem>>)
    %dma_start3A_31 = arith.constant 0 : i32
    %dma_start3A_32 = tpu.memref_slice %arg2[%mul3A_2, %dma_start3A_31] : memref<20000x128xf32, #tpu.memory_space<hbm>> -> memref<10000x128xf32, #tpu.memory_space<hbm>>
    %dma_start3A_33 = arith.constant 0 : i32
    %dma_start3A_34 = arith.constant 0 : i32
    %dma_start3A_35 = tpu.memref_slice %dma_start3A_32[%dma_start3A_33, %dma_start3A_34] : memref<10000x128xf32, #tpu.memory_space<hbm>> -> memref<10000x128xf32, #tpu.memory_space<hbm>>
    tpu.enqueue_indirect_dma source(%dma_start3A_35 : memref<10000x128xf32, #tpu.memory_space<hbm>>) target(%arg16 : memref<80x128xf32, #tpu.memory_space<vmem>>) offsets(%arg8 : memref<80xi32, #tpu.memory_space<vmem>>) semaphore(%arg21 : memref<!tpu.dma_semaphore, #tpu.memory_space<semaphore_mem>>)
    %add3A_36 = arith.constant 160 : i32
    %add3A_37 = arith.addi %mul3A_4, %add3A_36 : i32
    %add3A_38 = arith.constant 0 : i32
    %add3A_39 = arith.addi %add3A_37, %add3A_38 : i32
    %dma_start3A_40 = tpu.memref_slice %arg3[%add3A_39] : memref<160000xi32, #tpu.memory_space<hbm>> -> memref<80xi32, #tpu.memory_space<hbm>>
    %dma_start3A_41 = tpu.memref_slice %arg3[%add3A_39] : memref<160000xi32, #tpu.memory_space<hbm>> -> memref<80xi32, #tpu.memory_space<hbm>>
    tpu.enqueue_dma source(%dma_start3A_41 : memref<80xi32, #tpu.memory_space<hbm>>) target(%arg9 : memref<80xi32, #tpu.memory_space<vmem>>) target_semaphore(%arg20 : memref<!tpu.dma_semaphore, #tpu.memory_space<semaphore_mem>>)
    %dma_start3A_42 = tpu.memref_slice %arg4[%add3A_39] : memref<160000xi32, #tpu.memory_space<hbm>> -> memref<80xi32, #tpu.memory_space<hbm>>
    %dma_start3A_43 = tpu.memref_slice %arg4[%add3A_39] : memref<160000xi32, #tpu.memory_space<hbm>> -> memref<80xi32, #tpu.memory_space<hbm>>
    tpu.enqueue_dma source(%dma_start3A_43 : memref<80xi32, #tpu.memory_space<hbm>>) target(%arg13 : memref<80xi32, #tpu.memory_space<vmem>>) target_semaphore(%arg20 : memref<!tpu.dma_semaphore, #tpu.memory_space<semaphore_mem>>)
    %add3A_44 = arith.constant 160 : i32
    %add3A_45 = arith.addi %mul3A_4, %add3A_44 : i32
    %add3A_46 = arith.constant 80 : i32
    %add3A_47 = arith.addi %add3A_45, %add3A_46 : i32
    %dma_start3A_48 = tpu.memref_slice %arg3[%add3A_47] : memref<160000xi32, #tpu.memory_space<hbm>> -> memref<80xi32, #tpu.memory_space<hbm>>
    %dma_start3A_49 = tpu.memref_slice %arg3[%add3A_47] : memref<160000xi32, #tpu.memory_space<hbm>> -> memref<80xi32, #tpu.memory_space<hbm>>
    tpu.enqueue_dma source(%dma_start3A_49 : memref<80xi32, #tpu.memory_space<hbm>>) target(%arg10 : memref<80xi32, #tpu.memory_space<vmem>>) target_semaphore(%arg20 : memref<!tpu.dma_semaphore, #tpu.memory_space<semaphore_mem>>)
    %dma_start3A_50 = tpu.memref_slice %arg4[%add3A_47] : memref<160000xi32, #tpu.memory_space<hbm>> -> memref<80xi32, #tpu.memory_space<hbm>>
    %dma_start3A_51 = tpu.memref_slice %arg4[%add3A_47] : memref<160000xi32, #tpu.memory_space<hbm>> -> memref<80xi32, #tpu.memory_space<hbm>>
    tpu.enqueue_dma source(%dma_start3A_51 : memref<80xi32, #tpu.memory_space<hbm>>) target(%arg14 : memref<80xi32, #tpu.memory_space<vmem>>) target_semaphore(%arg20 : memref<!tpu.dma_semaphore, #tpu.memory_space<semaphore_mem>>)
    %scan3A = arith.constant 0 : i32
    %scan3A_52 = arith.constant 0 : i32
    %scan3A_53 = arith.constant 30 : i32
    %scan3A_54 = arith.addi %scan3A_52, %scan3A_53 : i32
    %scan3A_55 = arith.constant 1 : i32
    scf.for %scan3A_124 = %scan3A_52 to %scan3A_54 step %scan3A_55  : i32 {
      %mul3A_125 = arith.constant 2 : i32
      %mul3A_126 = arith.muli %mul3A_125, %scan3A_124 : i32
      %add3A_127 = arith.constant 1 : i32
      %add3A_128 = arith.addi %mul3A_126, %add3A_127 : i32
      %mul3A_129 = arith.constant 2 : i32
      %mul3A_130 = arith.muli %mul3A_129, %scan3A_124 : i32
      %add3A_131 = arith.constant 2 : i32
      %add3A_132 = arith.addi %mul3A_130, %add3A_131 : i32
      %dma_wait3A_133 = tpu.memref_slice %arg3[%mul3A_4] : memref<160000xi32, #tpu.memory_space<hbm>> -> memref<80xi32, #tpu.memory_space<hbm>>
      %dma_wait3A_134 = tpu.memref_slice %arg3[%mul3A_4] : memref<160000xi32, #tpu.memory_space<hbm>> -> memref<80xi32, #tpu.memory_space<hbm>>
      tpu.wait_dma2 semaphore(%arg20 : memref<!tpu.dma_semaphore, #tpu.memory_space<semaphore_mem>>) src(%dma_wait3A_134 : memref<80xi32, #tpu.memory_space<hbm>>) dst(%arg9 : memref<80xi32, #tpu.memory_space<vmem>>)
      %dma_wait3A_135 = tpu.memref_slice %arg4[%mul3A_4] : memref<160000xi32, #tpu.memory_space<hbm>> -> memref<80xi32, #tpu.memory_space<hbm>>
      %dma_wait3A_136 = tpu.memref_slice %arg4[%mul3A_4] : memref<160000xi32, #tpu.memory_space<hbm>> -> memref<80xi32, #tpu.memory_space<hbm>>
      tpu.wait_dma2 semaphore(%arg20 : memref<!tpu.dma_semaphore, #tpu.memory_space<semaphore_mem>>) src(%dma_wait3A_136 : memref<80xi32, #tpu.memory_space<hbm>>) dst(%arg13 : memref<80xi32, #tpu.memory_space<vmem>>)
      %dma_wait3A_137 = tpu.memref_slice %arg3[%mul3A_4] : memref<160000xi32, #tpu.memory_space<hbm>> -> memref<80xi32, #tpu.memory_space<hbm>>
      %dma_wait3A_138 = tpu.memref_slice %arg3[%mul3A_4] : memref<160000xi32, #tpu.memory_space<hbm>> -> memref<80xi32, #tpu.memory_space<hbm>>
      tpu.wait_dma2 semaphore(%arg20 : memref<!tpu.dma_semaphore, #tpu.memory_space<semaphore_mem>>) src(%dma_wait3A_138 : memref<80xi32, #tpu.memory_space<hbm>>) dst(%arg10 : memref<80xi32, #tpu.memory_space<vmem>>)
      %dma_wait3A_139 = tpu.memref_slice %arg4[%mul3A_4] : memref<160000xi32, #tpu.memory_space<hbm>> -> memref<80xi32, #tpu.memory_space<hbm>>
      %dma_wait3A_140 = tpu.memref_slice %arg4[%mul3A_4] : memref<160000xi32, #tpu.memory_space<hbm>> -> memref<80xi32, #tpu.memory_space<hbm>>
      tpu.wait_dma2 semaphore(%arg20 : memref<!tpu.dma_semaphore, #tpu.memory_space<semaphore_mem>>) src(%dma_wait3A_140 : memref<80xi32, #tpu.memory_space<hbm>>) dst(%arg14 : memref<80xi32, #tpu.memory_space<vmem>>)
      %dma_start3A_141 = arith.constant 0 : i32
      %dma_start3A_142 = tpu.memref_slice %arg2[%mul3A_2, %dma_start3A_141] : memref<20000x128xf32, #tpu.memory_space<hbm>> -> memref<10000x128xf32, #tpu.memory_space<hbm>>
      %dma_start3A_143 = arith.constant 0 : i32
      %dma_start3A_144 = arith.constant 0 : i32
      %dma_start3A_145 = tpu.memref_slice %dma_start3A_142[%dma_start3A_143, %dma_start3A_144] : memref<10000x128xf32, #tpu.memory_space<hbm>> -> memref<10000x128xf32, #tpu.memory_space<hbm>>
      tpu.enqueue_indirect_dma source(%dma_start3A_145 : memref<10000x128xf32, #tpu.memory_space<hbm>>) target(%arg17 : memref<80x128xf32, #tpu.memory_space<vmem>>) offsets(%arg9 : memref<80xi32, #tpu.memory_space<vmem>>) semaphore(%arg22 : memref<!tpu.dma_semaphore, #tpu.memory_space<semaphore_mem>>)
      %dma_start3A_146 = arith.constant 0 : i32
      %dma_start3A_147 = tpu.memref_slice %arg2[%mul3A_2, %dma_start3A_146] : memref<20000x128xf32, #tpu.memory_space<hbm>> -> memref<10000x128xf32, #tpu.memory_space<hbm>>
      %dma_start3A_148 = arith.constant 0 : i32
      %dma_start3A_149 = arith.constant 0 : i32
      %dma_start3A_150 = tpu.memref_slice %dma_start3A_147[%dma_start3A_148, %dma_start3A_149] : memref<10000x128xf32, #tpu.memory_space<hbm>> -> memref<10000x128xf32, #tpu.memory_space<hbm>>
      tpu.enqueue_indirect_dma source(%dma_start3A_150 : memref<10000x128xf32, #tpu.memory_space<hbm>>) target(%arg18 : memref<80x128xf32, #tpu.memory_space<vmem>>) offsets(%arg10 : memref<80xi32, #tpu.memory_space<vmem>>) semaphore(%arg22 : memref<!tpu.dma_semaphore, #tpu.memory_space<semaphore_mem>>)
      %dma_wait3A_151 = arith.constant 0 : i32
      %dma_wait3A_152 = tpu.memref_slice %arg2[%mul3A_2, %dma_wait3A_151] : memref<20000x128xf32, #tpu.memory_space<hbm>> -> memref<10000x128xf32, #tpu.memory_space<hbm>>
      %dma_wait3A_153 = arith.constant 0 : i32
      %dma_wait3A_154 = arith.constant 0 : i32
      %dma_wait3A_155 = tpu.memref_slice %dma_wait3A_152[%dma_wait3A_153, %dma_wait3A_154] : memref<10000x128xf32, #tpu.memory_space<hbm>> -> memref<10000x128xf32, #tpu.memory_space<hbm>>
      tpu.wait_indirect_dma semaphore(%arg21 : memref<!tpu.dma_semaphore, #tpu.memory_space<semaphore_mem>>) src(%dma_wait3A_155 : memref<10000x128xf32, #tpu.memory_space<hbm>>) dst(%arg15 : memref<80x128xf32, #tpu.memory_space<vmem>>)
      %dma_wait3A_156 = arith.constant 0 : i32
      %dma_wait3A_157 = tpu.memref_slice %arg2[%mul3A_2, %dma_wait3A_156] : memref<20000x128xf32, #tpu.memory_space<hbm>> -> memref<10000x128xf32, #tpu.memory_space<hbm>>
      %dma_wait3A_158 = arith.constant 0 : i32
      %dma_wait3A_159 = arith.constant 0 : i32
      %dma_wait3A_160 = tpu.memref_slice %dma_wait3A_157[%dma_wait3A_158, %dma_wait3A_159] : memref<10000x128xf32, #tpu.memory_space<hbm>> -> memref<10000x128xf32, #tpu.memory_space<hbm>>
      tpu.wait_indirect_dma semaphore(%arg21 : memref<!tpu.dma_semaphore, #tpu.memory_space<semaphore_mem>>) src(%dma_wait3A_160 : memref<10000x128xf32, #tpu.memory_space<hbm>>) dst(%arg16 : memref<80x128xf32, #tpu.memory_space<vmem>>)
      "tpu.region"() ({
        %run_scoped3A = tpu.sem_alloc : memref<!tpu.dma_semaphore, #tpu.memory_space<semaphore_mem>>
        %dma_start3A_234 = arith.constant 0 : i32
        %dma_start3A_235 = arith.constant 0 : i32
        %dma_start3A_236 = tpu.memref_slice %arg19[%dma_start3A_234, %dma_start3A_235] : memref<10240x128xf32, #tpu.memory_space<vmem_shared>> -> memref<10240x128xf32, #tpu.memory_space<vmem_shared>>
        tpu.enqueue_indirect_dma source(%arg15 : memref<80x128xf32, #tpu.memory_space<vmem>>) target(%dma_start3A_236 : memref<10240x128xf32, #tpu.memory_space<vmem_shared>>) offsets(%arg11 : memref<80xi32, #tpu.memory_space<vmem>>) semaphore(%run_scoped3A : memref<!tpu.dma_semaphore, #tpu.memory_space<semaphore_mem>>) {add = true}
        %dma_wait3A_237 = arith.constant 0 : i32
        %dma_wait3A_238 = arith.constant 0 : i32
        %dma_wait3A_239 = tpu.memref_slice %arg19[%dma_wait3A_237, %dma_wait3A_238] : memref<10240x128xf32, #tpu.memory_space<vmem_shared>> -> memref<10240x128xf32, #tpu.memory_space<vmem_shared>>
        tpu.wait_indirect_dma semaphore(%run_scoped3A : memref<!tpu.dma_semaphore, #tpu.memory_space<semaphore_mem>>) src(%arg15 : memref<80x128xf32, #tpu.memory_space<vmem>>) dst(%dma_wait3A_239 : memref<10240x128xf32, #tpu.memory_space<vmem_shared>>)
        tpu.yield
      }) : () -> ()
      "tpu.region"() ({
        %run_scoped3A = tpu.sem_alloc : memref<!tpu.dma_semaphore, #tpu.memory_space<semaphore_mem>>
        %dma_start3A_234 = arith.constant 0 : i32
        %dma_start3A_235 = arith.constant 0 : i32
        %dma_start3A_236 = tpu.memref_slice %arg19[%dma_start3A_234, %dma_start3A_235] : memref<10240x128xf32, #tpu.memory_space<vmem_shared>> -> memref<10240x128xf32, #tpu.memory_space<vmem_shared>>
        tpu.enqueue_indirect_dma source(%arg16 : memref<80x128xf32, #tpu.memory_space<vmem>>) target(%dma_start3A_236 : memref<10240x128xf32, #tpu.memory_space<vmem_shared>>) offsets(%arg12 : memref<80xi32, #tpu.memory_space<vmem>>) semaphore(%run_scoped3A : memref<!tpu.dma_semaphore, #tpu.memory_space<semaphore_mem>>) {add = true}
        %dma_wait3A_237 = arith.constant 0 : i32
        %dma_wait3A_238 = arith.constant 0 : i32
        %dma_wait3A_239 = tpu.memref_slice %arg19[%dma_wait3A_237, %dma_wait3A_238] : memref<10240x128xf32, #tpu.memory_space<vmem_shared>> -> memref<10240x128xf32, #tpu.memory_space<vmem_shared>>
        tpu.wait_indirect_dma semaphore(%run_scoped3A : memref<!tpu.dma_semaphore, #tpu.memory_space<semaphore_mem>>) src(%arg16 : memref<80x128xf32, #tpu.memory_space<vmem>>) dst(%dma_wait3A_239 : memref<10240x128xf32, #tpu.memory_space<vmem_shared>>)
        tpu.yield
      }) : () -> ()
      %mul3A_161 = arith.constant 160 : i32
      %mul3A_162 = arith.muli %add3A_132, %mul3A_161 : i32
      %add3A_163 = arith.addi %mul3A_4, %mul3A_162 : i32
      %add3A_164 = arith.constant 0 : i32
      %add3A_165 = arith.addi %add3A_163, %add3A_164 : i32
      %dma_start3A_166 = tpu.memref_slice %arg3[%add3A_165] : memref<160000xi32, #tpu.memory_space<hbm>> -> memref<80xi32, #tpu.memory_space<hbm>>
      %dma_start3A_167 = tpu.memref_slice %arg3[%add3A_165] : memref<160000xi32, #tpu.memory_space<hbm>> -> memref<80xi32, #tpu.memory_space<hbm>>
      tpu.enqueue_dma source(%dma_start3A_167 : memref<80xi32, #tpu.memory_space<hbm>>) target(%arg7 : memref<80xi32, #tpu.memory_space<vmem>>) target_semaphore(%arg20 : memref<!tpu.dma_semaphore, #tpu.memory_space<semaphore_mem>>)
      %dma_start3A_168 = tpu.memref_slice %arg4[%add3A_165] : memref<160000xi32, #tpu.memory_space<hbm>> -> memref<80xi32, #tpu.memory_space<hbm>>
      %dma_start3A_169 = tpu.memref_slice %arg4[%add3A_165] : memref<160000xi32, #tpu.memory_space<hbm>> -> memref<80xi32, #tpu.memory_space<hbm>>
      tpu.enqueue_dma source(%dma_start3A_169 : memref<80xi32, #tpu.memory_space<hbm>>) target(%arg11 : memref<80xi32, #tpu.memory_space<vmem>>) target_semaphore(%arg20 : memref<!tpu.dma_semaphore, #tpu.memory_space<semaphore_mem>>)
      %mul3A_170 = arith.constant 160 : i32
      %mul3A_171 = arith.muli %add3A_132, %mul3A_170 : i32
      %add3A_172 = arith.addi %mul3A_4, %mul3A_171 : i32
      %add3A_173 = arith.constant 80 : i32
      %add3A_174 = arith.addi %add3A_172, %add3A_173 : i32
      %dma_start3A_175 = tpu.memref_slice %arg3[%add3A_174] : memref<160000xi32, #tpu.memory_space<hbm>> -> memref<80xi32, #tpu.memory_space<hbm>>
      %dma_start3A_176 = tpu.memref_slice %arg3[%add3A_174] : memref<160000xi32, #tpu.memory_space<hbm>> -> memref<80xi32, #tpu.memory_space<hbm>>
      tpu.enqueue_dma source(%dma_start3A_176 : memref<80xi32, #tpu.memory_space<hbm>>) target(%arg8 : memref<80xi32, #tpu.memory_space<vmem>>) target_semaphore(%arg20 : memref<!tpu.dma_semaphore, #tpu.memory_space<semaphore_mem>>)
      %dma_start3A_177 = tpu.memref_slice %arg4[%add3A_174] : memref<160000xi32, #tpu.memory_space<hbm>> -> memref<80xi32, #tpu.memory_space<hbm>>
      %dma_start3A_178 = tpu.memref_slice %arg4[%add3A_174] : memref<160000xi32, #tpu.memory_space<hbm>> -> memref<80xi32, #tpu.memory_space<hbm>>
      tpu.enqueue_dma source(%dma_start3A_178 : memref<80xi32, #tpu.memory_space<hbm>>) target(%arg12 : memref<80xi32, #tpu.memory_space<vmem>>) target_semaphore(%arg20 : memref<!tpu.dma_semaphore, #tpu.memory_space<semaphore_mem>>)
      %mul3A_179 = arith.constant 2 : i32
      %mul3A_180 = arith.muli %mul3A_179, %scan3A_124 : i32
      %add3A_181 = arith.constant 2 : i32
      %add3A_182 = arith.addi %mul3A_180, %add3A_181 : i32
      %mul3A_183 = arith.constant 2 : i32
      %mul3A_184 = arith.muli %mul3A_183, %scan3A_124 : i32
      %add3A_185 = arith.constant 3 : i32
      %add3A_186 = arith.addi %mul3A_184, %add3A_185 : i32
      %min3A = arith.constant 61 : i32
      %min3A_187 = arith.minsi %add3A_186, %min3A : i32
      %dma_wait3A_188 = tpu.memref_slice %arg3[%mul3A_4] : memref<160000xi32, #tpu.memory_space<hbm>> -> memref<80xi32, #tpu.memory_space<hbm>>
      %dma_wait3A_189 = tpu.memref_slice %arg3[%mul3A_4] : memref<160000xi32, #tpu.memory_space<hbm>> -> memref<80xi32, #tpu.memory_space<hbm>>
      tpu.wait_dma2 semaphore(%arg20 : memref<!tpu.dma_semaphore, #tpu.memory_space<semaphore_mem>>) src(%dma_wait3A_189 : memref<80xi32, #tpu.memory_space<hbm>>) dst(%arg7 : memref<80xi32, #tpu.memory_space<vmem>>)
      %dma_wait3A_190 = tpu.memref_slice %arg4[%mul3A_4] : memref<160000xi32, #tpu.memory_space<hbm>> -> memref<80xi32, #tpu.memory_space<hbm>>
      %dma_wait3A_191 = tpu.memref_slice %arg4[%mul3A_4] : memref<160000xi32, #tpu.memory_space<hbm>> -> memref<80xi32, #tpu.memory_space<hbm>>
      tpu.wait_dma2 semaphore(%arg20 : memref<!tpu.dma_semaphore, #tpu.memory_space<semaphore_mem>>) src(%dma_wait3A_191 : memref<80xi32, #tpu.memory_space<hbm>>) dst(%arg11 : memref<80xi32, #tpu.memory_space<vmem>>)
      %dma_wait3A_192 = tpu.memref_slice %arg3[%mul3A_4] : memref<160000xi32, #tpu.memory_space<hbm>> -> memref<80xi32, #tpu.memory_space<hbm>>
      %dma_wait3A_193 = tpu.memref_slice %arg3[%mul3A_4] : memref<160000xi32, #tpu.memory_space<hbm>> -> memref<80xi32, #tpu.memory_space<hbm>>
      tpu.wait_dma2 semaphore(%arg20 : memref<!tpu.dma_semaphore, #tpu.memory_space<semaphore_mem>>) src(%dma_wait3A_193 : memref<80xi32, #tpu.memory_space<hbm>>) dst(%arg8 : memref<80xi32, #tpu.memory_space<vmem>>)
      %dma_wait3A_194 = tpu.memref_slice %arg4[%mul3A_4] : memref<160000xi32, #tpu.memory_space<hbm>> -> memref<80xi32, #tpu.memory_space<hbm>>
      %dma_wait3A_195 = tpu.memref_slice %arg4[%mul3A_4] : memref<160000xi32, #tpu.memory_space<hbm>> -> memref<80xi32, #tpu.memory_space<hbm>>
      tpu.wait_dma2 semaphore(%arg20 : memref<!tpu.dma_semaphore, #tpu.memory_space<semaphore_mem>>) src(%dma_wait3A_195 : memref<80xi32, #tpu.memory_space<hbm>>) dst(%arg12 : memref<80xi32, #tpu.memory_space<vmem>>)
      %dma_start3A_196 = arith.constant 0 : i32
      %dma_start3A_197 = tpu.memref_slice %arg2[%mul3A_2, %dma_start3A_196] : memref<20000x128xf32, #tpu.memory_space<hbm>> -> memref<10000x128xf32, #tpu.memory_space<hbm>>
      %dma_start3A_198 = arith.constant 0 : i32
      %dma_start3A_199 = arith.constant 0 : i32
      %dma_start3A_200 = tpu.memref_slice %dma_start3A_197[%dma_start3A_198, %dma_start3A_199] : memref<10000x128xf32, #tpu.memory_space<hbm>> -> memref<10000x128xf32, #tpu.memory_space<hbm>>
      tpu.enqueue_indirect_dma source(%dma_start3A_200 : memref<10000x128xf32, #tpu.memory_space<hbm>>) target(%arg15 : memref<80x128xf32, #tpu.memory_space<vmem>>) offsets(%arg7 : memref<80xi32, #tpu.memory_space<vmem>>) semaphore(%arg21 : memref<!tpu.dma_semaphore, #tpu.memory_space<semaphore_mem>>)
      %dma_start3A_201 = arith.constant 0 : i32
      %dma_start3A_202 = tpu.memref_slice %arg2[%mul3A_2, %dma_start3A_201] : memref<20000x128xf32, #tpu.memory_space<hbm>> -> memref<10000x128xf32, #tpu.memory_space<hbm>>
      %dma_start3A_203 = arith.constant 0 : i32
      %dma_start3A_204 = arith.constant 0 : i32
      %dma_start3A_205 = tpu.memref_slice %dma_start3A_202[%dma_start3A_203, %dma_start3A_204] : memref<10000x128xf32, #tpu.memory_space<hbm>> -> memref<10000x128xf32, #tpu.memory_space<hbm>>
      tpu.enqueue_indirect_dma source(%dma_start3A_205 : memref<10000x128xf32, #tpu.memory_space<hbm>>) target(%arg16 : memref<80x128xf32, #tpu.memory_space<vmem>>) offsets(%arg8 : memref<80xi32, #tpu.memory_space<vmem>>) semaphore(%arg21 : memref<!tpu.dma_semaphore, #tpu.memory_space<semaphore_mem>>)
      %dma_wait3A_206 = arith.constant 0 : i32
      %dma_wait3A_207 = tpu.memref_slice %arg2[%mul3A_2, %dma_wait3A_206] : memref<20000x128xf32, #tpu.memory_space<hbm>> -> memref<10000x128xf32, #tpu.memory_space<hbm>>
      %dma_wait3A_208 = arith.constant 0 : i32
      %dma_wait3A_209 = arith.constant 0 : i32
      %dma_wait3A_210 = tpu.memref_slice %dma_wait3A_207[%dma_wait3A_208, %dma_wait3A_209] : memref<10000x128xf32, #tpu.memory_space<hbm>> -> memref<10000x128xf32, #tpu.memory_space<hbm>>
      tpu.wait_indirect_dma semaphore(%arg22 : memref<!tpu.dma_semaphore, #tpu.memory_space<semaphore_mem>>) src(%dma_wait3A_210 : memref<10000x128xf32, #tpu.memory_space<hbm>>) dst(%arg17 : memref<80x128xf32, #tpu.memory_space<vmem>>)
      %dma_wait3A_211 = arith.constant 0 : i32
      %dma_wait3A_212 = tpu.memref_slice %arg2[%mul3A_2, %dma_wait3A_211] : memref<20000x128xf32, #tpu.memory_space<hbm>> -> memref<10000x128xf32, #tpu.memory_space<hbm>>
      %dma_wait3A_213 = arith.constant 0 : i32
      %dma_wait3A_214 = arith.constant 0 : i32
      %dma_wait3A_215 = tpu.memref_slice %dma_wait3A_212[%dma_wait3A_213, %dma_wait3A_214] : memref<10000x128xf32, #tpu.memory_space<hbm>> -> memref<10000x128xf32, #tpu.memory_space<hbm>>
      tpu.wait_indirect_dma semaphore(%arg22 : memref<!tpu.dma_semaphore, #tpu.memory_space<semaphore_mem>>) src(%dma_wait3A_215 : memref<10000x128xf32, #tpu.memory_space<hbm>>) dst(%arg18 : memref<80x128xf32, #tpu.memory_space<vmem>>)
      "tpu.region"() ({
        %run_scoped3A = tpu.sem_alloc : memref<!tpu.dma_semaphore, #tpu.memory_space<semaphore_mem>>
        %dma_start3A_234 = arith.constant 0 : i32
        %dma_start3A_235 = arith.constant 0 : i32
        %dma_start3A_236 = tpu.memref_slice %arg19[%dma_start3A_234, %dma_start3A_235] : memref<10240x128xf32, #tpu.memory_space<vmem_shared>> -> memref<10240x128xf32, #tpu.memory_space<vmem_shared>>
        tpu.enqueue_indirect_dma source(%arg17 : memref<80x128xf32, #tpu.memory_space<vmem>>) target(%dma_start3A_236 : memref<10240x128xf32, #tpu.memory_space<vmem_shared>>) offsets(%arg13 : memref<80xi32, #tpu.memory_space<vmem>>) semaphore(%run_scoped3A : memref<!tpu.dma_semaphore, #tpu.memory_space<semaphore_mem>>) {add = true}
        %dma_wait3A_237 = arith.constant 0 : i32
        %dma_wait3A_238 = arith.constant 0 : i32
        %dma_wait3A_239 = tpu.memref_slice %arg19[%dma_wait3A_237, %dma_wait3A_238] : memref<10240x128xf32, #tpu.memory_space<vmem_shared>> -> memref<10240x128xf32, #tpu.memory_space<vmem_shared>>
        tpu.wait_indirect_dma semaphore(%run_scoped3A : memref<!tpu.dma_semaphore, #tpu.memory_space<semaphore_mem>>) src(%arg17 : memref<80x128xf32, #tpu.memory_space<vmem>>) dst(%dma_wait3A_239 : memref<10240x128xf32, #tpu.memory_space<vmem_shared>>)
        tpu.yield
      }) : () -> ()
      "tpu.region"() ({
        %run_scoped3A = tpu.sem_alloc : memref<!tpu.dma_semaphore, #tpu.memory_space<semaphore_mem>>
        %dma_start3A_234 = arith.constant 0 : i32
        %dma_start3A_235 = arith.constant 0 : i32
        %dma_start3A_236 = tpu.memref_slice %arg19[%dma_start3A_234, %dma_start3A_235] : memref<10240x128xf32, #tpu.memory_space<vmem_shared>> -> memref<10240x128xf32, #tpu.memory_space<vmem_shared>>
        tpu.enqueue_indirect_dma source(%arg18 : memref<80x128xf32, #tpu.memory_space<vmem>>) target(%dma_start3A_236 : memref<10240x128xf32, #tpu.memory_space<vmem_shared>>) offsets(%arg14 : memref<80xi32, #tpu.memory_space<vmem>>) semaphore(%run_scoped3A : memref<!tpu.dma_semaphore, #tpu.memory_space<semaphore_mem>>) {add = true}
        %dma_wait3A_237 = arith.constant 0 : i32
        %dma_wait3A_238 = arith.constant 0 : i32
        %dma_wait3A_239 = tpu.memref_slice %arg19[%dma_wait3A_237, %dma_wait3A_238] : memref<10240x128xf32, #tpu.memory_space<vmem_shared>> -> memref<10240x128xf32, #tpu.memory_space<vmem_shared>>
        tpu.wait_indirect_dma semaphore(%run_scoped3A : memref<!tpu.dma_semaphore, #tpu.memory_space<semaphore_mem>>) src(%arg18 : memref<80x128xf32, #tpu.memory_space<vmem>>) dst(%dma_wait3A_239 : memref<10240x128xf32, #tpu.memory_space<vmem_shared>>)
        tpu.yield
      }) : () -> ()
      %mul3A_216 = arith.constant 160 : i32
      %mul3A_217 = arith.muli %min3A_187, %mul3A_216 : i32
      %add3A_218 = arith.addi %mul3A_4, %mul3A_217 : i32
      %add3A_219 = arith.constant 0 : i32
      %add3A_220 = arith.addi %add3A_218, %add3A_219 : i32
      %dma_start3A_221 = tpu.memref_slice %arg3[%add3A_220] : memref<160000xi32, #tpu.memory_space<hbm>> -> memref<80xi32, #tpu.memory_space<hbm>>
      %dma_start3A_222 = tpu.memref_slice %arg3[%add3A_220] : memref<160000xi32, #tpu.memory_space<hbm>> -> memref<80xi32, #tpu.memory_space<hbm>>
      tpu.enqueue_dma source(%dma_start3A_222 : memref<80xi32, #tpu.memory_space<hbm>>) target(%arg9 : memref<80xi32, #tpu.memory_space<vmem>>) target_semaphore(%arg20 : memref<!tpu.dma_semaphore, #tpu.memory_space<semaphore_mem>>)
      %dma_start3A_223 = tpu.memref_slice %arg4[%add3A_220] : memref<160000xi32, #tpu.memory_space<hbm>> -> memref<80xi32, #tpu.memory_space<hbm>>
      %dma_start3A_224 = tpu.memref_slice %arg4[%add3A_220] : memref<160000xi32, #tpu.memory_space<hbm>> -> memref<80xi32, #tpu.memory_space<hbm>>
      tpu.enqueue_dma source(%dma_start3A_224 : memref<80xi32, #tpu.memory_space<hbm>>) target(%arg13 : memref<80xi32, #tpu.memory_space<vmem>>) target_semaphore(%arg20 : memref<!tpu.dma_semaphore, #tpu.memory_space<semaphore_mem>>)
      %mul3A_225 = arith.constant 160 : i32
      %mul3A_226 = arith.muli %min3A_187, %mul3A_225 : i32
      %add3A_227 = arith.addi %mul3A_4, %mul3A_226 : i32
      %add3A_228 = arith.constant 80 : i32
      %add3A_229 = arith.addi %add3A_227, %add3A_228 : i32
      %dma_start3A_230 = tpu.memref_slice %arg3[%add3A_229] : memref<160000xi32, #tpu.memory_space<hbm>> -> memref<80xi32, #tpu.memory_space<hbm>>
      %dma_start3A_231 = tpu.memref_slice %arg3[%add3A_229] : memref<160000xi32, #tpu.memory_space<hbm>> -> memref<80xi32, #tpu.memory_space<hbm>>
      tpu.enqueue_dma source(%dma_start3A_231 : memref<80xi32, #tpu.memory_space<hbm>>) target(%arg10 : memref<80xi32, #tpu.memory_space<vmem>>) target_semaphore(%arg20 : memref<!tpu.dma_semaphore, #tpu.memory_space<semaphore_mem>>)
      %dma_start3A_232 = tpu.memref_slice %arg4[%add3A_229] : memref<160000xi32, #tpu.memory_space<hbm>> -> memref<80xi32, #tpu.memory_space<hbm>>
      %dma_start3A_233 = tpu.memref_slice %arg4[%add3A_229] : memref<160000xi32, #tpu.memory_space<hbm>> -> memref<80xi32, #tpu.memory_space<hbm>>
      tpu.enqueue_dma source(%dma_start3A_233 : memref<80xi32, #tpu.memory_space<hbm>>) target(%arg14 : memref<80xi32, #tpu.memory_space<vmem>>) target_semaphore(%arg20 : memref<!tpu.dma_semaphore, #tpu.memory_space<semaphore_mem>>)
    }
    %scan3A_56 = arith.constant 30 : i32
    %dma_wait3A_57 = tpu.memref_slice %arg3[%mul3A_4] : memref<160000xi32, #tpu.memory_space<hbm>> -> memref<80xi32, #tpu.memory_space<hbm>>
    %dma_wait3A_58 = tpu.memref_slice %arg3[%mul3A_4] : memref<160000xi32, #tpu.memory_space<hbm>> -> memref<80xi32, #tpu.memory_space<hbm>>
    tpu.wait_dma2 semaphore(%arg20 : memref<!tpu.dma_semaphore, #tpu.memory_space<semaphore_mem>>) src(%dma_wait3A_58 : memref<80xi32, #tpu.memory_space<hbm>>) dst(%arg9 : memref<80xi32, #tpu.memory_space<vmem>>)
    %dma_wait3A_59 = tpu.memref_slice %arg4[%mul3A_4] : memref<160000xi32, #tpu.memory_space<hbm>> -> memref<80xi32, #tpu.memory_space<hbm>>
    %dma_wait3A_60 = tpu.memref_slice %arg4[%mul3A_4] : memref<160000xi32, #tpu.memory_space<hbm>> -> memref<80xi32, #tpu.memory_space<hbm>>
    tpu.wait_dma2 semaphore(%arg20 : memref<!tpu.dma_semaphore, #tpu.memory_space<semaphore_mem>>) src(%dma_wait3A_60 : memref<80xi32, #tpu.memory_space<hbm>>) dst(%arg13 : memref<80xi32, #tpu.memory_space<vmem>>)
    %dma_wait3A_61 = tpu.memref_slice %arg3[%mul3A_4] : memref<160000xi32, #tpu.memory_space<hbm>> -> memref<80xi32, #tpu.memory_space<hbm>>
    %dma_wait3A_62 = tpu.memref_slice %arg3[%mul3A_4] : memref<160000xi32, #tpu.memory_space<hbm>> -> memref<80xi32, #tpu.memory_space<hbm>>
    tpu.wait_dma2 semaphore(%arg20 : memref<!tpu.dma_semaphore, #tpu.memory_space<semaphore_mem>>) src(%dma_wait3A_62 : memref<80xi32, #tpu.memory_space<hbm>>) dst(%arg10 : memref<80xi32, #tpu.memory_space<vmem>>)
    %dma_wait3A_63 = tpu.memref_slice %arg4[%mul3A_4] : memref<160000xi32, #tpu.memory_space<hbm>> -> memref<80xi32, #tpu.memory_space<hbm>>
    %dma_wait3A_64 = tpu.memref_slice %arg4[%mul3A_4] : memref<160000xi32, #tpu.memory_space<hbm>> -> memref<80xi32, #tpu.memory_space<hbm>>
    tpu.wait_dma2 semaphore(%arg20 : memref<!tpu.dma_semaphore, #tpu.memory_space<semaphore_mem>>) src(%dma_wait3A_64 : memref<80xi32, #tpu.memory_space<hbm>>) dst(%arg14 : memref<80xi32, #tpu.memory_space<vmem>>)
    %dma_start3A_65 = arith.constant 0 : i32
    %dma_start3A_66 = tpu.memref_slice %arg2[%mul3A_2, %dma_start3A_65] : memref<20000x128xf32, #tpu.memory_space<hbm>> -> memref<10000x128xf32, #tpu.memory_space<hbm>>
    %dma_start3A_67 = arith.constant 0 : i32
    %dma_start3A_68 = arith.constant 0 : i32
    %dma_start3A_69 = tpu.memref_slice %dma_start3A_66[%dma_start3A_67, %dma_start3A_68] : memref<10000x128xf32, #tpu.memory_space<hbm>> -> memref<10000x128xf32, #tpu.memory_space<hbm>>
    tpu.enqueue_indirect_dma source(%dma_start3A_69 : memref<10000x128xf32, #tpu.memory_space<hbm>>) target(%arg17 : memref<80x128xf32, #tpu.memory_space<vmem>>) offsets(%arg9 : memref<80xi32, #tpu.memory_space<vmem>>) semaphore(%arg22 : memref<!tpu.dma_semaphore, #tpu.memory_space<semaphore_mem>>)
    %dma_start3A_70 = arith.constant 0 : i32
    %dma_start3A_71 = tpu.memref_slice %arg2[%mul3A_2, %dma_start3A_70] : memref<20000x128xf32, #tpu.memory_space<hbm>> -> memref<10000x128xf32, #tpu.memory_space<hbm>>
    %dma_start3A_72 = arith.constant 0 : i32
    %dma_start3A_73 = arith.constant 0 : i32
    %dma_start3A_74 = tpu.memref_slice %dma_start3A_71[%dma_start3A_72, %dma_start3A_73] : memref<10000x128xf32, #tpu.memory_space<hbm>> -> memref<10000x128xf32, #tpu.memory_space<hbm>>
    tpu.enqueue_indirect_dma source(%dma_start3A_74 : memref<10000x128xf32, #tpu.memory_space<hbm>>) target(%arg18 : memref<80x128xf32, #tpu.memory_space<vmem>>) offsets(%arg10 : memref<80xi32, #tpu.memory_space<vmem>>) semaphore(%arg22 : memref<!tpu.dma_semaphore, #tpu.memory_space<semaphore_mem>>)
    %dma_wait3A_75 = arith.constant 0 : i32
    %dma_wait3A_76 = tpu.memref_slice %arg2[%mul3A_2, %dma_wait3A_75] : memref<20000x128xf32, #tpu.memory_space<hbm>> -> memref<10000x128xf32, #tpu.memory_space<hbm>>
    %dma_wait3A_77 = arith.constant 0 : i32
    %dma_wait3A_78 = arith.constant 0 : i32
    %dma_wait3A_79 = tpu.memref_slice %dma_wait3A_76[%dma_wait3A_77, %dma_wait3A_78] : memref<10000x128xf32, #tpu.memory_space<hbm>> -> memref<10000x128xf32, #tpu.memory_space<hbm>>
    tpu.wait_indirect_dma semaphore(%arg21 : memref<!tpu.dma_semaphore, #tpu.memory_space<semaphore_mem>>) src(%dma_wait3A_79 : memref<10000x128xf32, #tpu.memory_space<hbm>>) dst(%arg15 : memref<80x128xf32, #tpu.memory_space<vmem>>)
    %dma_wait3A_80 = arith.constant 0 : i32
    %dma_wait3A_81 = tpu.memref_slice %arg2[%mul3A_2, %dma_wait3A_80] : memref<20000x128xf32, #tpu.memory_space<hbm>> -> memref<10000x128xf32, #tpu.memory_space<hbm>>
    %dma_wait3A_82 = arith.constant 0 : i32
    %dma_wait3A_83 = arith.constant 0 : i32
    %dma_wait3A_84 = tpu.memref_slice %dma_wait3A_81[%dma_wait3A_82, %dma_wait3A_83] : memref<10000x128xf32, #tpu.memory_space<hbm>> -> memref<10000x128xf32, #tpu.memory_space<hbm>>
    tpu.wait_indirect_dma semaphore(%arg21 : memref<!tpu.dma_semaphore, #tpu.memory_space<semaphore_mem>>) src(%dma_wait3A_84 : memref<10000x128xf32, #tpu.memory_space<hbm>>) dst(%arg16 : memref<80x128xf32, #tpu.memory_space<vmem>>)
    "tpu.region"() ({
      %run_scoped3A = tpu.sem_alloc : memref<!tpu.dma_semaphore, #tpu.memory_space<semaphore_mem>>
      %dma_start3A_124 = arith.constant 0 : i32
      %dma_start3A_125 = arith.constant 0 : i32
      %dma_start3A_126 = tpu.memref_slice %arg19[%dma_start3A_124, %dma_start3A_125] : memref<10240x128xf32, #tpu.memory_space<vmem_shared>> -> memref<10240x128xf32, #tpu.memory_space<vmem_shared>>
      tpu.enqueue_indirect_dma source(%arg15 : memref<80x128xf32, #tpu.memory_space<vmem>>) target(%dma_start3A_126 : memref<10240x128xf32, #tpu.memory_space<vmem_shared>>) offsets(%arg11 : memref<80xi32, #tpu.memory_space<vmem>>) semaphore(%run_scoped3A : memref<!tpu.dma_semaphore, #tpu.memory_space<semaphore_mem>>) {add = true}
      %dma_wait3A_127 = arith.constant 0 : i32
      %dma_wait3A_128 = arith.constant 0 : i32
      %dma_wait3A_129 = tpu.memref_slice %arg19[%dma_wait3A_127, %dma_wait3A_128] : memref<10240x128xf32, #tpu.memory_space<vmem_shared>> -> memref<10240x128xf32, #tpu.memory_space<vmem_shared>>
      tpu.wait_indirect_dma semaphore(%run_scoped3A : memref<!tpu.dma_semaphore, #tpu.memory_space<semaphore_mem>>) src(%arg15 : memref<80x128xf32, #tpu.memory_space<vmem>>) dst(%dma_wait3A_129 : memref<10240x128xf32, #tpu.memory_space<vmem_shared>>)
      tpu.yield
    }) : () -> ()
    "tpu.region"() ({
      %run_scoped3A = tpu.sem_alloc : memref<!tpu.dma_semaphore, #tpu.memory_space<semaphore_mem>>
      %dma_start3A_124 = arith.constant 0 : i32
      %dma_start3A_125 = arith.constant 0 : i32
      %dma_start3A_126 = tpu.memref_slice %arg19[%dma_start3A_124, %dma_start3A_125] : memref<10240x128xf32, #tpu.memory_space<vmem_shared>> -> memref<10240x128xf32, #tpu.memory_space<vmem_shared>>
      tpu.enqueue_indirect_dma source(%arg16 : memref<80x128xf32, #tpu.memory_space<vmem>>) target(%dma_start3A_126 : memref<10240x128xf32, #tpu.memory_space<vmem_shared>>) offsets(%arg12 : memref<80xi32, #tpu.memory_space<vmem>>) semaphore(%run_scoped3A : memref<!tpu.dma_semaphore, #tpu.memory_space<semaphore_mem>>) {add = true}
      %dma_wait3A_127 = arith.constant 0 : i32
      %dma_wait3A_128 = arith.constant 0 : i32
      %dma_wait3A_129 = tpu.memref_slice %arg19[%dma_wait3A_127, %dma_wait3A_128] : memref<10240x128xf32, #tpu.memory_space<vmem_shared>> -> memref<10240x128xf32, #tpu.memory_space<vmem_shared>>
      tpu.wait_indirect_dma semaphore(%run_scoped3A : memref<!tpu.dma_semaphore, #tpu.memory_space<semaphore_mem>>) src(%arg16 : memref<80x128xf32, #tpu.memory_space<vmem>>) dst(%dma_wait3A_129 : memref<10240x128xf32, #tpu.memory_space<vmem_shared>>)
      tpu.yield
    }) : () -> ()
    %dma_wait3A_85 = arith.constant 0 : i32
    %dma_wait3A_86 = tpu.memref_slice %arg2[%mul3A_2, %dma_wait3A_85] : memref<20000x128xf32, #tpu.memory_space<hbm>> -> memref<10000x128xf32, #tpu.memory_space<hbm>>
    %dma_wait3A_87 = arith.constant 0 : i32
    %dma_wait3A_88 = arith.constant 0 : i32
    %dma_wait3A_89 = tpu.memref_slice %dma_wait3A_86[%dma_wait3A_87, %dma_wait3A_88] : memref<10000x128xf32, #tpu.memory_space<hbm>> -> memref<10000x128xf32, #tpu.memory_space<hbm>>
    tpu.wait_indirect_dma semaphore(%arg22 : memref<!tpu.dma_semaphore, #tpu.memory_space<semaphore_mem>>) src(%dma_wait3A_89 : memref<10000x128xf32, #tpu.memory_space<hbm>>) dst(%arg17 : memref<80x128xf32, #tpu.memory_space<vmem>>)
    %dma_wait3A_90 = arith.constant 0 : i32
    %dma_wait3A_91 = tpu.memref_slice %arg2[%mul3A_2, %dma_wait3A_90] : memref<20000x128xf32, #tpu.memory_space<hbm>> -> memref<10000x128xf32, #tpu.memory_space<hbm>>
    %dma_wait3A_92 = arith.constant 0 : i32
    %dma_wait3A_93 = arith.constant 0 : i32
    %dma_wait3A_94 = tpu.memref_slice %dma_wait3A_91[%dma_wait3A_92, %dma_wait3A_93] : memref<10000x128xf32, #tpu.memory_space<hbm>> -> memref<10000x128xf32, #tpu.memory_space<hbm>>
    tpu.wait_indirect_dma semaphore(%arg22 : memref<!tpu.dma_semaphore, #tpu.memory_space<semaphore_mem>>) src(%dma_wait3A_94 : memref<10000x128xf32, #tpu.memory_space<hbm>>) dst(%arg18 : memref<80x128xf32, #tpu.memory_space<vmem>>)
    "tpu.region"() ({
      %run_scoped3A = tpu.sem_alloc : memref<!tpu.dma_semaphore, #tpu.memory_space<semaphore_mem>>
      %dma_start3A_124 = arith.constant 0 : i32
      %dma_start3A_125 = arith.constant 0 : i32
      %dma_start3A_126 = tpu.memref_slice %arg19[%dma_start3A_124, %dma_start3A_125] : memref<10240x128xf32, #tpu.memory_space<vmem_shared>> -> memref<10240x128xf32, #tpu.memory_space<vmem_shared>>
      tpu.enqueue_indirect_dma source(%arg17 : memref<80x128xf32, #tpu.memory_space<vmem>>) target(%dma_start3A_126 : memref<10240x128xf32, #tpu.memory_space<vmem_shared>>) offsets(%arg13 : memref<80xi32, #tpu.memory_space<vmem>>) semaphore(%run_scoped3A : memref<!tpu.dma_semaphore, #tpu.memory_space<semaphore_mem>>) {add = true}
      %dma_wait3A_127 = arith.constant 0 : i32
      %dma_wait3A_128 = arith.constant 0 : i32
      %dma_wait3A_129 = tpu.memref_slice %arg19[%dma_wait3A_127, %dma_wait3A_128] : memref<10240x128xf32, #tpu.memory_space<vmem_shared>> -> memref<10240x128xf32, #tpu.memory_space<vmem_shared>>
      tpu.wait_indirect_dma semaphore(%run_scoped3A : memref<!tpu.dma_semaphore, #tpu.memory_space<semaphore_mem>>) src(%arg17 : memref<80x128xf32, #tpu.memory_space<vmem>>) dst(%dma_wait3A_129 : memref<10240x128xf32, #tpu.memory_space<vmem_shared>>)
      tpu.yield
    }) : () -> ()
    "tpu.region"() ({
      %run_scoped3A = tpu.sem_alloc : memref<!tpu.dma_semaphore, #tpu.memory_space<semaphore_mem>>
      %dma_start3A_124 = arith.constant 0 : i32
      %dma_start3A_125 = arith.constant 0 : i32
      %dma_start3A_126 = tpu.memref_slice %arg19[%dma_start3A_124, %dma_start3A_125] : memref<10240x128xf32, #tpu.memory_space<vmem_shared>> -> memref<10240x128xf32, #tpu.memory_space<vmem_shared>>
      tpu.enqueue_indirect_dma source(%arg18 : memref<80x128xf32, #tpu.memory_space<vmem>>) target(%dma_start3A_126 : memref<10240x128xf32, #tpu.memory_space<vmem_shared>>) offsets(%arg14 : memref<80xi32, #tpu.memory_space<vmem>>) semaphore(%run_scoped3A : memref<!tpu.dma_semaphore, #tpu.memory_space<semaphore_mem>>) {add = true}
      %dma_wait3A_127 = arith.constant 0 : i32
      %dma_wait3A_128 = arith.constant 0 : i32
      %dma_wait3A_129 = tpu.memref_slice %arg19[%dma_wait3A_127, %dma_wait3A_128] : memref<10240x128xf32, #tpu.memory_space<vmem_shared>> -> memref<10240x128xf32, #tpu.memory_space<vmem_shared>>
      tpu.wait_indirect_dma semaphore(%run_scoped3A : memref<!tpu.dma_semaphore, #tpu.memory_space<semaphore_mem>>) src(%arg18 : memref<80x128xf32, #tpu.memory_space<vmem>>) dst(%dma_wait3A_129 : memref<10240x128xf32, #tpu.memory_space<vmem_shared>>)
      tpu.yield
    }) : () -> ()
    %add3A_95 = arith.constant 9920 : i32
    %add3A_96 = arith.addi %mul3A_4, %add3A_95 : i32
    %add3A_97 = arith.constant 0 : i32
    %add3A_98 = arith.addi %add3A_96, %add3A_97 : i32
    %dma_start3A_99 = tpu.memref_slice %arg3[%add3A_98] : memref<160000xi32, #tpu.memory_space<hbm>> -> memref<80xi32, #tpu.memory_space<hbm>>
    %dma_start3A_100 = tpu.memref_slice %arg3[%add3A_98] : memref<160000xi32, #tpu.memory_space<hbm>> -> memref<80xi32, #tpu.memory_space<hbm>>
    tpu.enqueue_dma source(%dma_start3A_100 : memref<80xi32, #tpu.memory_space<hbm>>) target(%arg9 : memref<80xi32, #tpu.memory_space<vmem>>) target_semaphore(%arg20 : memref<!tpu.dma_semaphore, #tpu.memory_space<semaphore_mem>>)
    %dma_start3A_101 = tpu.memref_slice %arg4[%add3A_98] : memref<160000xi32, #tpu.memory_space<hbm>> -> memref<80xi32, #tpu.memory_space<hbm>>
    %dma_start3A_102 = tpu.memref_slice %arg4[%add3A_98] : memref<160000xi32, #tpu.memory_space<hbm>> -> memref<80xi32, #tpu.memory_space<hbm>>
    tpu.enqueue_dma source(%dma_start3A_102 : memref<80xi32, #tpu.memory_space<hbm>>) target(%arg13 : memref<80xi32, #tpu.memory_space<vmem>>) target_semaphore(%arg20 : memref<!tpu.dma_semaphore, #tpu.memory_space<semaphore_mem>>)
    %dma_wait3A_103 = tpu.memref_slice %arg3[%mul3A_4] : memref<160000xi32, #tpu.memory_space<hbm>> -> memref<80xi32, #tpu.memory_space<hbm>>
    %dma_wait3A_104 = tpu.memref_slice %arg3[%mul3A_4] : memref<160000xi32, #tpu.memory_space<hbm>> -> memref<80xi32, #tpu.memory_space<hbm>>
    tpu.wait_dma2 semaphore(%arg20 : memref<!tpu.dma_semaphore, #tpu.memory_space<semaphore_mem>>) src(%dma_wait3A_104 : memref<80xi32, #tpu.memory_space<hbm>>) dst(%arg9 : memref<80xi32, #tpu.memory_space<vmem>>)
    %dma_wait3A_105 = tpu.memref_slice %arg4[%mul3A_4] : memref<160000xi32, #tpu.memory_space<hbm>> -> memref<80xi32, #tpu.memory_space<hbm>>
    %dma_wait3A_106 = tpu.memref_slice %arg4[%mul3A_4] : memref<160000xi32, #tpu.memory_space<hbm>> -> memref<80xi32, #tpu.memory_space<hbm>>
    tpu.wait_dma2 semaphore(%arg20 : memref<!tpu.dma_semaphore, #tpu.memory_space<semaphore_mem>>) src(%dma_wait3A_106 : memref<80xi32, #tpu.memory_space<hbm>>) dst(%arg13 : memref<80xi32, #tpu.memory_space<vmem>>)
    %dma_start3A_107 = arith.constant 0 : i32
    %dma_start3A_108 = tpu.memref_slice %arg2[%mul3A_2, %dma_start3A_107] : memref<20000x128xf32, #tpu.memory_space<hbm>> -> memref<10000x128xf32, #tpu.memory_space<hbm>>
    %dma_start3A_109 = arith.constant 0 : i32
    %dma_start3A_110 = arith.constant 0 : i32
    %dma_start3A_111 = tpu.memref_slice %dma_start3A_108[%dma_start3A_109, %dma_start3A_110] : memref<10000x128xf32, #tpu.memory_space<hbm>> -> memref<10000x128xf32, #tpu.memory_space<hbm>>
    tpu.enqueue_indirect_dma source(%dma_start3A_111 : memref<10000x128xf32, #tpu.memory_space<hbm>>) target(%arg17 : memref<80x128xf32, #tpu.memory_space<vmem>>) offsets(%arg9 : memref<80xi32, #tpu.memory_space<vmem>>) semaphore(%arg22 : memref<!tpu.dma_semaphore, #tpu.memory_space<semaphore_mem>>)
    %dma_wait3A_112 = arith.constant 0 : i32
    %dma_wait3A_113 = tpu.memref_slice %arg2[%mul3A_2, %dma_wait3A_112] : memref<20000x128xf32, #tpu.memory_space<hbm>> -> memref<10000x128xf32, #tpu.memory_space<hbm>>
    %dma_wait3A_114 = arith.constant 0 : i32
    %dma_wait3A_115 = arith.constant 0 : i32
    %dma_wait3A_116 = tpu.memref_slice %dma_wait3A_113[%dma_wait3A_114, %dma_wait3A_115] : memref<10000x128xf32, #tpu.memory_space<hbm>> -> memref<10000x128xf32, #tpu.memory_space<hbm>>
    tpu.wait_indirect_dma semaphore(%arg22 : memref<!tpu.dma_semaphore, #tpu.memory_space<semaphore_mem>>) src(%dma_wait3A_116 : memref<10000x128xf32, #tpu.memory_space<hbm>>) dst(%arg17 : memref<80x128xf32, #tpu.memory_space<vmem>>)
    "tpu.region"() ({
      %run_scoped3A = tpu.sem_alloc : memref<!tpu.dma_semaphore, #tpu.memory_space<semaphore_mem>>
      %dma_start3A_124 = arith.constant 0 : i32
      %dma_start3A_125 = arith.constant 0 : i32
      %dma_start3A_126 = tpu.memref_slice %arg19[%dma_start3A_124, %dma_start3A_125] : memref<10240x128xf32, #tpu.memory_space<vmem_shared>> -> memref<10240x128xf32, #tpu.memory_space<vmem_shared>>
      tpu.enqueue_indirect_dma source(%arg17 : memref<80x128xf32, #tpu.memory_space<vmem>>) target(%dma_start3A_126 : memref<10240x128xf32, #tpu.memory_space<vmem_shared>>) offsets(%arg13 : memref<80xi32, #tpu.memory_space<vmem>>) semaphore(%run_scoped3A : memref<!tpu.dma_semaphore, #tpu.memory_space<semaphore_mem>>) {add = true}
      %dma_wait3A_127 = arith.constant 0 : i32
      %dma_wait3A_128 = arith.constant 0 : i32
      %dma_wait3A_129 = tpu.memref_slice %arg19[%dma_wait3A_127, %dma_wait3A_128] : memref<10240x128xf32, #tpu.memory_space<vmem_shared>> -> memref<10240x128xf32, #tpu.memory_space<vmem_shared>>
      tpu.wait_indirect_dma semaphore(%run_scoped3A : memref<!tpu.dma_semaphore, #tpu.memory_space<semaphore_mem>>) src(%arg17 : memref<80x128xf32, #tpu.memory_space<vmem>>) dst(%dma_wait3A_129 : memref<10240x128xf32, #tpu.memory_space<vmem_shared>>)
      tpu.yield
    }) : () -> ()
    %barrier3A_117 = arith.constant 0 : index
    tpu.barrier barrier_id(%barrier3A_117)
    %lt3A = arith.constant 15 : i32
    %lt3A_118 = arith.cmpi slt, %arg1, %lt3A : i32
    %convert_element_type3A = arith.extui %lt3A_118 : i1 to i32
    %cond3A = arith.constant 0 : i32
    %cond3A_119 = arith.cmpi ne, %convert_element_type3A, %cond3A : i32
    scf.if %cond3A_119 {
      %mul3A_124 = arith.constant 640 : i32
      %mul3A_125 = arith.muli %arg1, %mul3A_124 : i32
      %mul3A_126 = arith.constant 10000 : i32
      %mul3A_127 = arith.muli %arg0, %mul3A_126 : i32
      %mul3A_128 = arith.constant 640 : i32
      %mul3A_129 = arith.muli %arg1, %mul3A_128 : i32
      %add3A_130 = arith.addi %mul3A_127, %mul3A_129 : i32
      "tpu.region"() ({
        %run_scoped3A = tpu.sem_alloc : memref<!tpu.dma_semaphore, #tpu.memory_space<semaphore_mem>>
        %dma_start3A_131 = arith.constant 0 : i32
        %dma_start3A_132 = tpu.memref_slice %arg6[%add3A_130, %dma_start3A_131] : memref<20000x128xf32, #tpu.memory_space<hbm>> -> memref<640x128xf32, #tpu.memory_space<hbm>>
        %dma_start3A_133 = arith.constant 0 : i32
        %dma_start3A_134 = tpu.memref_slice %arg19[%mul3A_125, %dma_start3A_133] : memref<10240x128xf32, #tpu.memory_space<vmem_shared>> -> memref<640x128xf32, #tpu.memory_space<vmem_shared>>
        tpu.enqueue_dma source(%dma_start3A_134 : memref<640x128xf32, #tpu.memory_space<vmem_shared>>) target(%dma_start3A_132 : memref<640x128xf32, #tpu.memory_space<hbm>>) target_semaphore(%run_scoped3A : memref<!tpu.dma_semaphore, #tpu.memory_space<semaphore_mem>>)
        %dma_wait3A_135 = arith.constant 0 : i32
        %dma_wait3A_136 = tpu.memref_slice %arg6[%add3A_130, %dma_wait3A_135] : memref<20000x128xf32, #tpu.memory_space<hbm>> -> memref<640x128xf32, #tpu.memory_space<hbm>>
        %dma_wait3A_137 = arith.constant 0 : i32
        %dma_wait3A_138 = tpu.memref_slice %arg19[%mul3A_125, %dma_wait3A_137] : memref<10240x128xf32, #tpu.memory_space<vmem_shared>> -> memref<640x128xf32, #tpu.memory_space<vmem_shared>>
        tpu.wait_dma2 semaphore(%run_scoped3A : memref<!tpu.dma_semaphore, #tpu.memory_space<semaphore_mem>>) src(%dma_wait3A_138 : memref<640x128xf32, #tpu.memory_space<vmem_shared>>) dst(%dma_wait3A_136 : memref<640x128xf32, #tpu.memory_space<hbm>>)
        tpu.yield
      }) : () -> ()
    } else {
    }
    %eq3A = arith.constant 15 : i32
    %eq3A_120 = arith.cmpi eq, %arg1, %eq3A : i32
    %convert_element_type3A_121 = arith.extui %eq3A_120 : i1 to i32
    %cond3A_122 = arith.constant 0 : i32
    %cond3A_123 = arith.cmpi ne, %convert_element_type3A_121, %cond3A_122 : i32
    scf.if %cond3A_123 {
      %mul3A_124 = arith.constant 10000 : i32
      %mul3A_125 = arith.muli %arg0, %mul3A_124 : i32
      %add3A_126 = arith.constant 9600 : i32
      %add3A_127 = arith.addi %mul3A_125, %add3A_126 : i32
      "tpu.region"() ({
        %run_scoped3A = tpu.sem_alloc : memref<!tpu.dma_semaphore, #tpu.memory_space<semaphore_mem>>
        %dma_start3A_128 = arith.constant 0 : i32
        %dma_start3A_129 = tpu.memref_slice %arg6[%add3A_127, %dma_start3A_128] : memref<20000x128xf32, #tpu.memory_space<hbm>> -> memref<400x128xf32, #tpu.memory_space<hbm>>
        %dma_start3A_130 = arith.constant 9600 : i32
        %dma_start3A_131 = arith.constant 0 : i32
        %dma_start3A_132 = tpu.memref_slice %arg19[%dma_start3A_130, %dma_start3A_131] : memref<10240x128xf32, #tpu.memory_space<vmem_shared>> -> memref<400x128xf32, #tpu.memory_space<vmem_shared>>
        tpu.enqueue_dma source(%dma_start3A_132 : memref<400x128xf32, #tpu.memory_space<vmem_shared>>) target(%dma_start3A_129 : memref<400x128xf32, #tpu.memory_space<hbm>>) target_semaphore(%run_scoped3A : memref<!tpu.dma_semaphore, #tpu.memory_space<semaphore_mem>>)
        %dma_wait3A_133 = arith.constant 0 : i32
        %dma_wait3A_134 = tpu.memref_slice %arg6[%add3A_127, %dma_wait3A_133] : memref<20000x128xf32, #tpu.memory_space<hbm>> -> memref<400x128xf32, #tpu.memory_space<hbm>>
        %dma_wait3A_135 = arith.constant 9600 : i32
        %dma_wait3A_136 = arith.constant 0 : i32
        %dma_wait3A_137 = tpu.memref_slice %arg19[%dma_wait3A_135, %dma_wait3A_136] : memref<10240x128xf32, #tpu.memory_space<vmem_shared>> -> memref<400x128xf32, #tpu.memory_space<vmem_shared>>
        tpu.wait_dma2 semaphore(%run_scoped3A : memref<!tpu.dma_semaphore, #tpu.memory_space<semaphore_mem>>) src(%dma_wait3A_137 : memref<400x128xf32, #tpu.memory_space<vmem_shared>>) dst(%dma_wait3A_134 : memref<400x128xf32, #tpu.memory_space<hbm>>)
        tpu.yield
      }) : () -> ()
    } else {
    }
    return
  }
}

#map = affine_map<(d0, d1) -> (0, 0)>
#map1 = affine_map<(d0, d1) -> (0)>
module attributes {stable_mosaic.version = 14 : i64} {
  func.func @k(%arg0: i32, %arg1: i32, %arg2: memref<10000x128xf32, #tpu.memory_space<hbm>>, %arg3: memref<160000xi32, #tpu.memory_space<hbm>>, %arg4: memref<160000xi32, #tpu.memory_space<hbm>>, %arg5: memref<640x128xf32, #tpu.memory_space<hbm>>, %arg6: memref<20000x128xf32, #tpu.memory_space<hbm>>, %arg7: memref<40xi32, #tpu.memory_space<vmem>>, %arg8: memref<40xi32, #tpu.memory_space<vmem>>, %arg9: memref<40xi32, #tpu.memory_space<vmem>>, %arg10: memref<40xi32, #tpu.memory_space<vmem>>, %arg11: memref<40xi32, #tpu.memory_space<vmem>>, %arg12: memref<40xi32, #tpu.memory_space<vmem>>, %arg13: memref<40xi32, #tpu.memory_space<vmem>>, %arg14: memref<40xi32, #tpu.memory_space<vmem>>, %arg15: memref<40xi32, #tpu.memory_space<vmem>>, %arg16: memref<40xi32, #tpu.memory_space<vmem>>, %arg17: memref<40xi32, #tpu.memory_space<vmem>>, %arg18: memref<40xi32, #tpu.memory_space<vmem>>, %arg19: memref<40xi32, #tpu.memory_space<vmem>>, %arg20: memref<40xi32, #tpu.memory_space<vmem>>, %arg21: memref<40xi32, #tpu.memory_space<vmem>>, %arg22: memref<40xi32, #tpu.memory_space<vmem>>, %arg23: memref<40x128xf32, #tpu.memory_space<vmem>>, %arg24: memref<40x128xf32, #tpu.memory_space<vmem>>, %arg25: memref<40x128xf32, #tpu.memory_space<vmem>>, %arg26: memref<40x128xf32, #tpu.memory_space<vmem>>, %arg27: memref<40x128xf32, #tpu.memory_space<vmem>>, %arg28: memref<40x128xf32, #tpu.memory_space<vmem>>, %arg29: memref<40x128xf32, #tpu.memory_space<vmem>>, %arg30: memref<40x128xf32, #tpu.memory_space<vmem>>, %arg31: memref<10240x128xf32, #tpu.memory_space<vmem_shared>>, %arg32: memref<!tpu.dma_semaphore, #tpu.memory_space<semaphore_mem>>, %arg33: memref<!tpu.dma_semaphore, #tpu.memory_space<semaphore_mem>>, %arg34: memref<!tpu.dma_semaphore, #tpu.memory_space<semaphore_mem>>) attributes {dimension_semantics = [#tpu.dimension_semantics<core_parallel>, #tpu.dimension_semantics<subcore_parallel>], iteration_bounds = array<i64: 2, 16>, scalar_prefetch = 0 : i64, scratch_operands = 28 : i64, tpu.core_type = #tpu.core_type<sc_vector_subcore>, window_params = [{transform_indices = #map}, {transform_indices = #map1}, {transform_indices = #map1}, {transform_indices = #map}, {transform_indices = #map}]} {
    %mul3A = arith.constant 16 : i32
    %mul3A_0 = arith.muli %arg0, %mul3A : i32
    %add3A = arith.addi %mul3A_0, %arg1 : i32
    %mul3A_1 = arith.constant 640 : i32
    %mul3A_2 = arith.muli %arg1, %mul3A_1 : i32
    "tpu.region"() ({
      %run_scoped3A = tpu.sem_alloc : memref<!tpu.dma_semaphore, #tpu.memory_space<semaphore_mem>>
      %dma_start3A_153 = arith.constant 0 : i32
      %dma_start3A_154 = tpu.memref_slice %arg31[%mul3A_2, %dma_start3A_153] : memref<10240x128xf32, #tpu.memory_space<vmem_shared>> -> memref<640x128xf32, #tpu.memory_space<vmem_shared>>
      tpu.enqueue_dma source(%arg5 : memref<640x128xf32, #tpu.memory_space<hbm>>) target(%dma_start3A_154 : memref<640x128xf32, #tpu.memory_space<vmem_shared>>) target_semaphore(%run_scoped3A : memref<!tpu.dma_semaphore, #tpu.memory_space<semaphore_mem>>)
      %dma_wait3A_155 = arith.constant 0 : i32
      %dma_wait3A_156 = tpu.memref_slice %arg31[%mul3A_2, %dma_wait3A_155] : memref<10240x128xf32, #tpu.memory_space<vmem_shared>> -> memref<640x128xf32, #tpu.memory_space<vmem_shared>>
      tpu.wait_dma2 semaphore(%run_scoped3A : memref<!tpu.dma_semaphore, #tpu.memory_space<semaphore_mem>>) src(%arg5 : memref<640x128xf32, #tpu.memory_space<hbm>>) dst(%dma_wait3A_156 : memref<640x128xf32, #tpu.memory_space<vmem_shared>>)
      tpu.yield
    }) : () -> ()
    %barrier3A = arith.constant 0 : index
    tpu.barrier barrier_id(%barrier3A)
    %mul3A_3 = arith.constant 5000 : i32
    %mul3A_4 = arith.muli %add3A, %mul3A_3 : i32
    %add3A_5 = arith.constant 0 : i32
    %add3A_6 = arith.addi %mul3A_4, %add3A_5 : i32
    %add3A_7 = arith.constant 0 : i32
    %add3A_8 = arith.addi %add3A_6, %add3A_7 : i32
    %dma_start3A = tpu.memref_slice %arg3[%add3A_8] : memref<160000xi32, #tpu.memory_space<hbm>> -> memref<40xi32, #tpu.memory_space<hbm>>
    %dma_start3A_9 = tpu.memref_slice %arg3[%add3A_8] : memref<160000xi32, #tpu.memory_space<hbm>> -> memref<40xi32, #tpu.memory_space<hbm>>
    tpu.enqueue_dma source(%dma_start3A_9 : memref<40xi32, #tpu.memory_space<hbm>>) target(%arg7 : memref<40xi32, #tpu.memory_space<vmem>>) target_semaphore(%arg32 : memref<!tpu.dma_semaphore, #tpu.memory_space<semaphore_mem>>)
    %dma_start3A_10 = tpu.memref_slice %arg4[%add3A_8] : memref<160000xi32, #tpu.memory_space<hbm>> -> memref<40xi32, #tpu.memory_space<hbm>>
    %dma_start3A_11 = tpu.memref_slice %arg4[%add3A_8] : memref<160000xi32, #tpu.memory_space<hbm>> -> memref<40xi32, #tpu.memory_space<hbm>>
    tpu.enqueue_dma source(%dma_start3A_11 : memref<40xi32, #tpu.memory_space<hbm>>) target(%arg15 : memref<40xi32, #tpu.memory_space<vmem>>) target_semaphore(%arg32 : memref<!tpu.dma_semaphore, #tpu.memory_space<semaphore_mem>>)
    %add3A_12 = arith.constant 0 : i32
    %add3A_13 = arith.addi %mul3A_4, %add3A_12 : i32
    %add3A_14 = arith.constant 40 : i32
    %add3A_15 = arith.addi %add3A_13, %add3A_14 : i32
    %dma_start3A_16 = tpu.memref_slice %arg3[%add3A_15] : memref<160000xi32, #tpu.memory_space<hbm>> -> memref<40xi32, #tpu.memory_space<hbm>>
    %dma_start3A_17 = tpu.memref_slice %arg3[%add3A_15] : memref<160000xi32, #tpu.memory_space<hbm>> -> memref<40xi32, #tpu.memory_space<hbm>>
    tpu.enqueue_dma source(%dma_start3A_17 : memref<40xi32, #tpu.memory_space<hbm>>) target(%arg8 : memref<40xi32, #tpu.memory_space<vmem>>) target_semaphore(%arg32 : memref<!tpu.dma_semaphore, #tpu.memory_space<semaphore_mem>>)
    %dma_start3A_18 = tpu.memref_slice %arg4[%add3A_15] : memref<160000xi32, #tpu.memory_space<hbm>> -> memref<40xi32, #tpu.memory_space<hbm>>
    %dma_start3A_19 = tpu.memref_slice %arg4[%add3A_15] : memref<160000xi32, #tpu.memory_space<hbm>> -> memref<40xi32, #tpu.memory_space<hbm>>
    tpu.enqueue_dma source(%dma_start3A_19 : memref<40xi32, #tpu.memory_space<hbm>>) target(%arg16 : memref<40xi32, #tpu.memory_space<vmem>>) target_semaphore(%arg32 : memref<!tpu.dma_semaphore, #tpu.memory_space<semaphore_mem>>)
    %add3A_20 = arith.constant 0 : i32
    %add3A_21 = arith.addi %mul3A_4, %add3A_20 : i32
    %add3A_22 = arith.constant 80 : i32
    %add3A_23 = arith.addi %add3A_21, %add3A_22 : i32
    %dma_start3A_24 = tpu.memref_slice %arg3[%add3A_23] : memref<160000xi32, #tpu.memory_space<hbm>> -> memref<40xi32, #tpu.memory_space<hbm>>
    %dma_start3A_25 = tpu.memref_slice %arg3[%add3A_23] : memref<160000xi32, #tpu.memory_space<hbm>> -> memref<40xi32, #tpu.memory_space<hbm>>
    tpu.enqueue_dma source(%dma_start3A_25 : memref<40xi32, #tpu.memory_space<hbm>>) target(%arg9 : memref<40xi32, #tpu.memory_space<vmem>>) target_semaphore(%arg32 : memref<!tpu.dma_semaphore, #tpu.memory_space<semaphore_mem>>)
    %dma_start3A_26 = tpu.memref_slice %arg4[%add3A_23] : memref<160000xi32, #tpu.memory_space<hbm>> -> memref<40xi32, #tpu.memory_space<hbm>>
    %dma_start3A_27 = tpu.memref_slice %arg4[%add3A_23] : memref<160000xi32, #tpu.memory_space<hbm>> -> memref<40xi32, #tpu.memory_space<hbm>>
    tpu.enqueue_dma source(%dma_start3A_27 : memref<40xi32, #tpu.memory_space<hbm>>) target(%arg17 : memref<40xi32, #tpu.memory_space<vmem>>) target_semaphore(%arg32 : memref<!tpu.dma_semaphore, #tpu.memory_space<semaphore_mem>>)
    %add3A_28 = arith.constant 0 : i32
    %add3A_29 = arith.addi %mul3A_4, %add3A_28 : i32
    %add3A_30 = arith.constant 120 : i32
    %add3A_31 = arith.addi %add3A_29, %add3A_30 : i32
    %dma_start3A_32 = tpu.memref_slice %arg3[%add3A_31] : memref<160000xi32, #tpu.memory_space<hbm>> -> memref<40xi32, #tpu.memory_space<hbm>>
    %dma_start3A_33 = tpu.memref_slice %arg3[%add3A_31] : memref<160000xi32, #tpu.memory_space<hbm>> -> memref<40xi32, #tpu.memory_space<hbm>>
    tpu.enqueue_dma source(%dma_start3A_33 : memref<40xi32, #tpu.memory_space<hbm>>) target(%arg10 : memref<40xi32, #tpu.memory_space<vmem>>) target_semaphore(%arg32 : memref<!tpu.dma_semaphore, #tpu.memory_space<semaphore_mem>>)
    %dma_start3A_34 = tpu.memref_slice %arg4[%add3A_31] : memref<160000xi32, #tpu.memory_space<hbm>> -> memref<40xi32, #tpu.memory_space<hbm>>
    %dma_start3A_35 = tpu.memref_slice %arg4[%add3A_31] : memref<160000xi32, #tpu.memory_space<hbm>> -> memref<40xi32, #tpu.memory_space<hbm>>
    tpu.enqueue_dma source(%dma_start3A_35 : memref<40xi32, #tpu.memory_space<hbm>>) target(%arg18 : memref<40xi32, #tpu.memory_space<vmem>>) target_semaphore(%arg32 : memref<!tpu.dma_semaphore, #tpu.memory_space<semaphore_mem>>)
    %dma_wait3A = tpu.memref_slice %arg3[%mul3A_4] : memref<160000xi32, #tpu.memory_space<hbm>> -> memref<40xi32, #tpu.memory_space<hbm>>
    %dma_wait3A_36 = tpu.memref_slice %arg3[%mul3A_4] : memref<160000xi32, #tpu.memory_space<hbm>> -> memref<40xi32, #tpu.memory_space<hbm>>
    tpu.wait_dma2 semaphore(%arg32 : memref<!tpu.dma_semaphore, #tpu.memory_space<semaphore_mem>>) src(%dma_wait3A_36 : memref<40xi32, #tpu.memory_space<hbm>>) dst(%arg7 : memref<40xi32, #tpu.memory_space<vmem>>)
    %dma_wait3A_37 = tpu.memref_slice %arg4[%mul3A_4] : memref<160000xi32, #tpu.memory_space<hbm>> -> memref<40xi32, #tpu.memory_space<hbm>>
    %dma_wait3A_38 = tpu.memref_slice %arg4[%mul3A_4] : memref<160000xi32, #tpu.memory_space<hbm>> -> memref<40xi32, #tpu.memory_space<hbm>>
    tpu.wait_dma2 semaphore(%arg32 : memref<!tpu.dma_semaphore, #tpu.memory_space<semaphore_mem>>) src(%dma_wait3A_38 : memref<40xi32, #tpu.memory_space<hbm>>) dst(%arg15 : memref<40xi32, #tpu.memory_space<vmem>>)
    %dma_wait3A_39 = tpu.memref_slice %arg3[%mul3A_4] : memref<160000xi32, #tpu.memory_space<hbm>> -> memref<40xi32, #tpu.memory_space<hbm>>
    %dma_wait3A_40 = tpu.memref_slice %arg3[%mul3A_4] : memref<160000xi32, #tpu.memory_space<hbm>> -> memref<40xi32, #tpu.memory_space<hbm>>
    tpu.wait_dma2 semaphore(%arg32 : memref<!tpu.dma_semaphore, #tpu.memory_space<semaphore_mem>>) src(%dma_wait3A_40 : memref<40xi32, #tpu.memory_space<hbm>>) dst(%arg8 : memref<40xi32, #tpu.memory_space<vmem>>)
    %dma_wait3A_41 = tpu.memref_slice %arg4[%mul3A_4] : memref<160000xi32, #tpu.memory_space<hbm>> -> memref<40xi32, #tpu.memory_space<hbm>>
    %dma_wait3A_42 = tpu.memref_slice %arg4[%mul3A_4] : memref<160000xi32, #tpu.memory_space<hbm>> -> memref<40xi32, #tpu.memory_space<hbm>>
    tpu.wait_dma2 semaphore(%arg32 : memref<!tpu.dma_semaphore, #tpu.memory_space<semaphore_mem>>) src(%dma_wait3A_42 : memref<40xi32, #tpu.memory_space<hbm>>) dst(%arg16 : memref<40xi32, #tpu.memory_space<vmem>>)
    %dma_wait3A_43 = tpu.memref_slice %arg3[%mul3A_4] : memref<160000xi32, #tpu.memory_space<hbm>> -> memref<40xi32, #tpu.memory_space<hbm>>
    %dma_wait3A_44 = tpu.memref_slice %arg3[%mul3A_4] : memref<160000xi32, #tpu.memory_space<hbm>> -> memref<40xi32, #tpu.memory_space<hbm>>
    tpu.wait_dma2 semaphore(%arg32 : memref<!tpu.dma_semaphore, #tpu.memory_space<semaphore_mem>>) src(%dma_wait3A_44 : memref<40xi32, #tpu.memory_space<hbm>>) dst(%arg9 : memref<40xi32, #tpu.memory_space<vmem>>)
    %dma_wait3A_45 = tpu.memref_slice %arg4[%mul3A_4] : memref<160000xi32, #tpu.memory_space<hbm>> -> memref<40xi32, #tpu.memory_space<hbm>>
    %dma_wait3A_46 = tpu.memref_slice %arg4[%mul3A_4] : memref<160000xi32, #tpu.memory_space<hbm>> -> memref<40xi32, #tpu.memory_space<hbm>>
    tpu.wait_dma2 semaphore(%arg32 : memref<!tpu.dma_semaphore, #tpu.memory_space<semaphore_mem>>) src(%dma_wait3A_46 : memref<40xi32, #tpu.memory_space<hbm>>) dst(%arg17 : memref<40xi32, #tpu.memory_space<vmem>>)
    %dma_wait3A_47 = tpu.memref_slice %arg3[%mul3A_4] : memref<160000xi32, #tpu.memory_space<hbm>> -> memref<40xi32, #tpu.memory_space<hbm>>
    %dma_wait3A_48 = tpu.memref_slice %arg3[%mul3A_4] : memref<160000xi32, #tpu.memory_space<hbm>> -> memref<40xi32, #tpu.memory_space<hbm>>
    tpu.wait_dma2 semaphore(%arg32 : memref<!tpu.dma_semaphore, #tpu.memory_space<semaphore_mem>>) src(%dma_wait3A_48 : memref<40xi32, #tpu.memory_space<hbm>>) dst(%arg10 : memref<40xi32, #tpu.memory_space<vmem>>)
    %dma_wait3A_49 = tpu.memref_slice %arg4[%mul3A_4] : memref<160000xi32, #tpu.memory_space<hbm>> -> memref<40xi32, #tpu.memory_space<hbm>>
    %dma_wait3A_50 = tpu.memref_slice %arg4[%mul3A_4] : memref<160000xi32, #tpu.memory_space<hbm>> -> memref<40xi32, #tpu.memory_space<hbm>>
    tpu.wait_dma2 semaphore(%arg32 : memref<!tpu.dma_semaphore, #tpu.memory_space<semaphore_mem>>) src(%dma_wait3A_50 : memref<40xi32, #tpu.memory_space<hbm>>) dst(%arg18 : memref<40xi32, #tpu.memory_space<vmem>>)
    %dma_start3A_51 = arith.constant 0 : i32
    %dma_start3A_52 = arith.constant 0 : i32
    %dma_start3A_53 = tpu.memref_slice %arg2[%dma_start3A_51, %dma_start3A_52] : memref<10000x128xf32, #tpu.memory_space<hbm>> -> memref<10000x128xf32, #tpu.memory_space<hbm>>
    tpu.enqueue_indirect_dma source(%dma_start3A_53 : memref<10000x128xf32, #tpu.memory_space<hbm>>) target(%arg23 : memref<40x128xf32, #tpu.memory_space<vmem>>) offsets(%arg7 : memref<40xi32, #tpu.memory_space<vmem>>) semaphore(%arg33 : memref<!tpu.dma_semaphore, #tpu.memory_space<semaphore_mem>>)
    %dma_start3A_54 = arith.constant 0 : i32
    %dma_start3A_55 = arith.constant 0 : i32
    %dma_start3A_56 = tpu.memref_slice %arg2[%dma_start3A_54, %dma_start3A_55] : memref<10000x128xf32, #tpu.memory_space<hbm>> -> memref<10000x128xf32, #tpu.memory_space<hbm>>
    tpu.enqueue_indirect_dma source(%dma_start3A_56 : memref<10000x128xf32, #tpu.memory_space<hbm>>) target(%arg24 : memref<40x128xf32, #tpu.memory_space<vmem>>) offsets(%arg8 : memref<40xi32, #tpu.memory_space<vmem>>) semaphore(%arg33 : memref<!tpu.dma_semaphore, #tpu.memory_space<semaphore_mem>>)
    %dma_start3A_57 = arith.constant 0 : i32
    %dma_start3A_58 = arith.constant 0 : i32
    %dma_start3A_59 = tpu.memref_slice %arg2[%dma_start3A_57, %dma_start3A_58] : memref<10000x128xf32, #tpu.memory_space<hbm>> -> memref<10000x128xf32, #tpu.memory_space<hbm>>
    tpu.enqueue_indirect_dma source(%dma_start3A_59 : memref<10000x128xf32, #tpu.memory_space<hbm>>) target(%arg25 : memref<40x128xf32, #tpu.memory_space<vmem>>) offsets(%arg9 : memref<40xi32, #tpu.memory_space<vmem>>) semaphore(%arg33 : memref<!tpu.dma_semaphore, #tpu.memory_space<semaphore_mem>>)
    %dma_start3A_60 = arith.constant 0 : i32
    %dma_start3A_61 = arith.constant 0 : i32
    %dma_start3A_62 = tpu.memref_slice %arg2[%dma_start3A_60, %dma_start3A_61] : memref<10000x128xf32, #tpu.memory_space<hbm>> -> memref<10000x128xf32, #tpu.memory_space<hbm>>
    tpu.enqueue_indirect_dma source(%dma_start3A_62 : memref<10000x128xf32, #tpu.memory_space<hbm>>) target(%arg26 : memref<40x128xf32, #tpu.memory_space<vmem>>) offsets(%arg10 : memref<40xi32, #tpu.memory_space<vmem>>) semaphore(%arg33 : memref<!tpu.dma_semaphore, #tpu.memory_space<semaphore_mem>>)
    %add3A_63 = arith.constant 160 : i32
    %add3A_64 = arith.addi %mul3A_4, %add3A_63 : i32
    %add3A_65 = arith.constant 0 : i32
    %add3A_66 = arith.addi %add3A_64, %add3A_65 : i32
    %dma_start3A_67 = tpu.memref_slice %arg3[%add3A_66] : memref<160000xi32, #tpu.memory_space<hbm>> -> memref<40xi32, #tpu.memory_space<hbm>>
    %dma_start3A_68 = tpu.memref_slice %arg3[%add3A_66] : memref<160000xi32, #tpu.memory_space<hbm>> -> memref<40xi32, #tpu.memory_space<hbm>>
    tpu.enqueue_dma source(%dma_start3A_68 : memref<40xi32, #tpu.memory_space<hbm>>) target(%arg11 : memref<40xi32, #tpu.memory_space<vmem>>) target_semaphore(%arg32 : memref<!tpu.dma_semaphore, #tpu.memory_space<semaphore_mem>>)
    %dma_start3A_69 = tpu.memref_slice %arg4[%add3A_66] : memref<160000xi32, #tpu.memory_space<hbm>> -> memref<40xi32, #tpu.memory_space<hbm>>
    %dma_start3A_70 = tpu.memref_slice %arg4[%add3A_66] : memref<160000xi32, #tpu.memory_space<hbm>> -> memref<40xi32, #tpu.memory_space<hbm>>
    tpu.enqueue_dma source(%dma_start3A_70 : memref<40xi32, #tpu.memory_space<hbm>>) target(%arg19 : memref<40xi32, #tpu.memory_space<vmem>>) target_semaphore(%arg32 : memref<!tpu.dma_semaphore, #tpu.memory_space<semaphore_mem>>)
    %add3A_71 = arith.constant 160 : i32
    %add3A_72 = arith.addi %mul3A_4, %add3A_71 : i32
    %add3A_73 = arith.constant 40 : i32
    %add3A_74 = arith.addi %add3A_72, %add3A_73 : i32
    %dma_start3A_75 = tpu.memref_slice %arg3[%add3A_74] : memref<160000xi32, #tpu.memory_space<hbm>> -> memref<40xi32, #tpu.memory_space<hbm>>
    %dma_start3A_76 = tpu.memref_slice %arg3[%add3A_74] : memref<160000xi32, #tpu.memory_space<hbm>> -> memref<40xi32, #tpu.memory_space<hbm>>
    tpu.enqueue_dma source(%dma_start3A_76 : memref<40xi32, #tpu.memory_space<hbm>>) target(%arg12 : memref<40xi32, #tpu.memory_space<vmem>>) target_semaphore(%arg32 : memref<!tpu.dma_semaphore, #tpu.memory_space<semaphore_mem>>)
    %dma_start3A_77 = tpu.memref_slice %arg4[%add3A_74] : memref<160000xi32, #tpu.memory_space<hbm>> -> memref<40xi32, #tpu.memory_space<hbm>>
    %dma_start3A_78 = tpu.memref_slice %arg4[%add3A_74] : memref<160000xi32, #tpu.memory_space<hbm>> -> memref<40xi32, #tpu.memory_space<hbm>>
    tpu.enqueue_dma source(%dma_start3A_78 : memref<40xi32, #tpu.memory_space<hbm>>) target(%arg20 : memref<40xi32, #tpu.memory_space<vmem>>) target_semaphore(%arg32 : memref<!tpu.dma_semaphore, #tpu.memory_space<semaphore_mem>>)
    %add3A_79 = arith.constant 160 : i32
    %add3A_80 = arith.addi %mul3A_4, %add3A_79 : i32
    %add3A_81 = arith.constant 80 : i32
    %add3A_82 = arith.addi %add3A_80, %add3A_81 : i32
    %dma_start3A_83 = tpu.memref_slice %arg3[%add3A_82] : memref<160000xi32, #tpu.memory_space<hbm>> -> memref<40xi32, #tpu.memory_space<hbm>>
    %dma_start3A_84 = tpu.memref_slice %arg3[%add3A_82] : memref<160000xi32, #tpu.memory_space<hbm>> -> memref<40xi32, #tpu.memory_space<hbm>>
    tpu.enqueue_dma source(%dma_start3A_84 : memref<40xi32, #tpu.memory_space<hbm>>) target(%arg13 : memref<40xi32, #tpu.memory_space<vmem>>) target_semaphore(%arg32 : memref<!tpu.dma_semaphore, #tpu.memory_space<semaphore_mem>>)
    %dma_start3A_85 = tpu.memref_slice %arg4[%add3A_82] : memref<160000xi32, #tpu.memory_space<hbm>> -> memref<40xi32, #tpu.memory_space<hbm>>
    %dma_start3A_86 = tpu.memref_slice %arg4[%add3A_82] : memref<160000xi32, #tpu.memory_space<hbm>> -> memref<40xi32, #tpu.memory_space<hbm>>
    tpu.enqueue_dma source(%dma_start3A_86 : memref<40xi32, #tpu.memory_space<hbm>>) target(%arg21 : memref<40xi32, #tpu.memory_space<vmem>>) target_semaphore(%arg32 : memref<!tpu.dma_semaphore, #tpu.memory_space<semaphore_mem>>)
    %add3A_87 = arith.constant 160 : i32
    %add3A_88 = arith.addi %mul3A_4, %add3A_87 : i32
    %add3A_89 = arith.constant 120 : i32
    %add3A_90 = arith.addi %add3A_88, %add3A_89 : i32
    %dma_start3A_91 = tpu.memref_slice %arg3[%add3A_90] : memref<160000xi32, #tpu.memory_space<hbm>> -> memref<40xi32, #tpu.memory_space<hbm>>
    %dma_start3A_92 = tpu.memref_slice %arg3[%add3A_90] : memref<160000xi32, #tpu.memory_space<hbm>> -> memref<40xi32, #tpu.memory_space<hbm>>
    tpu.enqueue_dma source(%dma_start3A_92 : memref<40xi32, #tpu.memory_space<hbm>>) target(%arg14 : memref<40xi32, #tpu.memory_space<vmem>>) target_semaphore(%arg32 : memref<!tpu.dma_semaphore, #tpu.memory_space<semaphore_mem>>)
    %dma_start3A_93 = tpu.memref_slice %arg4[%add3A_90] : memref<160000xi32, #tpu.memory_space<hbm>> -> memref<40xi32, #tpu.memory_space<hbm>>
    %dma_start3A_94 = tpu.memref_slice %arg4[%add3A_90] : memref<160000xi32, #tpu.memory_space<hbm>> -> memref<40xi32, #tpu.memory_space<hbm>>
    tpu.enqueue_dma source(%dma_start3A_94 : memref<40xi32, #tpu.memory_space<hbm>>) target(%arg22 : memref<40xi32, #tpu.memory_space<vmem>>) target_semaphore(%arg32 : memref<!tpu.dma_semaphore, #tpu.memory_space<semaphore_mem>>)
    %scan3A = arith.constant 0 : i32
    %scan3A_95 = arith.constant 0 : i32
    %scan3A_96 = arith.constant 15 : i32
    %scan3A_97 = arith.addi %scan3A_95, %scan3A_96 : i32
    %scan3A_98 = arith.constant 1 : i32
    scf.for %scan3A_153 = %scan3A_95 to %scan3A_97 step %scan3A_98  : i32 {
      %mul3A_154 = arith.constant 2 : i32
      %mul3A_155 = arith.muli %mul3A_154, %scan3A_153 : i32
      %add3A_156 = arith.constant 1 : i32
      %add3A_157 = arith.addi %mul3A_155, %add3A_156 : i32
      %mul3A_158 = arith.constant 2 : i32
      %mul3A_159 = arith.muli %mul3A_158, %scan3A_153 : i32
      %add3A_160 = arith.constant 2 : i32
      %add3A_161 = arith.addi %mul3A_159, %add3A_160 : i32
      %dma_wait3A_162 = tpu.memref_slice %arg3[%mul3A_4] : memref<160000xi32, #tpu.memory_space<hbm>> -> memref<40xi32, #tpu.memory_space<hbm>>
      %dma_wait3A_163 = tpu.memref_slice %arg3[%mul3A_4] : memref<160000xi32, #tpu.memory_space<hbm>> -> memref<40xi32, #tpu.memory_space<hbm>>
      tpu.wait_dma2 semaphore(%arg32 : memref<!tpu.dma_semaphore, #tpu.memory_space<semaphore_mem>>) src(%dma_wait3A_163 : memref<40xi32, #tpu.memory_space<hbm>>) dst(%arg11 : memref<40xi32, #tpu.memory_space<vmem>>)
      %dma_wait3A_164 = tpu.memref_slice %arg4[%mul3A_4] : memref<160000xi32, #tpu.memory_space<hbm>> -> memref<40xi32, #tpu.memory_space<hbm>>
      %dma_wait3A_165 = tpu.memref_slice %arg4[%mul3A_4] : memref<160000xi32, #tpu.memory_space<hbm>> -> memref<40xi32, #tpu.memory_space<hbm>>
      tpu.wait_dma2 semaphore(%arg32 : memref<!tpu.dma_semaphore, #tpu.memory_space<semaphore_mem>>) src(%dma_wait3A_165 : memref<40xi32, #tpu.memory_space<hbm>>) dst(%arg19 : memref<40xi32, #tpu.memory_space<vmem>>)
      %dma_wait3A_166 = tpu.memref_slice %arg3[%mul3A_4] : memref<160000xi32, #tpu.memory_space<hbm>> -> memref<40xi32, #tpu.memory_space<hbm>>
      %dma_wait3A_167 = tpu.memref_slice %arg3[%mul3A_4] : memref<160000xi32, #tpu.memory_space<hbm>> -> memref<40xi32, #tpu.memory_space<hbm>>
      tpu.wait_dma2 semaphore(%arg32 : memref<!tpu.dma_semaphore, #tpu.memory_space<semaphore_mem>>) src(%dma_wait3A_167 : memref<40xi32, #tpu.memory_space<hbm>>) dst(%arg12 : memref<40xi32, #tpu.memory_space<vmem>>)
      %dma_wait3A_168 = tpu.memref_slice %arg4[%mul3A_4] : memref<160000xi32, #tpu.memory_space<hbm>> -> memref<40xi32, #tpu.memory_space<hbm>>
      %dma_wait3A_169 = tpu.memref_slice %arg4[%mul3A_4] : memref<160000xi32, #tpu.memory_space<hbm>> -> memref<40xi32, #tpu.memory_space<hbm>>
      tpu.wait_dma2 semaphore(%arg32 : memref<!tpu.dma_semaphore, #tpu.memory_space<semaphore_mem>>) src(%dma_wait3A_169 : memref<40xi32, #tpu.memory_space<hbm>>) dst(%arg20 : memref<40xi32, #tpu.memory_space<vmem>>)
      %dma_wait3A_170 = tpu.memref_slice %arg3[%mul3A_4] : memref<160000xi32, #tpu.memory_space<hbm>> -> memref<40xi32, #tpu.memory_space<hbm>>
      %dma_wait3A_171 = tpu.memref_slice %arg3[%mul3A_4] : memref<160000xi32, #tpu.memory_space<hbm>> -> memref<40xi32, #tpu.memory_space<hbm>>
      tpu.wait_dma2 semaphore(%arg32 : memref<!tpu.dma_semaphore, #tpu.memory_space<semaphore_mem>>) src(%dma_wait3A_171 : memref<40xi32, #tpu.memory_space<hbm>>) dst(%arg13 : memref<40xi32, #tpu.memory_space<vmem>>)
      %dma_wait3A_172 = tpu.memref_slice %arg4[%mul3A_4] : memref<160000xi32, #tpu.memory_space<hbm>> -> memref<40xi32, #tpu.memory_space<hbm>>
      %dma_wait3A_173 = tpu.memref_slice %arg4[%mul3A_4] : memref<160000xi32, #tpu.memory_space<hbm>> -> memref<40xi32, #tpu.memory_space<hbm>>
      tpu.wait_dma2 semaphore(%arg32 : memref<!tpu.dma_semaphore, #tpu.memory_space<semaphore_mem>>) src(%dma_wait3A_173 : memref<40xi32, #tpu.memory_space<hbm>>) dst(%arg21 : memref<40xi32, #tpu.memory_space<vmem>>)
      %dma_wait3A_174 = tpu.memref_slice %arg3[%mul3A_4] : memref<160000xi32, #tpu.memory_space<hbm>> -> memref<40xi32, #tpu.memory_space<hbm>>
      %dma_wait3A_175 = tpu.memref_slice %arg3[%mul3A_4] : memref<160000xi32, #tpu.memory_space<hbm>> -> memref<40xi32, #tpu.memory_space<hbm>>
      tpu.wait_dma2 semaphore(%arg32 : memref<!tpu.dma_semaphore, #tpu.memory_space<semaphore_mem>>) src(%dma_wait3A_175 : memref<40xi32, #tpu.memory_space<hbm>>) dst(%arg14 : memref<40xi32, #tpu.memory_space<vmem>>)
      %dma_wait3A_176 = tpu.memref_slice %arg4[%mul3A_4] : memref<160000xi32, #tpu.memory_space<hbm>> -> memref<40xi32, #tpu.memory_space<hbm>>
      %dma_wait3A_177 = tpu.memref_slice %arg4[%mul3A_4] : memref<160000xi32, #tpu.memory_space<hbm>> -> memref<40xi32, #tpu.memory_space<hbm>>
      tpu.wait_dma2 semaphore(%arg32 : memref<!tpu.dma_semaphore, #tpu.memory_space<semaphore_mem>>) src(%dma_wait3A_177 : memref<40xi32, #tpu.memory_space<hbm>>) dst(%arg22 : memref<40xi32, #tpu.memory_space<vmem>>)
      %dma_start3A_178 = arith.constant 0 : i32
      %dma_start3A_179 = arith.constant 0 : i32
      %dma_start3A_180 = tpu.memref_slice %arg2[%dma_start3A_178, %dma_start3A_179] : memref<10000x128xf32, #tpu.memory_space<hbm>> -> memref<10000x128xf32, #tpu.memory_space<hbm>>
      tpu.enqueue_indirect_dma source(%dma_start3A_180 : memref<10000x128xf32, #tpu.memory_space<hbm>>) target(%arg27 : memref<40x128xf32, #tpu.memory_space<vmem>>) offsets(%arg11 : memref<40xi32, #tpu.memory_space<vmem>>) semaphore(%arg34 : memref<!tpu.dma_semaphore, #tpu.memory_space<semaphore_mem>>)
      %dma_start3A_181 = arith.constant 0 : i32
      %dma_start3A_182 = arith.constant 0 : i32
      %dma_start3A_183 = tpu.memref_slice %arg2[%dma_start3A_181, %dma_start3A_182] : memref<10000x128xf32, #tpu.memory_space<hbm>> -> memref<10000x128xf32, #tpu.memory_space<hbm>>
      tpu.enqueue_indirect_dma source(%dma_start3A_183 : memref<10000x128xf32, #tpu.memory_space<hbm>>) target(%arg28 : memref<40x128xf32, #tpu.memory_space<vmem>>) offsets(%arg12 : memref<40xi32, #tpu.memory_space<vmem>>) semaphore(%arg34 : memref<!tpu.dma_semaphore, #tpu.memory_space<semaphore_mem>>)
      %dma_start3A_184 = arith.constant 0 : i32
      %dma_start3A_185 = arith.constant 0 : i32
      %dma_start3A_186 = tpu.memref_slice %arg2[%dma_start3A_184, %dma_start3A_185] : memref<10000x128xf32, #tpu.memory_space<hbm>> -> memref<10000x128xf32, #tpu.memory_space<hbm>>
      tpu.enqueue_indirect_dma source(%dma_start3A_186 : memref<10000x128xf32, #tpu.memory_space<hbm>>) target(%arg29 : memref<40x128xf32, #tpu.memory_space<vmem>>) offsets(%arg13 : memref<40xi32, #tpu.memory_space<vmem>>) semaphore(%arg34 : memref<!tpu.dma_semaphore, #tpu.memory_space<semaphore_mem>>)
      %dma_start3A_187 = arith.constant 0 : i32
      %dma_start3A_188 = arith.constant 0 : i32
      %dma_start3A_189 = tpu.memref_slice %arg2[%dma_start3A_187, %dma_start3A_188] : memref<10000x128xf32, #tpu.memory_space<hbm>> -> memref<10000x128xf32, #tpu.memory_space<hbm>>
      tpu.enqueue_indirect_dma source(%dma_start3A_189 : memref<10000x128xf32, #tpu.memory_space<hbm>>) target(%arg30 : memref<40x128xf32, #tpu.memory_space<vmem>>) offsets(%arg14 : memref<40xi32, #tpu.memory_space<vmem>>) semaphore(%arg34 : memref<!tpu.dma_semaphore, #tpu.memory_space<semaphore_mem>>)
      %dma_wait3A_190 = arith.constant 0 : i32
      %dma_wait3A_191 = arith.constant 0 : i32
      %dma_wait3A_192 = tpu.memref_slice %arg2[%dma_wait3A_190, %dma_wait3A_191] : memref<10000x128xf32, #tpu.memory_space<hbm>> -> memref<10000x128xf32, #tpu.memory_space<hbm>>
      tpu.wait_indirect_dma semaphore(%arg33 : memref<!tpu.dma_semaphore, #tpu.memory_space<semaphore_mem>>) src(%dma_wait3A_192 : memref<10000x128xf32, #tpu.memory_space<hbm>>) dst(%arg23 : memref<40x128xf32, #tpu.memory_space<vmem>>)
      %dma_wait3A_193 = arith.constant 0 : i32
      %dma_wait3A_194 = arith.constant 0 : i32
      %dma_wait3A_195 = tpu.memref_slice %arg2[%dma_wait3A_193, %dma_wait3A_194] : memref<10000x128xf32, #tpu.memory_space<hbm>> -> memref<10000x128xf32, #tpu.memory_space<hbm>>
      tpu.wait_indirect_dma semaphore(%arg33 : memref<!tpu.dma_semaphore, #tpu.memory_space<semaphore_mem>>) src(%dma_wait3A_195 : memref<10000x128xf32, #tpu.memory_space<hbm>>) dst(%arg24 : memref<40x128xf32, #tpu.memory_space<vmem>>)
      %dma_wait3A_196 = arith.constant 0 : i32
      %dma_wait3A_197 = arith.constant 0 : i32
      %dma_wait3A_198 = tpu.memref_slice %arg2[%dma_wait3A_196, %dma_wait3A_197] : memref<10000x128xf32, #tpu.memory_space<hbm>> -> memref<10000x128xf32, #tpu.memory_space<hbm>>
      tpu.wait_indirect_dma semaphore(%arg33 : memref<!tpu.dma_semaphore, #tpu.memory_space<semaphore_mem>>) src(%dma_wait3A_198 : memref<10000x128xf32, #tpu.memory_space<hbm>>) dst(%arg25 : memref<40x128xf32, #tpu.memory_space<vmem>>)
      %dma_wait3A_199 = arith.constant 0 : i32
      %dma_wait3A_200 = arith.constant 0 : i32
      %dma_wait3A_201 = tpu.memref_slice %arg2[%dma_wait3A_199, %dma_wait3A_200] : memref<10000x128xf32, #tpu.memory_space<hbm>> -> memref<10000x128xf32, #tpu.memory_space<hbm>>
      tpu.wait_indirect_dma semaphore(%arg33 : memref<!tpu.dma_semaphore, #tpu.memory_space<semaphore_mem>>) src(%dma_wait3A_201 : memref<10000x128xf32, #tpu.memory_space<hbm>>) dst(%arg26 : memref<40x128xf32, #tpu.memory_space<vmem>>)
      "tpu.region"() ({
        %run_scoped3A = tpu.sem_alloc : memref<!tpu.dma_semaphore, #tpu.memory_space<semaphore_mem>>
        %dma_start3A_323 = arith.constant 0 : i32
        %dma_start3A_324 = arith.constant 0 : i32
        %dma_start3A_325 = tpu.memref_slice %arg31[%dma_start3A_323, %dma_start3A_324] : memref<10240x128xf32, #tpu.memory_space<vmem_shared>> -> memref<10240x128xf32, #tpu.memory_space<vmem_shared>>
        tpu.enqueue_indirect_dma source(%arg23 : memref<40x128xf32, #tpu.memory_space<vmem>>) target(%dma_start3A_325 : memref<10240x128xf32, #tpu.memory_space<vmem_shared>>) offsets(%arg15 : memref<40xi32, #tpu.memory_space<vmem>>) semaphore(%run_scoped3A : memref<!tpu.dma_semaphore, #tpu.memory_space<semaphore_mem>>) {add = true}
        %dma_wait3A_326 = arith.constant 0 : i32
        %dma_wait3A_327 = arith.constant 0 : i32
        %dma_wait3A_328 = tpu.memref_slice %arg31[%dma_wait3A_326, %dma_wait3A_327] : memref<10240x128xf32, #tpu.memory_space<vmem_shared>> -> memref<10240x128xf32, #tpu.memory_space<vmem_shared>>
        tpu.wait_indirect_dma semaphore(%run_scoped3A : memref<!tpu.dma_semaphore, #tpu.memory_space<semaphore_mem>>) src(%arg23 : memref<40x128xf32, #tpu.memory_space<vmem>>) dst(%dma_wait3A_328 : memref<10240x128xf32, #tpu.memory_space<vmem_shared>>)
        tpu.yield
      }) : () -> ()
      "tpu.region"() ({
        %run_scoped3A = tpu.sem_alloc : memref<!tpu.dma_semaphore, #tpu.memory_space<semaphore_mem>>
        %dma_start3A_323 = arith.constant 0 : i32
        %dma_start3A_324 = arith.constant 0 : i32
        %dma_start3A_325 = tpu.memref_slice %arg31[%dma_start3A_323, %dma_start3A_324] : memref<10240x128xf32, #tpu.memory_space<vmem_shared>> -> memref<10240x128xf32, #tpu.memory_space<vmem_shared>>
        tpu.enqueue_indirect_dma source(%arg24 : memref<40x128xf32, #tpu.memory_space<vmem>>) target(%dma_start3A_325 : memref<10240x128xf32, #tpu.memory_space<vmem_shared>>) offsets(%arg16 : memref<40xi32, #tpu.memory_space<vmem>>) semaphore(%run_scoped3A : memref<!tpu.dma_semaphore, #tpu.memory_space<semaphore_mem>>) {add = true}
        %dma_wait3A_326 = arith.constant 0 : i32
        %dma_wait3A_327 = arith.constant 0 : i32
        %dma_wait3A_328 = tpu.memref_slice %arg31[%dma_wait3A_326, %dma_wait3A_327] : memref<10240x128xf32, #tpu.memory_space<vmem_shared>> -> memref<10240x128xf32, #tpu.memory_space<vmem_shared>>
        tpu.wait_indirect_dma semaphore(%run_scoped3A : memref<!tpu.dma_semaphore, #tpu.memory_space<semaphore_mem>>) src(%arg24 : memref<40x128xf32, #tpu.memory_space<vmem>>) dst(%dma_wait3A_328 : memref<10240x128xf32, #tpu.memory_space<vmem_shared>>)
        tpu.yield
      }) : () -> ()
      "tpu.region"() ({
        %run_scoped3A = tpu.sem_alloc : memref<!tpu.dma_semaphore, #tpu.memory_space<semaphore_mem>>
        %dma_start3A_323 = arith.constant 0 : i32
        %dma_start3A_324 = arith.constant 0 : i32
        %dma_start3A_325 = tpu.memref_slice %arg31[%dma_start3A_323, %dma_start3A_324] : memref<10240x128xf32, #tpu.memory_space<vmem_shared>> -> memref<10240x128xf32, #tpu.memory_space<vmem_shared>>
        tpu.enqueue_indirect_dma source(%arg25 : memref<40x128xf32, #tpu.memory_space<vmem>>) target(%dma_start3A_325 : memref<10240x128xf32, #tpu.memory_space<vmem_shared>>) offsets(%arg17 : memref<40xi32, #tpu.memory_space<vmem>>) semaphore(%run_scoped3A : memref<!tpu.dma_semaphore, #tpu.memory_space<semaphore_mem>>) {add = true}
        %dma_wait3A_326 = arith.constant 0 : i32
        %dma_wait3A_327 = arith.constant 0 : i32
        %dma_wait3A_328 = tpu.memref_slice %arg31[%dma_wait3A_326, %dma_wait3A_327] : memref<10240x128xf32, #tpu.memory_space<vmem_shared>> -> memref<10240x128xf32, #tpu.memory_space<vmem_shared>>
        tpu.wait_indirect_dma semaphore(%run_scoped3A : memref<!tpu.dma_semaphore, #tpu.memory_space<semaphore_mem>>) src(%arg25 : memref<40x128xf32, #tpu.memory_space<vmem>>) dst(%dma_wait3A_328 : memref<10240x128xf32, #tpu.memory_space<vmem_shared>>)
        tpu.yield
      }) : () -> ()
      "tpu.region"() ({
        %run_scoped3A = tpu.sem_alloc : memref<!tpu.dma_semaphore, #tpu.memory_space<semaphore_mem>>
        %dma_start3A_323 = arith.constant 0 : i32
        %dma_start3A_324 = arith.constant 0 : i32
        %dma_start3A_325 = tpu.memref_slice %arg31[%dma_start3A_323, %dma_start3A_324] : memref<10240x128xf32, #tpu.memory_space<vmem_shared>> -> memref<10240x128xf32, #tpu.memory_space<vmem_shared>>
        tpu.enqueue_indirect_dma source(%arg26 : memref<40x128xf32, #tpu.memory_space<vmem>>) target(%dma_start3A_325 : memref<10240x128xf32, #tpu.memory_space<vmem_shared>>) offsets(%arg18 : memref<40xi32, #tpu.memory_space<vmem>>) semaphore(%run_scoped3A : memref<!tpu.dma_semaphore, #tpu.memory_space<semaphore_mem>>) {add = true}
        %dma_wait3A_326 = arith.constant 0 : i32
        %dma_wait3A_327 = arith.constant 0 : i32
        %dma_wait3A_328 = tpu.memref_slice %arg31[%dma_wait3A_326, %dma_wait3A_327] : memref<10240x128xf32, #tpu.memory_space<vmem_shared>> -> memref<10240x128xf32, #tpu.memory_space<vmem_shared>>
        tpu.wait_indirect_dma semaphore(%run_scoped3A : memref<!tpu.dma_semaphore, #tpu.memory_space<semaphore_mem>>) src(%arg26 : memref<40x128xf32, #tpu.memory_space<vmem>>) dst(%dma_wait3A_328 : memref<10240x128xf32, #tpu.memory_space<vmem_shared>>)
        tpu.yield
      }) : () -> ()
      %mul3A_202 = arith.constant 160 : i32
      %mul3A_203 = arith.muli %add3A_161, %mul3A_202 : i32
      %add3A_204 = arith.addi %mul3A_4, %mul3A_203 : i32
      %add3A_205 = arith.constant 0 : i32
      %add3A_206 = arith.addi %add3A_204, %add3A_205 : i32
      %dma_start3A_207 = tpu.memref_slice %arg3[%add3A_206] : memref<160000xi32, #tpu.memory_space<hbm>> -> memref<40xi32, #tpu.memory_space<hbm>>
      %dma_start3A_208 = tpu.memref_slice %arg3[%add3A_206] : memref<160000xi32, #tpu.memory_space<hbm>> -> memref<40xi32, #tpu.memory_space<hbm>>
      tpu.enqueue_dma source(%dma_start3A_208 : memref<40xi32, #tpu.memory_space<hbm>>) target(%arg7 : memref<40xi32, #tpu.memory_space<vmem>>) target_semaphore(%arg32 : memref<!tpu.dma_semaphore, #tpu.memory_space<semaphore_mem>>)
      %dma_start3A_209 = tpu.memref_slice %arg4[%add3A_206] : memref<160000xi32, #tpu.memory_space<hbm>> -> memref<40xi32, #tpu.memory_space<hbm>>
      %dma_start3A_210 = tpu.memref_slice %arg4[%add3A_206] : memref<160000xi32, #tpu.memory_space<hbm>> -> memref<40xi32, #tpu.memory_space<hbm>>
      tpu.enqueue_dma source(%dma_start3A_210 : memref<40xi32, #tpu.memory_space<hbm>>) target(%arg15 : memref<40xi32, #tpu.memory_space<vmem>>) target_semaphore(%arg32 : memref<!tpu.dma_semaphore, #tpu.memory_space<semaphore_mem>>)
      %mul3A_211 = arith.constant 160 : i32
      %mul3A_212 = arith.muli %add3A_161, %mul3A_211 : i32
      %add3A_213 = arith.addi %mul3A_4, %mul3A_212 : i32
      %add3A_214 = arith.constant 40 : i32
      %add3A_215 = arith.addi %add3A_213, %add3A_214 : i32
      %dma_start3A_216 = tpu.memref_slice %arg3[%add3A_215] : memref<160000xi32, #tpu.memory_space<hbm>> -> memref<40xi32, #tpu.memory_space<hbm>>
      %dma_start3A_217 = tpu.memref_slice %arg3[%add3A_215] : memref<160000xi32, #tpu.memory_space<hbm>> -> memref<40xi32, #tpu.memory_space<hbm>>
      tpu.enqueue_dma source(%dma_start3A_217 : memref<40xi32, #tpu.memory_space<hbm>>) target(%arg8 : memref<40xi32, #tpu.memory_space<vmem>>) target_semaphore(%arg32 : memref<!tpu.dma_semaphore, #tpu.memory_space<semaphore_mem>>)
      %dma_start3A_218 = tpu.memref_slice %arg4[%add3A_215] : memref<160000xi32, #tpu.memory_space<hbm>> -> memref<40xi32, #tpu.memory_space<hbm>>
      %dma_start3A_219 = tpu.memref_slice %arg4[%add3A_215] : memref<160000xi32, #tpu.memory_space<hbm>> -> memref<40xi32, #tpu.memory_space<hbm>>
      tpu.enqueue_dma source(%dma_start3A_219 : memref<40xi32, #tpu.memory_space<hbm>>) target(%arg16 : memref<40xi32, #tpu.memory_space<vmem>>) target_semaphore(%arg32 : memref<!tpu.dma_semaphore, #tpu.memory_space<semaphore_mem>>)
      %mul3A_220 = arith.constant 160 : i32
      %mul3A_221 = arith.muli %add3A_161, %mul3A_220 : i32
      %add3A_222 = arith.addi %mul3A_4, %mul3A_221 : i32
      %add3A_223 = arith.constant 80 : i32
      %add3A_224 = arith.addi %add3A_222, %add3A_223 : i32
      %dma_start3A_225 = tpu.memref_slice %arg3[%add3A_224] : memref<160000xi32, #tpu.memory_space<hbm>> -> memref<40xi32, #tpu.memory_space<hbm>>
      %dma_start3A_226 = tpu.memref_slice %arg3[%add3A_224] : memref<160000xi32, #tpu.memory_space<hbm>> -> memref<40xi32, #tpu.memory_space<hbm>>
      tpu.enqueue_dma source(%dma_start3A_226 : memref<40xi32, #tpu.memory_space<hbm>>) target(%arg9 : memref<40xi32, #tpu.memory_space<vmem>>) target_semaphore(%arg32 : memref<!tpu.dma_semaphore, #tpu.memory_space<semaphore_mem>>)
      %dma_start3A_227 = tpu.memref_slice %arg4[%add3A_224] : memref<160000xi32, #tpu.memory_space<hbm>> -> memref<40xi32, #tpu.memory_space<hbm>>
      %dma_start3A_228 = tpu.memref_slice %arg4[%add3A_224] : memref<160000xi32, #tpu.memory_space<hbm>> -> memref<40xi32, #tpu.memory_space<hbm>>
      tpu.enqueue_dma source(%dma_start3A_228 : memref<40xi32, #tpu.memory_space<hbm>>) target(%arg17 : memref<40xi32, #tpu.memory_space<vmem>>) target_semaphore(%arg32 : memref<!tpu.dma_semaphore, #tpu.memory_space<semaphore_mem>>)
      %mul3A_229 = arith.constant 160 : i32
      %mul3A_230 = arith.muli %add3A_161, %mul3A_229 : i32
      %add3A_231 = arith.addi %mul3A_4, %mul3A_230 : i32
      %add3A_232 = arith.constant 120 : i32
      %add3A_233 = arith.addi %add3A_231, %add3A_232 : i32
      %dma_start3A_234 = tpu.memref_slice %arg3[%add3A_233] : memref<160000xi32, #tpu.memory_space<hbm>> -> memref<40xi32, #tpu.memory_space<hbm>>
      %dma_start3A_235 = tpu.memref_slice %arg3[%add3A_233] : memref<160000xi32, #tpu.memory_space<hbm>> -> memref<40xi32, #tpu.memory_space<hbm>>
      tpu.enqueue_dma source(%dma_start3A_235 : memref<40xi32, #tpu.memory_space<hbm>>) target(%arg10 : memref<40xi32, #tpu.memory_space<vmem>>) target_semaphore(%arg32 : memref<!tpu.dma_semaphore, #tpu.memory_space<semaphore_mem>>)
      %dma_start3A_236 = tpu.memref_slice %arg4[%add3A_233] : memref<160000xi32, #tpu.memory_space<hbm>> -> memref<40xi32, #tpu.memory_space<hbm>>
      %dma_start3A_237 = tpu.memref_slice %arg4[%add3A_233] : memref<160000xi32, #tpu.memory_space<hbm>> -> memref<40xi32, #tpu.memory_space<hbm>>
      tpu.enqueue_dma source(%dma_start3A_237 : memref<40xi32, #tpu.memory_space<hbm>>) target(%arg18 : memref<40xi32, #tpu.memory_space<vmem>>) target_semaphore(%arg32 : memref<!tpu.dma_semaphore, #tpu.memory_space<semaphore_mem>>)
      %mul3A_238 = arith.constant 2 : i32
      %mul3A_239 = arith.muli %mul3A_238, %scan3A_153 : i32
      %add3A_240 = arith.constant 2 : i32
      %add3A_241 = arith.addi %mul3A_239, %add3A_240 : i32
      %mul3A_242 = arith.constant 2 : i32
      %mul3A_243 = arith.muli %mul3A_242, %scan3A_153 : i32
      %add3A_244 = arith.constant 3 : i32
      %add3A_245 = arith.addi %mul3A_243, %add3A_244 : i32
      %min3A = arith.constant 30 : i32
      %min3A_246 = arith.minsi %add3A_245, %min3A : i32
      %dma_wait3A_247 = tpu.memref_slice %arg3[%mul3A_4] : memref<160000xi32, #tpu.memory_space<hbm>> -> memref<40xi32, #tpu.memory_space<hbm>>
      %dma_wait3A_248 = tpu.memref_slice %arg3[%mul3A_4] : memref<160000xi32, #tpu.memory_space<hbm>> -> memref<40xi32, #tpu.memory_space<hbm>>
      tpu.wait_dma2 semaphore(%arg32 : memref<!tpu.dma_semaphore, #tpu.memory_space<semaphore_mem>>) src(%dma_wait3A_248 : memref<40xi32, #tpu.memory_space<hbm>>) dst(%arg7 : memref<40xi32, #tpu.memory_space<vmem>>)
      %dma_wait3A_249 = tpu.memref_slice %arg4[%mul3A_4] : memref<160000xi32, #tpu.memory_space<hbm>> -> memref<40xi32, #tpu.memory_space<hbm>>
      %dma_wait3A_250 = tpu.memref_slice %arg4[%mul3A_4] : memref<160000xi32, #tpu.memory_space<hbm>> -> memref<40xi32, #tpu.memory_space<hbm>>
      tpu.wait_dma2 semaphore(%arg32 : memref<!tpu.dma_semaphore, #tpu.memory_space<semaphore_mem>>) src(%dma_wait3A_250 : memref<40xi32, #tpu.memory_space<hbm>>) dst(%arg15 : memref<40xi32, #tpu.memory_space<vmem>>)
      %dma_wait3A_251 = tpu.memref_slice %arg3[%mul3A_4] : memref<160000xi32, #tpu.memory_space<hbm>> -> memref<40xi32, #tpu.memory_space<hbm>>
      %dma_wait3A_252 = tpu.memref_slice %arg3[%mul3A_4] : memref<160000xi32, #tpu.memory_space<hbm>> -> memref<40xi32, #tpu.memory_space<hbm>>
      tpu.wait_dma2 semaphore(%arg32 : memref<!tpu.dma_semaphore, #tpu.memory_space<semaphore_mem>>) src(%dma_wait3A_252 : memref<40xi32, #tpu.memory_space<hbm>>) dst(%arg8 : memref<40xi32, #tpu.memory_space<vmem>>)
      %dma_wait3A_253 = tpu.memref_slice %arg4[%mul3A_4] : memref<160000xi32, #tpu.memory_space<hbm>> -> memref<40xi32, #tpu.memory_space<hbm>>
      %dma_wait3A_254 = tpu.memref_slice %arg4[%mul3A_4] : memref<160000xi32, #tpu.memory_space<hbm>> -> memref<40xi32, #tpu.memory_space<hbm>>
      tpu.wait_dma2 semaphore(%arg32 : memref<!tpu.dma_semaphore, #tpu.memory_space<semaphore_mem>>) src(%dma_wait3A_254 : memref<40xi32, #tpu.memory_space<hbm>>) dst(%arg16 : memref<40xi32, #tpu.memory_space<vmem>>)
      %dma_wait3A_255 = tpu.memref_slice %arg3[%mul3A_4] : memref<160000xi32, #tpu.memory_space<hbm>> -> memref<40xi32, #tpu.memory_space<hbm>>
      %dma_wait3A_256 = tpu.memref_slice %arg3[%mul3A_4] : memref<160000xi32, #tpu.memory_space<hbm>> -> memref<40xi32, #tpu.memory_space<hbm>>
      tpu.wait_dma2 semaphore(%arg32 : memref<!tpu.dma_semaphore, #tpu.memory_space<semaphore_mem>>) src(%dma_wait3A_256 : memref<40xi32, #tpu.memory_space<hbm>>) dst(%arg9 : memref<40xi32, #tpu.memory_space<vmem>>)
      %dma_wait3A_257 = tpu.memref_slice %arg4[%mul3A_4] : memref<160000xi32, #tpu.memory_space<hbm>> -> memref<40xi32, #tpu.memory_space<hbm>>
      %dma_wait3A_258 = tpu.memref_slice %arg4[%mul3A_4] : memref<160000xi32, #tpu.memory_space<hbm>> -> memref<40xi32, #tpu.memory_space<hbm>>
      tpu.wait_dma2 semaphore(%arg32 : memref<!tpu.dma_semaphore, #tpu.memory_space<semaphore_mem>>) src(%dma_wait3A_258 : memref<40xi32, #tpu.memory_space<hbm>>) dst(%arg17 : memref<40xi32, #tpu.memory_space<vmem>>)
      %dma_wait3A_259 = tpu.memref_slice %arg3[%mul3A_4] : memref<160000xi32, #tpu.memory_space<hbm>> -> memref<40xi32, #tpu.memory_space<hbm>>
      %dma_wait3A_260 = tpu.memref_slice %arg3[%mul3A_4] : memref<160000xi32, #tpu.memory_space<hbm>> -> memref<40xi32, #tpu.memory_space<hbm>>
      tpu.wait_dma2 semaphore(%arg32 : memref<!tpu.dma_semaphore, #tpu.memory_space<semaphore_mem>>) src(%dma_wait3A_260 : memref<40xi32, #tpu.memory_space<hbm>>) dst(%arg10 : memref<40xi32, #tpu.memory_space<vmem>>)
      %dma_wait3A_261 = tpu.memref_slice %arg4[%mul3A_4] : memref<160000xi32, #tpu.memory_space<hbm>> -> memref<40xi32, #tpu.memory_space<hbm>>
      %dma_wait3A_262 = tpu.memref_slice %arg4[%mul3A_4] : memref<160000xi32, #tpu.memory_space<hbm>> -> memref<40xi32, #tpu.memory_space<hbm>>
      tpu.wait_dma2 semaphore(%arg32 : memref<!tpu.dma_semaphore, #tpu.memory_space<semaphore_mem>>) src(%dma_wait3A_262 : memref<40xi32, #tpu.memory_space<hbm>>) dst(%arg18 : memref<40xi32, #tpu.memory_space<vmem>>)
      %dma_start3A_263 = arith.constant 0 : i32
      %dma_start3A_264 = arith.constant 0 : i32
      %dma_start3A_265 = tpu.memref_slice %arg2[%dma_start3A_263, %dma_start3A_264] : memref<10000x128xf32, #tpu.memory_space<hbm>> -> memref<10000x128xf32, #tpu.memory_space<hbm>>
      tpu.enqueue_indirect_dma source(%dma_start3A_265 : memref<10000x128xf32, #tpu.memory_space<hbm>>) target(%arg23 : memref<40x128xf32, #tpu.memory_space<vmem>>) offsets(%arg7 : memref<40xi32, #tpu.memory_space<vmem>>) semaphore(%arg33 : memref<!tpu.dma_semaphore, #tpu.memory_space<semaphore_mem>>)
      %dma_start3A_266 = arith.constant 0 : i32
      %dma_start3A_267 = arith.constant 0 : i32
      %dma_start3A_268 = tpu.memref_slice %arg2[%dma_start3A_266, %dma_start3A_267] : memref<10000x128xf32, #tpu.memory_space<hbm>> -> memref<10000x128xf32, #tpu.memory_space<hbm>>
      tpu.enqueue_indirect_dma source(%dma_start3A_268 : memref<10000x128xf32, #tpu.memory_space<hbm>>) target(%arg24 : memref<40x128xf32, #tpu.memory_space<vmem>>) offsets(%arg8 : memref<40xi32, #tpu.memory_space<vmem>>) semaphore(%arg33 : memref<!tpu.dma_semaphore, #tpu.memory_space<semaphore_mem>>)
      %dma_start3A_269 = arith.constant 0 : i32
      %dma_start3A_270 = arith.constant 0 : i32
      %dma_start3A_271 = tpu.memref_slice %arg2[%dma_start3A_269, %dma_start3A_270] : memref<10000x128xf32, #tpu.memory_space<hbm>> -> memref<10000x128xf32, #tpu.memory_space<hbm>>
      tpu.enqueue_indirect_dma source(%dma_start3A_271 : memref<10000x128xf32, #tpu.memory_space<hbm>>) target(%arg25 : memref<40x128xf32, #tpu.memory_space<vmem>>) offsets(%arg9 : memref<40xi32, #tpu.memory_space<vmem>>) semaphore(%arg33 : memref<!tpu.dma_semaphore, #tpu.memory_space<semaphore_mem>>)
      %dma_start3A_272 = arith.constant 0 : i32
      %dma_start3A_273 = arith.constant 0 : i32
      %dma_start3A_274 = tpu.memref_slice %arg2[%dma_start3A_272, %dma_start3A_273] : memref<10000x128xf32, #tpu.memory_space<hbm>> -> memref<10000x128xf32, #tpu.memory_space<hbm>>
      tpu.enqueue_indirect_dma source(%dma_start3A_274 : memref<10000x128xf32, #tpu.memory_space<hbm>>) target(%arg26 : memref<40x128xf32, #tpu.memory_space<vmem>>) offsets(%arg10 : memref<40xi32, #tpu.memory_space<vmem>>) semaphore(%arg33 : memref<!tpu.dma_semaphore, #tpu.memory_space<semaphore_mem>>)
      %dma_wait3A_275 = arith.constant 0 : i32
      %dma_wait3A_276 = arith.constant 0 : i32
      %dma_wait3A_277 = tpu.memref_slice %arg2[%dma_wait3A_275, %dma_wait3A_276] : memref<10000x128xf32, #tpu.memory_space<hbm>> -> memref<10000x128xf32, #tpu.memory_space<hbm>>
      tpu.wait_indirect_dma semaphore(%arg34 : memref<!tpu.dma_semaphore, #tpu.memory_space<semaphore_mem>>) src(%dma_wait3A_277 : memref<10000x128xf32, #tpu.memory_space<hbm>>) dst(%arg27 : memref<40x128xf32, #tpu.memory_space<vmem>>)
      %dma_wait3A_278 = arith.constant 0 : i32
      %dma_wait3A_279 = arith.constant 0 : i32
      %dma_wait3A_280 = tpu.memref_slice %arg2[%dma_wait3A_278, %dma_wait3A_279] : memref<10000x128xf32, #tpu.memory_space<hbm>> -> memref<10000x128xf32, #tpu.memory_space<hbm>>
      tpu.wait_indirect_dma semaphore(%arg34 : memref<!tpu.dma_semaphore, #tpu.memory_space<semaphore_mem>>) src(%dma_wait3A_280 : memref<10000x128xf32, #tpu.memory_space<hbm>>) dst(%arg28 : memref<40x128xf32, #tpu.memory_space<vmem>>)
      %dma_wait3A_281 = arith.constant 0 : i32
      %dma_wait3A_282 = arith.constant 0 : i32
      %dma_wait3A_283 = tpu.memref_slice %arg2[%dma_wait3A_281, %dma_wait3A_282] : memref<10000x128xf32, #tpu.memory_space<hbm>> -> memref<10000x128xf32, #tpu.memory_space<hbm>>
      tpu.wait_indirect_dma semaphore(%arg34 : memref<!tpu.dma_semaphore, #tpu.memory_space<semaphore_mem>>) src(%dma_wait3A_283 : memref<10000x128xf32, #tpu.memory_space<hbm>>) dst(%arg29 : memref<40x128xf32, #tpu.memory_space<vmem>>)
      %dma_wait3A_284 = arith.constant 0 : i32
      %dma_wait3A_285 = arith.constant 0 : i32
      %dma_wait3A_286 = tpu.memref_slice %arg2[%dma_wait3A_284, %dma_wait3A_285] : memref<10000x128xf32, #tpu.memory_space<hbm>> -> memref<10000x128xf32, #tpu.memory_space<hbm>>
      tpu.wait_indirect_dma semaphore(%arg34 : memref<!tpu.dma_semaphore, #tpu.memory_space<semaphore_mem>>) src(%dma_wait3A_286 : memref<10000x128xf32, #tpu.memory_space<hbm>>) dst(%arg30 : memref<40x128xf32, #tpu.memory_space<vmem>>)
      "tpu.region"() ({
        %run_scoped3A = tpu.sem_alloc : memref<!tpu.dma_semaphore, #tpu.memory_space<semaphore_mem>>
        %dma_start3A_323 = arith.constant 0 : i32
        %dma_start3A_324 = arith.constant 0 : i32
        %dma_start3A_325 = tpu.memref_slice %arg31[%dma_start3A_323, %dma_start3A_324] : memref<10240x128xf32, #tpu.memory_space<vmem_shared>> -> memref<10240x128xf32, #tpu.memory_space<vmem_shared>>
        tpu.enqueue_indirect_dma source(%arg27 : memref<40x128xf32, #tpu.memory_space<vmem>>) target(%dma_start3A_325 : memref<10240x128xf32, #tpu.memory_space<vmem_shared>>) offsets(%arg19 : memref<40xi32, #tpu.memory_space<vmem>>) semaphore(%run_scoped3A : memref<!tpu.dma_semaphore, #tpu.memory_space<semaphore_mem>>) {add = true}
        %dma_wait3A_326 = arith.constant 0 : i32
        %dma_wait3A_327 = arith.constant 0 : i32
        %dma_wait3A_328 = tpu.memref_slice %arg31[%dma_wait3A_326, %dma_wait3A_327] : memref<10240x128xf32, #tpu.memory_space<vmem_shared>> -> memref<10240x128xf32, #tpu.memory_space<vmem_shared>>
        tpu.wait_indirect_dma semaphore(%run_scoped3A : memref<!tpu.dma_semaphore, #tpu.memory_space<semaphore_mem>>) src(%arg27 : memref<40x128xf32, #tpu.memory_space<vmem>>) dst(%dma_wait3A_328 : memref<10240x128xf32, #tpu.memory_space<vmem_shared>>)
        tpu.yield
      }) : () -> ()
      "tpu.region"() ({
        %run_scoped3A = tpu.sem_alloc : memref<!tpu.dma_semaphore, #tpu.memory_space<semaphore_mem>>
        %dma_start3A_323 = arith.constant 0 : i32
        %dma_start3A_324 = arith.constant 0 : i32
        %dma_start3A_325 = tpu.memref_slice %arg31[%dma_start3A_323, %dma_start3A_324] : memref<10240x128xf32, #tpu.memory_space<vmem_shared>> -> memref<10240x128xf32, #tpu.memory_space<vmem_shared>>
        tpu.enqueue_indirect_dma source(%arg28 : memref<40x128xf32, #tpu.memory_space<vmem>>) target(%dma_start3A_325 : memref<10240x128xf32, #tpu.memory_space<vmem_shared>>) offsets(%arg20 : memref<40xi32, #tpu.memory_space<vmem>>) semaphore(%run_scoped3A : memref<!tpu.dma_semaphore, #tpu.memory_space<semaphore_mem>>) {add = true}
        %dma_wait3A_326 = arith.constant 0 : i32
        %dma_wait3A_327 = arith.constant 0 : i32
        %dma_wait3A_328 = tpu.memref_slice %arg31[%dma_wait3A_326, %dma_wait3A_327] : memref<10240x128xf32, #tpu.memory_space<vmem_shared>> -> memref<10240x128xf32, #tpu.memory_space<vmem_shared>>
        tpu.wait_indirect_dma semaphore(%run_scoped3A : memref<!tpu.dma_semaphore, #tpu.memory_space<semaphore_mem>>) src(%arg28 : memref<40x128xf32, #tpu.memory_space<vmem>>) dst(%dma_wait3A_328 : memref<10240x128xf32, #tpu.memory_space<vmem_shared>>)
        tpu.yield
      }) : () -> ()
      "tpu.region"() ({
        %run_scoped3A = tpu.sem_alloc : memref<!tpu.dma_semaphore, #tpu.memory_space<semaphore_mem>>
        %dma_start3A_323 = arith.constant 0 : i32
        %dma_start3A_324 = arith.constant 0 : i32
        %dma_start3A_325 = tpu.memref_slice %arg31[%dma_start3A_323, %dma_start3A_324] : memref<10240x128xf32, #tpu.memory_space<vmem_shared>> -> memref<10240x128xf32, #tpu.memory_space<vmem_shared>>
        tpu.enqueue_indirect_dma source(%arg29 : memref<40x128xf32, #tpu.memory_space<vmem>>) target(%dma_start3A_325 : memref<10240x128xf32, #tpu.memory_space<vmem_shared>>) offsets(%arg21 : memref<40xi32, #tpu.memory_space<vmem>>) semaphore(%run_scoped3A : memref<!tpu.dma_semaphore, #tpu.memory_space<semaphore_mem>>) {add = true}
        %dma_wait3A_326 = arith.constant 0 : i32
        %dma_wait3A_327 = arith.constant 0 : i32
        %dma_wait3A_328 = tpu.memref_slice %arg31[%dma_wait3A_326, %dma_wait3A_327] : memref<10240x128xf32, #tpu.memory_space<vmem_shared>> -> memref<10240x128xf32, #tpu.memory_space<vmem_shared>>
        tpu.wait_indirect_dma semaphore(%run_scoped3A : memref<!tpu.dma_semaphore, #tpu.memory_space<semaphore_mem>>) src(%arg29 : memref<40x128xf32, #tpu.memory_space<vmem>>) dst(%dma_wait3A_328 : memref<10240x128xf32, #tpu.memory_space<vmem_shared>>)
        tpu.yield
      }) : () -> ()
      "tpu.region"() ({
        %run_scoped3A = tpu.sem_alloc : memref<!tpu.dma_semaphore, #tpu.memory_space<semaphore_mem>>
        %dma_start3A_323 = arith.constant 0 : i32
        %dma_start3A_324 = arith.constant 0 : i32
        %dma_start3A_325 = tpu.memref_slice %arg31[%dma_start3A_323, %dma_start3A_324] : memref<10240x128xf32, #tpu.memory_space<vmem_shared>> -> memref<10240x128xf32, #tpu.memory_space<vmem_shared>>
        tpu.enqueue_indirect_dma source(%arg30 : memref<40x128xf32, #tpu.memory_space<vmem>>) target(%dma_start3A_325 : memref<10240x128xf32, #tpu.memory_space<vmem_shared>>) offsets(%arg22 : memref<40xi32, #tpu.memory_space<vmem>>) semaphore(%run_scoped3A : memref<!tpu.dma_semaphore, #tpu.memory_space<semaphore_mem>>) {add = true}
        %dma_wait3A_326 = arith.constant 0 : i32
        %dma_wait3A_327 = arith.constant 0 : i32
        %dma_wait3A_328 = tpu.memref_slice %arg31[%dma_wait3A_326, %dma_wait3A_327] : memref<10240x128xf32, #tpu.memory_space<vmem_shared>> -> memref<10240x128xf32, #tpu.memory_space<vmem_shared>>
        tpu.wait_indirect_dma semaphore(%run_scoped3A : memref<!tpu.dma_semaphore, #tpu.memory_space<semaphore_mem>>) src(%arg30 : memref<40x128xf32, #tpu.memory_space<vmem>>) dst(%dma_wait3A_328 : memref<10240x128xf32, #tpu.memory_space<vmem_shared>>)
        tpu.yield
      }) : () -> ()
      %mul3A_287 = arith.constant 160 : i32
      %mul3A_288 = arith.muli %min3A_246, %mul3A_287 : i32
      %add3A_289 = arith.addi %mul3A_4, %mul3A_288 : i32
      %add3A_290 = arith.constant 0 : i32
      %add3A_291 = arith.addi %add3A_289, %add3A_290 : i32
      %dma_start3A_292 = tpu.memref_slice %arg3[%add3A_291] : memref<160000xi32, #tpu.memory_space<hbm>> -> memref<40xi32, #tpu.memory_space<hbm>>
      %dma_start3A_293 = tpu.memref_slice %arg3[%add3A_291] : memref<160000xi32, #tpu.memory_space<hbm>> -> memref<40xi32, #tpu.memory_space<hbm>>
      tpu.enqueue_dma source(%dma_start3A_293 : memref<40xi32, #tpu.memory_space<hbm>>) target(%arg11 : memref<40xi32, #tpu.memory_space<vmem>>) target_semaphore(%arg32 : memref<!tpu.dma_semaphore, #tpu.memory_space<semaphore_mem>>)
      %dma_start3A_294 = tpu.memref_slice %arg4[%add3A_291] : memref<160000xi32, #tpu.memory_space<hbm>> -> memref<40xi32, #tpu.memory_space<hbm>>
      %dma_start3A_295 = tpu.memref_slice %arg4[%add3A_291] : memref<160000xi32, #tpu.memory_space<hbm>> -> memref<40xi32, #tpu.memory_space<hbm>>
      tpu.enqueue_dma source(%dma_start3A_295 : memref<40xi32, #tpu.memory_space<hbm>>) target(%arg19 : memref<40xi32, #tpu.memory_space<vmem>>) target_semaphore(%arg32 : memref<!tpu.dma_semaphore, #tpu.memory_space<semaphore_mem>>)
      %mul3A_296 = arith.constant 160 : i32
      %mul3A_297 = arith.muli %min3A_246, %mul3A_296 : i32
      %add3A_298 = arith.addi %mul3A_4, %mul3A_297 : i32
      %add3A_299 = arith.constant 40 : i32
      %add3A_300 = arith.addi %add3A_298, %add3A_299 : i32
      %dma_start3A_301 = tpu.memref_slice %arg3[%add3A_300] : memref<160000xi32, #tpu.memory_space<hbm>> -> memref<40xi32, #tpu.memory_space<hbm>>
      %dma_start3A_302 = tpu.memref_slice %arg3[%add3A_300] : memref<160000xi32, #tpu.memory_space<hbm>> -> memref<40xi32, #tpu.memory_space<hbm>>
      tpu.enqueue_dma source(%dma_start3A_302 : memref<40xi32, #tpu.memory_space<hbm>>) target(%arg12 : memref<40xi32, #tpu.memory_space<vmem>>) target_semaphore(%arg32 : memref<!tpu.dma_semaphore, #tpu.memory_space<semaphore_mem>>)
      %dma_start3A_303 = tpu.memref_slice %arg4[%add3A_300] : memref<160000xi32, #tpu.memory_space<hbm>> -> memref<40xi32, #tpu.memory_space<hbm>>
      %dma_start3A_304 = tpu.memref_slice %arg4[%add3A_300] : memref<160000xi32, #tpu.memory_space<hbm>> -> memref<40xi32, #tpu.memory_space<hbm>>
      tpu.enqueue_dma source(%dma_start3A_304 : memref<40xi32, #tpu.memory_space<hbm>>) target(%arg20 : memref<40xi32, #tpu.memory_space<vmem>>) target_semaphore(%arg32 : memref<!tpu.dma_semaphore, #tpu.memory_space<semaphore_mem>>)
      %mul3A_305 = arith.constant 160 : i32
      %mul3A_306 = arith.muli %min3A_246, %mul3A_305 : i32
      %add3A_307 = arith.addi %mul3A_4, %mul3A_306 : i32
      %add3A_308 = arith.constant 80 : i32
      %add3A_309 = arith.addi %add3A_307, %add3A_308 : i32
      %dma_start3A_310 = tpu.memref_slice %arg3[%add3A_309] : memref<160000xi32, #tpu.memory_space<hbm>> -> memref<40xi32, #tpu.memory_space<hbm>>
      %dma_start3A_311 = tpu.memref_slice %arg3[%add3A_309] : memref<160000xi32, #tpu.memory_space<hbm>> -> memref<40xi32, #tpu.memory_space<hbm>>
      tpu.enqueue_dma source(%dma_start3A_311 : memref<40xi32, #tpu.memory_space<hbm>>) target(%arg13 : memref<40xi32, #tpu.memory_space<vmem>>) target_semaphore(%arg32 : memref<!tpu.dma_semaphore, #tpu.memory_space<semaphore_mem>>)
      %dma_start3A_312 = tpu.memref_slice %arg4[%add3A_309] : memref<160000xi32, #tpu.memory_space<hbm>> -> memref<40xi32, #tpu.memory_space<hbm>>
      %dma_start3A_313 = tpu.memref_slice %arg4[%add3A_309] : memref<160000xi32, #tpu.memory_space<hbm>> -> memref<40xi32, #tpu.memory_space<hbm>>
      tpu.enqueue_dma source(%dma_start3A_313 : memref<40xi32, #tpu.memory_space<hbm>>) target(%arg21 : memref<40xi32, #tpu.memory_space<vmem>>) target_semaphore(%arg32 : memref<!tpu.dma_semaphore, #tpu.memory_space<semaphore_mem>>)
      %mul3A_314 = arith.constant 160 : i32
      %mul3A_315 = arith.muli %min3A_246, %mul3A_314 : i32
      %add3A_316 = arith.addi %mul3A_4, %mul3A_315 : i32
      %add3A_317 = arith.constant 120 : i32
      %add3A_318 = arith.addi %add3A_316, %add3A_317 : i32
      %dma_start3A_319 = tpu.memref_slice %arg3[%add3A_318] : memref<160000xi32, #tpu.memory_space<hbm>> -> memref<40xi32, #tpu.memory_space<hbm>>
      %dma_start3A_320 = tpu.memref_slice %arg3[%add3A_318] : memref<160000xi32, #tpu.memory_space<hbm>> -> memref<40xi32, #tpu.memory_space<hbm>>
      tpu.enqueue_dma source(%dma_start3A_320 : memref<40xi32, #tpu.memory_space<hbm>>) target(%arg14 : memref<40xi32, #tpu.memory_space<vmem>>) target_semaphore(%arg32 : memref<!tpu.dma_semaphore, #tpu.memory_space<semaphore_mem>>)
      %dma_start3A_321 = tpu.memref_slice %arg4[%add3A_318] : memref<160000xi32, #tpu.memory_space<hbm>> -> memref<40xi32, #tpu.memory_space<hbm>>
      %dma_start3A_322 = tpu.memref_slice %arg4[%add3A_318] : memref<160000xi32, #tpu.memory_space<hbm>> -> memref<40xi32, #tpu.memory_space<hbm>>
      tpu.enqueue_dma source(%dma_start3A_322 : memref<40xi32, #tpu.memory_space<hbm>>) target(%arg22 : memref<40xi32, #tpu.memory_space<vmem>>) target_semaphore(%arg32 : memref<!tpu.dma_semaphore, #tpu.memory_space<semaphore_mem>>)
    }
    %scan3A_99 = arith.constant 15 : i32
    %dma_wait3A_100 = tpu.memref_slice %arg3[%mul3A_4] : memref<160000xi32, #tpu.memory_space<hbm>> -> memref<40xi32, #tpu.memory_space<hbm>>
    %dma_wait3A_101 = tpu.memref_slice %arg3[%mul3A_4] : memref<160000xi32, #tpu.memory_space<hbm>> -> memref<40xi32, #tpu.memory_space<hbm>>
    tpu.wait_dma2 semaphore(%arg32 : memref<!tpu.dma_semaphore, #tpu.memory_space<semaphore_mem>>) src(%dma_wait3A_101 : memref<40xi32, #tpu.memory_space<hbm>>) dst(%arg11 : memref<40xi32, #tpu.memory_space<vmem>>)
    %dma_wait3A_102 = tpu.memref_slice %arg4[%mul3A_4] : memref<160000xi32, #tpu.memory_space<hbm>> -> memref<40xi32, #tpu.memory_space<hbm>>
    %dma_wait3A_103 = tpu.memref_slice %arg4[%mul3A_4] : memref<160000xi32, #tpu.memory_space<hbm>> -> memref<40xi32, #tpu.memory_space<hbm>>
    tpu.wait_dma2 semaphore(%arg32 : memref<!tpu.dma_semaphore, #tpu.memory_space<semaphore_mem>>) src(%dma_wait3A_103 : memref<40xi32, #tpu.memory_space<hbm>>) dst(%arg19 : memref<40xi32, #tpu.memory_space<vmem>>)
    %dma_wait3A_104 = tpu.memref_slice %arg3[%mul3A_4] : memref<160000xi32, #tpu.memory_space<hbm>> -> memref<40xi32, #tpu.memory_space<hbm>>
    %dma_wait3A_105 = tpu.memref_slice %arg3[%mul3A_4] : memref<160000xi32, #tpu.memory_space<hbm>> -> memref<40xi32, #tpu.memory_space<hbm>>
    tpu.wait_dma2 semaphore(%arg32 : memref<!tpu.dma_semaphore, #tpu.memory_space<semaphore_mem>>) src(%dma_wait3A_105 : memref<40xi32, #tpu.memory_space<hbm>>) dst(%arg12 : memref<40xi32, #tpu.memory_space<vmem>>)
    %dma_wait3A_106 = tpu.memref_slice %arg4[%mul3A_4] : memref<160000xi32, #tpu.memory_space<hbm>> -> memref<40xi32, #tpu.memory_space<hbm>>
    %dma_wait3A_107 = tpu.memref_slice %arg4[%mul3A_4] : memref<160000xi32, #tpu.memory_space<hbm>> -> memref<40xi32, #tpu.memory_space<hbm>>
    tpu.wait_dma2 semaphore(%arg32 : memref<!tpu.dma_semaphore, #tpu.memory_space<semaphore_mem>>) src(%dma_wait3A_107 : memref<40xi32, #tpu.memory_space<hbm>>) dst(%arg20 : memref<40xi32, #tpu.memory_space<vmem>>)
    %dma_wait3A_108 = tpu.memref_slice %arg3[%mul3A_4] : memref<160000xi32, #tpu.memory_space<hbm>> -> memref<40xi32, #tpu.memory_space<hbm>>
    %dma_wait3A_109 = tpu.memref_slice %arg3[%mul3A_4] : memref<160000xi32, #tpu.memory_space<hbm>> -> memref<40xi32, #tpu.memory_space<hbm>>
    tpu.wait_dma2 semaphore(%arg32 : memref<!tpu.dma_semaphore, #tpu.memory_space<semaphore_mem>>) src(%dma_wait3A_109 : memref<40xi32, #tpu.memory_space<hbm>>) dst(%arg13 : memref<40xi32, #tpu.memory_space<vmem>>)
    %dma_wait3A_110 = tpu.memref_slice %arg4[%mul3A_4] : memref<160000xi32, #tpu.memory_space<hbm>> -> memref<40xi32, #tpu.memory_space<hbm>>
    %dma_wait3A_111 = tpu.memref_slice %arg4[%mul3A_4] : memref<160000xi32, #tpu.memory_space<hbm>> -> memref<40xi32, #tpu.memory_space<hbm>>
    tpu.wait_dma2 semaphore(%arg32 : memref<!tpu.dma_semaphore, #tpu.memory_space<semaphore_mem>>) src(%dma_wait3A_111 : memref<40xi32, #tpu.memory_space<hbm>>) dst(%arg21 : memref<40xi32, #tpu.memory_space<vmem>>)
    %dma_wait3A_112 = tpu.memref_slice %arg3[%mul3A_4] : memref<160000xi32, #tpu.memory_space<hbm>> -> memref<40xi32, #tpu.memory_space<hbm>>
    %dma_wait3A_113 = tpu.memref_slice %arg3[%mul3A_4] : memref<160000xi32, #tpu.memory_space<hbm>> -> memref<40xi32, #tpu.memory_space<hbm>>
    tpu.wait_dma2 semaphore(%arg32 : memref<!tpu.dma_semaphore, #tpu.memory_space<semaphore_mem>>) src(%dma_wait3A_113 : memref<40xi32, #tpu.memory_space<hbm>>) dst(%arg14 : memref<40xi32, #tpu.memory_space<vmem>>)
    %dma_wait3A_114 = tpu.memref_slice %arg4[%mul3A_4] : memref<160000xi32, #tpu.memory_space<hbm>> -> memref<40xi32, #tpu.memory_space<hbm>>
    %dma_wait3A_115 = tpu.memref_slice %arg4[%mul3A_4] : memref<160000xi32, #tpu.memory_space<hbm>> -> memref<40xi32, #tpu.memory_space<hbm>>
    tpu.wait_dma2 semaphore(%arg32 : memref<!tpu.dma_semaphore, #tpu.memory_space<semaphore_mem>>) src(%dma_wait3A_115 : memref<40xi32, #tpu.memory_space<hbm>>) dst(%arg22 : memref<40xi32, #tpu.memory_space<vmem>>)
    %dma_wait3A_116 = arith.constant 0 : i32
    %dma_wait3A_117 = arith.constant 0 : i32
    %dma_wait3A_118 = tpu.memref_slice %arg2[%dma_wait3A_116, %dma_wait3A_117] : memref<10000x128xf32, #tpu.memory_space<hbm>> -> memref<10000x128xf32, #tpu.memory_space<hbm>>
    tpu.wait_indirect_dma semaphore(%arg33 : memref<!tpu.dma_semaphore, #tpu.memory_space<semaphore_mem>>) src(%dma_wait3A_118 : memref<10000x128xf32, #tpu.memory_space<hbm>>) dst(%arg23 : memref<40x128xf32, #tpu.memory_space<vmem>>)
    %dma_wait3A_119 = arith.constant 0 : i32
    %dma_wait3A_120 = arith.constant 0 : i32
    %dma_wait3A_121 = tpu.memref_slice %arg2[%dma_wait3A_119, %dma_wait3A_120] : memref<10000x128xf32, #tpu.memory_space<hbm>> -> memref<10000x128xf32, #tpu.memory_space<hbm>>
    tpu.wait_indirect_dma semaphore(%arg33 : memref<!tpu.dma_semaphore, #tpu.memory_space<semaphore_mem>>) src(%dma_wait3A_121 : memref<10000x128xf32, #tpu.memory_space<hbm>>) dst(%arg24 : memref<40x128xf32, #tpu.memory_space<vmem>>)
    %dma_wait3A_122 = arith.constant 0 : i32
    %dma_wait3A_123 = arith.constant 0 : i32
    %dma_wait3A_124 = tpu.memref_slice %arg2[%dma_wait3A_122, %dma_wait3A_123] : memref<10000x128xf32, #tpu.memory_space<hbm>> -> memref<10000x128xf32, #tpu.memory_space<hbm>>
    tpu.wait_indirect_dma semaphore(%arg33 : memref<!tpu.dma_semaphore, #tpu.memory_space<semaphore_mem>>) src(%dma_wait3A_124 : memref<10000x128xf32, #tpu.memory_space<hbm>>) dst(%arg25 : memref<40x128xf32, #tpu.memory_space<vmem>>)
    %dma_wait3A_125 = arith.constant 0 : i32
    %dma_wait3A_126 = arith.constant 0 : i32
    %dma_wait3A_127 = tpu.memref_slice %arg2[%dma_wait3A_125, %dma_wait3A_126] : memref<10000x128xf32, #tpu.memory_space<hbm>> -> memref<10000x128xf32, #tpu.memory_space<hbm>>
    tpu.wait_indirect_dma semaphore(%arg33 : memref<!tpu.dma_semaphore, #tpu.memory_space<semaphore_mem>>) src(%dma_wait3A_127 : memref<10000x128xf32, #tpu.memory_space<hbm>>) dst(%arg26 : memref<40x128xf32, #tpu.memory_space<vmem>>)
    "tpu.region"() ({
      %run_scoped3A = tpu.sem_alloc : memref<!tpu.dma_semaphore, #tpu.memory_space<semaphore_mem>>
      %dma_start3A_153 = arith.constant 0 : i32
      %dma_start3A_154 = arith.constant 0 : i32
      %dma_start3A_155 = tpu.memref_slice %arg31[%dma_start3A_153, %dma_start3A_154] : memref<10240x128xf32, #tpu.memory_space<vmem_shared>> -> memref<10240x128xf32, #tpu.memory_space<vmem_shared>>
      tpu.enqueue_indirect_dma source(%arg23 : memref<40x128xf32, #tpu.memory_space<vmem>>) target(%dma_start3A_155 : memref<10240x128xf32, #tpu.memory_space<vmem_shared>>) offsets(%arg15 : memref<40xi32, #tpu.memory_space<vmem>>) semaphore(%run_scoped3A : memref<!tpu.dma_semaphore, #tpu.memory_space<semaphore_mem>>) {add = true}
      %dma_wait3A_156 = arith.constant 0 : i32
      %dma_wait3A_157 = arith.constant 0 : i32
      %dma_wait3A_158 = tpu.memref_slice %arg31[%dma_wait3A_156, %dma_wait3A_157] : memref<10240x128xf32, #tpu.memory_space<vmem_shared>> -> memref<10240x128xf32, #tpu.memory_space<vmem_shared>>
      tpu.wait_indirect_dma semaphore(%run_scoped3A : memref<!tpu.dma_semaphore, #tpu.memory_space<semaphore_mem>>) src(%arg23 : memref<40x128xf32, #tpu.memory_space<vmem>>) dst(%dma_wait3A_158 : memref<10240x128xf32, #tpu.memory_space<vmem_shared>>)
      tpu.yield
    }) : () -> ()
    "tpu.region"() ({
      %run_scoped3A = tpu.sem_alloc : memref<!tpu.dma_semaphore, #tpu.memory_space<semaphore_mem>>
      %dma_start3A_153 = arith.constant 0 : i32
      %dma_start3A_154 = arith.constant 0 : i32
      %dma_start3A_155 = tpu.memref_slice %arg31[%dma_start3A_153, %dma_start3A_154] : memref<10240x128xf32, #tpu.memory_space<vmem_shared>> -> memref<10240x128xf32, #tpu.memory_space<vmem_shared>>
      tpu.enqueue_indirect_dma source(%arg24 : memref<40x128xf32, #tpu.memory_space<vmem>>) target(%dma_start3A_155 : memref<10240x128xf32, #tpu.memory_space<vmem_shared>>) offsets(%arg16 : memref<40xi32, #tpu.memory_space<vmem>>) semaphore(%run_scoped3A : memref<!tpu.dma_semaphore, #tpu.memory_space<semaphore_mem>>) {add = true}
      %dma_wait3A_156 = arith.constant 0 : i32
      %dma_wait3A_157 = arith.constant 0 : i32
      %dma_wait3A_158 = tpu.memref_slice %arg31[%dma_wait3A_156, %dma_wait3A_157] : memref<10240x128xf32, #tpu.memory_space<vmem_shared>> -> memref<10240x128xf32, #tpu.memory_space<vmem_shared>>
      tpu.wait_indirect_dma semaphore(%run_scoped3A : memref<!tpu.dma_semaphore, #tpu.memory_space<semaphore_mem>>) src(%arg24 : memref<40x128xf32, #tpu.memory_space<vmem>>) dst(%dma_wait3A_158 : memref<10240x128xf32, #tpu.memory_space<vmem_shared>>)
      tpu.yield
    }) : () -> ()
    "tpu.region"() ({
      %run_scoped3A = tpu.sem_alloc : memref<!tpu.dma_semaphore, #tpu.memory_space<semaphore_mem>>
      %dma_start3A_153 = arith.constant 0 : i32
      %dma_start3A_154 = arith.constant 0 : i32
      %dma_start3A_155 = tpu.memref_slice %arg31[%dma_start3A_153, %dma_start3A_154] : memref<10240x128xf32, #tpu.memory_space<vmem_shared>> -> memref<10240x128xf32, #tpu.memory_space<vmem_shared>>
      tpu.enqueue_indirect_dma source(%arg25 : memref<40x128xf32, #tpu.memory_space<vmem>>) target(%dma_start3A_155 : memref<10240x128xf32, #tpu.memory_space<vmem_shared>>) offsets(%arg17 : memref<40xi32, #tpu.memory_space<vmem>>) semaphore(%run_scoped3A : memref<!tpu.dma_semaphore, #tpu.memory_space<semaphore_mem>>) {add = true}
      %dma_wait3A_156 = arith.constant 0 : i32
      %dma_wait3A_157 = arith.constant 0 : i32
      %dma_wait3A_158 = tpu.memref_slice %arg31[%dma_wait3A_156, %dma_wait3A_157] : memref<10240x128xf32, #tpu.memory_space<vmem_shared>> -> memref<10240x128xf32, #tpu.memory_space<vmem_shared>>
      tpu.wait_indirect_dma semaphore(%run_scoped3A : memref<!tpu.dma_semaphore, #tpu.memory_space<semaphore_mem>>) src(%arg25 : memref<40x128xf32, #tpu.memory_space<vmem>>) dst(%dma_wait3A_158 : memref<10240x128xf32, #tpu.memory_space<vmem_shared>>)
      tpu.yield
    }) : () -> ()
    "tpu.region"() ({
      %run_scoped3A = tpu.sem_alloc : memref<!tpu.dma_semaphore, #tpu.memory_space<semaphore_mem>>
      %dma_start3A_153 = arith.constant 0 : i32
      %dma_start3A_154 = arith.constant 0 : i32
      %dma_start3A_155 = tpu.memref_slice %arg31[%dma_start3A_153, %dma_start3A_154] : memref<10240x128xf32, #tpu.memory_space<vmem_shared>> -> memref<10240x128xf32, #tpu.memory_space<vmem_shared>>
      tpu.enqueue_indirect_dma source(%arg26 : memref<40x128xf32, #tpu.memory_space<vmem>>) target(%dma_start3A_155 : memref<10240x128xf32, #tpu.memory_space<vmem_shared>>) offsets(%arg18 : memref<40xi32, #tpu.memory_space<vmem>>) semaphore(%run_scoped3A : memref<!tpu.dma_semaphore, #tpu.memory_space<semaphore_mem>>) {add = true}
      %dma_wait3A_156 = arith.constant 0 : i32
      %dma_wait3A_157 = arith.constant 0 : i32
      %dma_wait3A_158 = tpu.memref_slice %arg31[%dma_wait3A_156, %dma_wait3A_157] : memref<10240x128xf32, #tpu.memory_space<vmem_shared>> -> memref<10240x128xf32, #tpu.memory_space<vmem_shared>>
      tpu.wait_indirect_dma semaphore(%run_scoped3A : memref<!tpu.dma_semaphore, #tpu.memory_space<semaphore_mem>>) src(%arg26 : memref<40x128xf32, #tpu.memory_space<vmem>>) dst(%dma_wait3A_158 : memref<10240x128xf32, #tpu.memory_space<vmem_shared>>)
      tpu.yield
    }) : () -> ()
    %add3A_128 = arith.constant 4960 : i32
    %add3A_129 = arith.addi %mul3A_4, %add3A_128 : i32
    %add3A_130 = arith.constant 0 : i32
    %add3A_131 = arith.addi %add3A_129, %add3A_130 : i32
    %dma_start3A_132 = tpu.memref_slice %arg3[%add3A_131] : memref<160000xi32, #tpu.memory_space<hbm>> -> memref<40xi32, #tpu.memory_space<hbm>>
    %dma_start3A_133 = tpu.memref_slice %arg3[%add3A_131] : memref<160000xi32, #tpu.memory_space<hbm>> -> memref<40xi32, #tpu.memory_space<hbm>>
    tpu.enqueue_dma source(%dma_start3A_133 : memref<40xi32, #tpu.memory_space<hbm>>) target(%arg11 : memref<40xi32, #tpu.memory_space<vmem>>) target_semaphore(%arg32 : memref<!tpu.dma_semaphore, #tpu.memory_space<semaphore_mem>>)
    %dma_start3A_134 = tpu.memref_slice %arg4[%add3A_131] : memref<160000xi32, #tpu.memory_space<hbm>> -> memref<40xi32, #tpu.memory_space<hbm>>
    %dma_start3A_135 = tpu.memref_slice %arg4[%add3A_131] : memref<160000xi32, #tpu.memory_space<hbm>> -> memref<40xi32, #tpu.memory_space<hbm>>
    tpu.enqueue_dma source(%dma_start3A_135 : memref<40xi32, #tpu.memory_space<hbm>>) target(%arg19 : memref<40xi32, #tpu.memory_space<vmem>>) target_semaphore(%arg32 : memref<!tpu.dma_semaphore, #tpu.memory_space<semaphore_mem>>)
    %dma_wait3A_136 = tpu.memref_slice %arg3[%mul3A_4] : memref<160000xi32, #tpu.memory_space<hbm>> -> memref<40xi32, #tpu.memory_space<hbm>>
    %dma_wait3A_137 = tpu.memref_slice %arg3[%mul3A_4] : memref<160000xi32, #tpu.memory_space<hbm>> -> memref<40xi32, #tpu.memory_space<hbm>>
    tpu.wait_dma2 semaphore(%arg32 : memref<!tpu.dma_semaphore, #tpu.memory_space<semaphore_mem>>) src(%dma_wait3A_137 : memref<40xi32, #tpu.memory_space<hbm>>) dst(%arg11 : memref<40xi32, #tpu.memory_space<vmem>>)
    %dma_wait3A_138 = tpu.memref_slice %arg4[%mul3A_4] : memref<160000xi32, #tpu.memory_space<hbm>> -> memref<40xi32, #tpu.memory_space<hbm>>
    %dma_wait3A_139 = tpu.memref_slice %arg4[%mul3A_4] : memref<160000xi32, #tpu.memory_space<hbm>> -> memref<40xi32, #tpu.memory_space<hbm>>
    tpu.wait_dma2 semaphore(%arg32 : memref<!tpu.dma_semaphore, #tpu.memory_space<semaphore_mem>>) src(%dma_wait3A_139 : memref<40xi32, #tpu.memory_space<hbm>>) dst(%arg19 : memref<40xi32, #tpu.memory_space<vmem>>)
    %dma_start3A_140 = arith.constant 0 : i32
    %dma_start3A_141 = arith.constant 0 : i32
    %dma_start3A_142 = tpu.memref_slice %arg2[%dma_start3A_140, %dma_start3A_141] : memref<10000x128xf32, #tpu.memory_space<hbm>> -> memref<10000x128xf32, #tpu.memory_space<hbm>>
    tpu.enqueue_indirect_dma source(%dma_start3A_142 : memref<10000x128xf32, #tpu.memory_space<hbm>>) target(%arg27 : memref<40x128xf32, #tpu.memory_space<vmem>>) offsets(%arg11 : memref<40xi32, #tpu.memory_space<vmem>>) semaphore(%arg34 : memref<!tpu.dma_semaphore, #tpu.memory_space<semaphore_mem>>)
    %dma_wait3A_143 = arith.constant 0 : i32
    %dma_wait3A_144 = arith.constant 0 : i32
    %dma_wait3A_145 = tpu.memref_slice %arg2[%dma_wait3A_143, %dma_wait3A_144] : memref<10000x128xf32, #tpu.memory_space<hbm>> -> memref<10000x128xf32, #tpu.memory_space<hbm>>
    tpu.wait_indirect_dma semaphore(%arg34 : memref<!tpu.dma_semaphore, #tpu.memory_space<semaphore_mem>>) src(%dma_wait3A_145 : memref<10000x128xf32, #tpu.memory_space<hbm>>) dst(%arg27 : memref<40x128xf32, #tpu.memory_space<vmem>>)
    "tpu.region"() ({
      %run_scoped3A = tpu.sem_alloc : memref<!tpu.dma_semaphore, #tpu.memory_space<semaphore_mem>>
      %dma_start3A_153 = arith.constant 0 : i32
      %dma_start3A_154 = arith.constant 0 : i32
      %dma_start3A_155 = tpu.memref_slice %arg31[%dma_start3A_153, %dma_start3A_154] : memref<10240x128xf32, #tpu.memory_space<vmem_shared>> -> memref<10240x128xf32, #tpu.memory_space<vmem_shared>>
      tpu.enqueue_indirect_dma source(%arg27 : memref<40x128xf32, #tpu.memory_space<vmem>>) target(%dma_start3A_155 : memref<10240x128xf32, #tpu.memory_space<vmem_shared>>) offsets(%arg19 : memref<40xi32, #tpu.memory_space<vmem>>) semaphore(%run_scoped3A : memref<!tpu.dma_semaphore, #tpu.memory_space<semaphore_mem>>) {add = true}
      %dma_wait3A_156 = arith.constant 0 : i32
      %dma_wait3A_157 = arith.constant 0 : i32
      %dma_wait3A_158 = tpu.memref_slice %arg31[%dma_wait3A_156, %dma_wait3A_157] : memref<10240x128xf32, #tpu.memory_space<vmem_shared>> -> memref<10240x128xf32, #tpu.memory_space<vmem_shared>>
      tpu.wait_indirect_dma semaphore(%run_scoped3A : memref<!tpu.dma_semaphore, #tpu.memory_space<semaphore_mem>>) src(%arg27 : memref<40x128xf32, #tpu.memory_space<vmem>>) dst(%dma_wait3A_158 : memref<10240x128xf32, #tpu.memory_space<vmem_shared>>)
      tpu.yield
    }) : () -> ()
    %barrier3A_146 = arith.constant 0 : index
    tpu.barrier barrier_id(%barrier3A_146)
    %lt3A = arith.constant 15 : i32
    %lt3A_147 = arith.cmpi slt, %arg1, %lt3A : i32
    %convert_element_type3A = arith.extui %lt3A_147 : i1 to i32
    %cond3A = arith.constant 0 : i32
    %cond3A_148 = arith.cmpi ne, %convert_element_type3A, %cond3A : i32
    scf.if %cond3A_148 {
      %mul3A_153 = arith.constant 640 : i32
      %mul3A_154 = arith.muli %arg1, %mul3A_153 : i32
      %mul3A_155 = arith.constant 10000 : i32
      %mul3A_156 = arith.muli %arg0, %mul3A_155 : i32
      %mul3A_157 = arith.constant 640 : i32
      %mul3A_158 = arith.muli %arg1, %mul3A_157 : i32
      %add3A_159 = arith.addi %mul3A_156, %mul3A_158 : i32
      "tpu.region"() ({
        %run_scoped3A = tpu.sem_alloc : memref<!tpu.dma_semaphore, #tpu.memory_space<semaphore_mem>>
        %dma_start3A_160 = arith.constant 0 : i32
        %dma_start3A_161 = tpu.memref_slice %arg6[%add3A_159, %dma_start3A_160] : memref<20000x128xf32, #tpu.memory_space<hbm>> -> memref<640x128xf32, #tpu.memory_space<hbm>>
        %dma_start3A_162 = arith.constant 0 : i32
        %dma_start3A_163 = tpu.memref_slice %arg31[%mul3A_154, %dma_start3A_162] : memref<10240x128xf32, #tpu.memory_space<vmem_shared>> -> memref<640x128xf32, #tpu.memory_space<vmem_shared>>
        tpu.enqueue_dma source(%dma_start3A_163 : memref<640x128xf32, #tpu.memory_space<vmem_shared>>) target(%dma_start3A_161 : memref<640x128xf32, #tpu.memory_space<hbm>>) target_semaphore(%run_scoped3A : memref<!tpu.dma_semaphore, #tpu.memory_space<semaphore_mem>>)
        %dma_wait3A_164 = arith.constant 0 : i32
        %dma_wait3A_165 = tpu.memref_slice %arg6[%add3A_159, %dma_wait3A_164] : memref<20000x128xf32, #tpu.memory_space<hbm>> -> memref<640x128xf32, #tpu.memory_space<hbm>>
        %dma_wait3A_166 = arith.constant 0 : i32
        %dma_wait3A_167 = tpu.memref_slice %arg31[%mul3A_154, %dma_wait3A_166] : memref<10240x128xf32, #tpu.memory_space<vmem_shared>> -> memref<640x128xf32, #tpu.memory_space<vmem_shared>>
        tpu.wait_dma2 semaphore(%run_scoped3A : memref<!tpu.dma_semaphore, #tpu.memory_space<semaphore_mem>>) src(%dma_wait3A_167 : memref<640x128xf32, #tpu.memory_space<vmem_shared>>) dst(%dma_wait3A_165 : memref<640x128xf32, #tpu.memory_space<hbm>>)
        tpu.yield
      }) : () -> ()
    } else {
    }
    %eq3A = arith.constant 15 : i32
    %eq3A_149 = arith.cmpi eq, %arg1, %eq3A : i32
    %convert_element_type3A_150 = arith.extui %eq3A_149 : i1 to i32
    %cond3A_151 = arith.constant 0 : i32
    %cond3A_152 = arith.cmpi ne, %convert_element_type3A_150, %cond3A_151 : i32
    scf.if %cond3A_152 {
      %mul3A_153 = arith.constant 10000 : i32
      %mul3A_154 = arith.muli %arg0, %mul3A_153 : i32
      %add3A_155 = arith.constant 9600 : i32
      %add3A_156 = arith.addi %mul3A_154, %add3A_155 : i32
      "tpu.region"() ({
        %run_scoped3A = tpu.sem_alloc : memref<!tpu.dma_semaphore, #tpu.memory_space<semaphore_mem>>
        %dma_start3A_157 = arith.constant 0 : i32
        %dma_start3A_158 = tpu.memref_slice %arg6[%add3A_156, %dma_start3A_157] : memref<20000x128xf32, #tpu.memory_space<hbm>> -> memref<400x128xf32, #tpu.memory_space<hbm>>
        %dma_start3A_159 = arith.constant 9600 : i32
        %dma_start3A_160 = arith.constant 0 : i32
        %dma_start3A_161 = tpu.memref_slice %arg31[%dma_start3A_159, %dma_start3A_160] : memref<10240x128xf32, #tpu.memory_space<vmem_shared>> -> memref<400x128xf32, #tpu.memory_space<vmem_shared>>
        tpu.enqueue_dma source(%dma_start3A_161 : memref<400x128xf32, #tpu.memory_space<vmem_shared>>) target(%dma_start3A_158 : memref<400x128xf32, #tpu.memory_space<hbm>>) target_semaphore(%run_scoped3A : memref<!tpu.dma_semaphore, #tpu.memory_space<semaphore_mem>>)
        %dma_wait3A_162 = arith.constant 0 : i32
        %dma_wait3A_163 = tpu.memref_slice %arg6[%add3A_156, %dma_wait3A_162] : memref<20000x128xf32, #tpu.memory_space<hbm>> -> memref<400x128xf32, #tpu.memory_space<hbm>>
        %dma_wait3A_164 = arith.constant 9600 : i32
        %dma_wait3A_165 = arith.constant 0 : i32
        %dma_wait3A_166 = tpu.memref_slice %arg31[%dma_wait3A_164, %dma_wait3A_165] : memref<10240x128xf32, #tpu.memory_space<vmem_shared>> -> memref<400x128xf32, #tpu.memory_space<vmem_shared>>
        tpu.wait_dma2 semaphore(%run_scoped3A : memref<!tpu.dma_semaphore, #tpu.memory_space<semaphore_mem>>) src(%dma_wait3A_166 : memref<400x128xf32, #tpu.memory_space<vmem_shared>>) dst(%dma_wait3A_163 : memref<400x128xf32, #tpu.memory_space<hbm>>)
        tpu.yield
      }) : () -> ()
    } else {
    }
    return
  }
}

module attributes {stable_mosaic.version = 14 : i64} {
  func.func @body(%arg0: i32, %arg1: i32, %arg2: memref<1000x256xf32, #tpu.memory_space<vmem>>, %arg3: memref<256x128xf32, #tpu.memory_space<vmem>>, %arg4: memref<1000x128xf32, #tpu.memory_space<vmem>>) attributes {dimension_semantics = [#tpu.dimension_semantics<arbitrary>, #tpu.dimension_semantics<arbitrary>], iteration_bounds = array<i64: 10, 2>, scalar_prefetch = 0 : i64, scratch_operands = 0 : i64, tpu.core_type = #tpu.core_type<tc>, window_params = [{transform_indices = @transform_0, window_bounds = array<i64: 1000, 256>}, {transform_indices = @transform_1, window_bounds = array<i64: 256, 128>}, {transform_indices = @transform_2, window_bounds = array<i64: 1000, 128>}]} {
    %get3A = arith.constant 0 : index
    %get3A_0 = arith.constant 0 : index
    %get3A_1 = vector.load %arg2[%get3A, %get3A_0] : memref<1000x256xf32, #tpu.memory_space<vmem>>, vector<1000x256xf32>
    %get3A_2 = arith.constant 0 : index
    %get3A_3 = arith.constant 0 : index
    %get3A_4 = vector.load %arg3[%get3A_2, %get3A_3] : memref<256x128xf32, #tpu.memory_space<vmem>>, vector<256x128xf32>
    %dot_general3A = arith.constant dense<0.000000e+00> : vector<1000x128xf32>
    %dot_general3A_5 = tpu.matmul %get3A_1, %get3A_4, %dot_general3A {dimension_numbers = #tpu.dot_dimension_numbers<[1], [0], [0], [1], [0, 0, 1, 1], [], []>, transpose_lhs_hint = false} : vector<1000x256xf32>, vector<256x128xf32>, vector<1000x128xf32> -> vector<1000x128xf32>
    %swap3A = arith.constant 0 : index
    %swap3A_6 = arith.constant 0 : index
    %swap3A_7 = vector.load %arg4[%swap3A, %swap3A_6] : memref<1000x128xf32, #tpu.memory_space<vmem>>, vector<1000x128xf32>
    tpu.vector_store %arg4[%swap3A, %swap3A_6], %dot_general3A_5 {strides = array<i32>} : memref<1000x128xf32, #tpu.memory_space<vmem>>, vector<1000x128xf32>,
    return
  }
  func.func @transform_0(%arg0: i32, %arg1: i32) -> (i32, i32) {
    %c0_i32 = arith.constant 0 : i32
    %c0_i32_0 = arith.constant 0 : i32
    return %arg0, %c0_i32 : i32, i32
  }
  func.func @transform_1(%arg0: i32, %arg1: i32) -> (i32, i32) {
    %c0_i32 = arith.constant 0 : i32
    %c0_i32_0 = arith.constant 0 : i32
    return %c0_i32, %arg1 : i32, i32
  }
  func.func @transform_2(%arg0: i32, %arg1: i32) -> (i32, i32) {
    %mul3A = arith.constant 10 : i32
    %mul3A_0 = arith.muli %arg1, %mul3A : i32
    %add3A = arith.addi %mul3A_0, %arg0 : i32
    %c0_i32 = arith.constant 0 : i32
    %c0_i32_1 = arith.constant 0 : i32
    return %add3A, %c0_i32 : i32, i32
  }
}

module attributes {stable_mosaic.version = 14 : i64} {
  func.func @body(%arg0: i32, %arg1: memref<1000x128xf32, #tpu.memory_space<vmem>>, %arg2: memref<1000x128xf32, #tpu.memory_space<vmem>>, %arg3: memref<256x128xf32, #tpu.memory_space<vmem>>, %arg4: memref<1000x128xf32, #tpu.memory_space<vmem>>) attributes {dimension_semantics = [#tpu.dimension_semantics<arbitrary>], iteration_bounds = array<i64: 10>, scalar_prefetch = 0 : i64, scratch_operands = 0 : i64, tpu.core_type = #tpu.core_type<tc>, window_params = [{transform_indices = @transform_0, window_bounds = array<i64: 1000, 128>}, {transform_indices = @transform_1, window_bounds = array<i64: 1000, 128>}, {pipeline_mode = #tpu.pipeline_mode<synchronous>, transform_indices = @transform_2, window_bounds = array<i64: 256, 128>}, {transform_indices = @transform_3, window_bounds = array<i64: 1000, 128>}]} {
    %get3A = arith.constant 0 : index
    %get3A_0 = arith.constant 0 : index
    %get3A_1 = vector.load %arg1[%get3A, %get3A_0] : memref<1000x128xf32, #tpu.memory_space<vmem>>, vector<1000x128xf32>
    %max3A = arith.constant 0.000000e+00 : f32
    %max3A_2 = vector.broadcast %max3A : f32 to vector<1000x128xf32>
    %max3A_3 = arith.maximumf %get3A_1, %max3A_2 : vector<1000x128xf32>
    %get3A_4 = arith.constant 0 : index
    %get3A_5 = arith.constant 0 : index
    %get3A_6 = vector.load %arg3[%get3A_4, %get3A_5] : memref<256x128xf32, #tpu.memory_space<vmem>>, vector<128x128xf32>
    %dot_general3A = arith.constant dense<0.000000e+00> : vector<1000x128xf32>
    %dot_general3A_7 = tpu.matmul %max3A_3, %get3A_6, %dot_general3A {dimension_numbers = #tpu.dot_dimension_numbers<[1], [0], [0], [1], [0, 0, 1, 1], [], []>, transpose_lhs_hint = false} : vector<1000x128xf32>, vector<128x128xf32>, vector<1000x128xf32> -> vector<1000x128xf32>
    %get3A_8 = arith.constant 0 : index
    %get3A_9 = arith.constant 0 : index
    %get3A_10 = vector.load %arg2[%get3A_8, %get3A_9] : memref<1000x128xf32, #tpu.memory_space<vmem>>, vector<1000x128xf32>
    %max3A_11 = arith.constant 0.000000e+00 : f32
    %max3A_12 = vector.broadcast %max3A_11 : f32 to vector<1000x128xf32>
    %max3A_13 = arith.maximumf %get3A_10, %max3A_12 : vector<1000x128xf32>
    %get3A_14 = arith.constant 128 : index
    %get3A_15 = arith.constant 0 : index
    %get3A_16 = vector.load %arg3[%get3A_14, %get3A_15] : memref<256x128xf32, #tpu.memory_space<vmem>>, vector<128x128xf32>
    %dot_general3A_17 = arith.constant dense<0.000000e+00> : vector<1000x128xf32>
    %dot_general3A_18 = tpu.matmul %max3A_13, %get3A_16, %dot_general3A_17 {dimension_numbers = #tpu.dot_dimension_numbers<[1], [0], [0], [1], [0, 0, 1, 1], [], []>, transpose_lhs_hint = false} : vector<1000x128xf32>, vector<128x128xf32>, vector<1000x128xf32> -> vector<1000x128xf32>
    %add3A = arith.addf %dot_general3A_7, %dot_general3A_18 : vector<1000x128xf32>
    %swap3A = arith.constant 0 : index
    %swap3A_19 = arith.constant 0 : index
    %swap3A_20 = vector.load %arg4[%swap3A, %swap3A_19] : memref<1000x128xf32, #tpu.memory_space<vmem>>, vector<1000x128xf32>
    tpu.vector_store %arg4[%swap3A, %swap3A_19], %add3A {strides = array<i32>} : memref<1000x128xf32, #tpu.memory_space<vmem>>, vector<1000x128xf32>,
    return
  }
  func.func @transform_0(%arg0: i32) -> (i32, i32) {
    %c0_i32 = arith.constant 0 : i32
    %c0_i32_0 = arith.constant 0 : i32
    return %arg0, %c0_i32 : i32, i32
  }
  func.func @transform_1(%arg0: i32) -> (i32, i32) {
    %add3A = arith.constant 10 : i32
    %add3A_0 = arith.addi %arg0, %add3A : i32
    %c0_i32 = arith.constant 0 : i32
    %c0_i32_1 = arith.constant 0 : i32
    return %add3A_0, %c0_i32 : i32, i32
  }
  func.func @transform_2(%arg0: i32) -> (i32, i32) {
    %c0_i32 = arith.constant 0 : i32
    %c0_i32_0 = arith.constant 0 : i32
    %c0_i32_1 = arith.constant 0 : i32
    return %c0_i32, %c0_i32_0 : i32, i32
  }
  func.func @transform_3(%arg0: i32) -> (i32, i32) {
    %c0_i32 = arith.constant 0 : i32
    %c0_i32_0 = arith.constant 0 : i32
    return %arg0, %c0_i32 : i32, i32
  }
}

module attributes {stable_mosaic.version = 14 : i64} {
  func.func @body(%arg0: i32, %arg1: memref<1000x128xf32, #tpu.memory_space<vmem>>, %arg2: memref<1000x128xf32, #tpu.memory_space<vmem>>, %arg3: memref<1000x41xf32, #tpu.memory_space<vmem>>) attributes {dimension_semantics = [#tpu.dimension_semantics<arbitrary>], iteration_bounds = array<i64: 10>, scalar_prefetch = 0 : i64, scratch_operands = 0 : i64, tpu.core_type = #tpu.core_type<tc>, window_params = [{transform_indices = @transform_0, window_bounds = array<i64: 1000, 128>}, {transform_indices = @transform_1, window_bounds = array<i64: 1000, 128>}, {transform_indices = @transform_2, window_bounds = array<i64: 1000, 41>}]} {
    %get3A = arith.constant 0 : index
    %get3A_0 = arith.constant 0 : index
    %get3A_1 = vector.load %arg1[%get3A, %get3A_0] : memref<1000x128xf32, #tpu.memory_space<vmem>>, vector<1000x41xf32>
    %get3A_2 = arith.constant 0 : index
    %get3A_3 = arith.constant 0 : index
    %get3A_4 = vector.load %arg2[%get3A_2, %get3A_3] : memref<1000x128xf32, #tpu.memory_space<vmem>>, vector<1000x41xf32>
    %add3A = arith.addf %get3A_1, %get3A_4 : vector<1000x41xf32>
    %swap3A = arith.constant 0 : index
    %swap3A_5 = arith.constant 0 : index
    %swap3A_6 = vector.load %arg3[%swap3A, %swap3A_5] : memref<1000x41xf32, #tpu.memory_space<vmem>>, vector<1000x41xf32>
    tpu.vector_store %arg3[%swap3A, %swap3A_5], %add3A {strides = array<i32>} : memref<1000x41xf32, #tpu.memory_space<vmem>>, vector<1000x41xf32>,
    return
  }
  func.func @transform_0(%arg0: i32) -> (i32, i32) {
    %c0_i32 = arith.constant 0 : i32
    %c0_i32_0 = arith.constant 0 : i32
    return %arg0, %c0_i32 : i32, i32
  }
  func.func @transform_1(%arg0: i32) -> (i32, i32) {
    %add3A = arith.constant 10 : i32
    %add3A_0 = arith.addi %arg0, %add3A : i32
    %c0_i32 = arith.constant 0 : i32
    %c0_i32_1 = arith.constant 0 : i32
    return %add3A_0, %c0_i32 : i32, i32
  }
  func.func @transform_2(%arg0: i32) -> (i32, i32) {
    %c0_i32 = arith.constant 0 : i32
    %c0_i32_0 = arith.constant 0 : i32
    return %arg0, %c0_i32 : i32, i32
  }
}

</mosaic_0001>

<sc_bundles>
// kernel: kernel.10.cloned.1.call-start
scs
__scs_entry_jumppad:
0x0: {  	(pc) =	sbr.rel $0x88, $3  }
0x1: {  	(tag) =	ssettag $0x0;
	lr =	simm.s32 $0x1  }
0x2: {  	[smem:$0x3F9D] =	sst lr;
	_ =	strace $0xD0000000  }
0x3: {  	_ = 	snop  }
0x4: {  	_ = 	snop  }
0x5: {  	_ = 	snop  }
0x6: {  	_ = 	snop  }
0x7: {  	_ = 	snop  }
__scs_overlays_trampoline_lowered:
0x8: {  	[smem:$0x3FAC] =	sst s0  }
0x9: {  	[smem:$0x3FAD] =	sst s1  }
0xa: {  	[smem:$0x3FAE] =	sst s2  }
0xb: {  	[smem:$0x3FAF] =	sst s3  }
0xc: {  	[smem:$0x3FB0] =	sst s4  }
0xd: {  	[smem:$0x3FB1] =	sst s5  }
0xe: {  	[smem:$0x3FB2] =	sst s6  }
0xf: {  	[smem:$0x3FB3] =	sst s7  }
0x10: {  	[smem:$0x3FB4] =	sst s8  }
0x11: {  	[smem:$0x3FB5] =	sst s9;
	s0 =	simm.s32 @!p0 $0x0  }
0x12: {  	s1 =	sld [smem:$0x3F9B];
	s0 =	simm.s32 @p0 $0x1  }
0x13: {  	[smem:$0x3FB6] =	sst s0;
	s0 =	simm.s32 @!p1 $0x0  }
0x14: {  	s2 =	sld [smem:$0x3F9A];
	s0 =	simm.s32 @p1 $0x1  }
0x15: {  	[smem:$0x3FB7] =	sst s0;
	s0 =	simm.s32 @!p2 $0x0  }
0x16: {  	s3 =	sld [smem:$0x3FDB];
	s0 =	simm.s32 @p2 $0x1  }
0x17: {  	s4 =	simm.s32 $0x1BF5;
	[smem:$0x3FB9] =	sst s0  }
0x18: {  	s0 =	sld [smem:$0x3F9C];
	_ =	swait.ge [sflag:s4], $0x0  }
0x19: {  	s7 =	sld [smem:$0x3F9D]  }
0x1a: {  	s8 =	sadd.s32 $0xFFFFE003, lr  }
0x1b: {  	s9 =	sadd.s32 $0xFFFFFEF7, lr;
	s5 =	simm.s32 $0xFFFFFFFF;
	p2 =	slt.u32 s8, $0xFFFFF086  }
0x1c: {  	p1 =	slt.u32 s9, $0xF7A;
	s5 =	simm.s32 @!p2 $0x0  }
0x1d: {  	s5 =	simm.s32 @p1 $0x1;
	p0 =	seq.s32 s7, s2  }
0x1e: {  	s7 =	smul.u32 @!p0 $0xF7A, s2;
	p2 =	seq.s32 @!p0 s5, $0x0  }
0x1f: {  	s9 =	smul.u32 $0xF7A, s1;
	s8 =	simm.s32 @!p0 $0x1BF5;
	p2 =	por !p2, p0  }
0x20: {  	[sflag:s8] =	ssyncset.s32 @!p0 $0xFFFFF086;
	s6 =	sadd.s32 @!p0 s3, s7;
	s7 =	simm.s32 @!p0 $0x108  }
0x21: {  	s3 =	sadd.s32 s3, s9;
	s6 =	sadd.s32 @!p0 $0x88, s6;
	s7 =	simm.s32 @p2 $0x1082  }
0x22: {  	[simem:s7], [sflag:s8] =	dma.local @!p0 [hbm:s6], $0xF7A  }
0x23: {  	s9 =	sor.u32 $0xD0000000, s2;
	s6 =	simm.s32 $0x108;
	_ =	swait.ge @!p0 [sflag:s8], $0x0  }
0x24: {  	s3 =	sadd.s32 $0x88, s3;
	s6 =	simm.s32 @!p1 $0x1082;
	[sflag:s4] =	ssyncset.s32 $0xFFFFF086  }
0x25: {  	[simem:s6], [sflag:s4] =	dma.local [hbm:s3], $0xF7A  }
0x26: {  	[smem:$0x3F9D] =	sst s1;
	(tag) =	ssettag s2;
	_ =	strace s9  }
0x27: {  	s1 =	sld [smem:$0x3FAD]  }
0x28: {  	s2 =	sld [smem:$0x3FAE]  }
0x29: {  	s4 =	sld [smem:$0x3FB0]  }
0x2a: {  	p0 =	seq.s32 s5, $0x0;
	s5 =	sld [smem:$0x3FB1]  }
0x2b: {  	s6 =	sld [smem:$0x3FB2]  }
0x2c: {  	s7 =	sld [smem:$0x3FB3]  }
0x2d: {  	s3 =	simm.s32 $0x108;
	s8 =	sld [smem:$0x3FB4]  }
0x2e: {  	s3 =	simm.s32 @!p0 $0x1082;
	s9 =	sld [smem:$0x3FB5]  }
0x2f: {  	lr =	sadd.s32 s0, s3;
	s0 =	sld [smem:$0x3FAC]  }
0x30: {  	s3 =	sld [smem:$0x3FAF]  }
0x31: {  	[smem:$0x3FB8] =	sst s10  }
0x32: {  	s10 =	sld [smem:$0x3FB6];
	_ =	sdelay $0x3  }
0x33: {  	p0 =	seq.s32 s10, $0x1;
	s10 =	sld [smem:$0x3FB8];
	_ =	sdelay $0x3  }
0x34: {  	[smem:$0x3FB8] =	sst s10  }
0x35: {  	s10 =	sld [smem:$0x3FB7];
	_ =	sdelay $0x3  }
0x36: {  	p1 =	seq.s32 s10, $0x1;
	s10 =	sld [smem:$0x3FB8];
	_ =	sdelay $0x3  }
0x37: {  	[smem:$0x3FB8] =	sst s10  }
0x38: {  	s10 =	sld [smem:$0x3FB9]  }
0x39: {  	_ = 	snop;
	(pc) =	sbr.ind lr, $3  }
0x3a: {  	_ = 	snop  }
0x3b: {  	_ = 	snop  }
0x3c: {  	p2 =	seq.s32 s10, $0x1;
	s10 =	sld [smem:$0x3FB8]  }
0x3d: {  	_ =	shalt  }
0x3e: {  	_ =	shalt  }
0x3f: {  	_ =	shalt  }
0x40: {  	_ =	shalt  }
0x41: {  	_ =	shalt  }
0x42: {  	_ =	shalt  }
0x43: {  	_ =	shalt  }
0x44: {  	_ =	shalt  }
0x45: {  	_ =	shalt  }
0x46: {  	_ =	shalt  }
0x47: {  	_ =	shalt  }
0x48: {  	_ =	shalt  }
0x49: {  	_ =	shalt  }
0x4a: {  	_ =	shalt  }
0x4b: {  	_ =	shalt  }
0x4c: {  	_ =	shalt  }
0x4d: {  	_ =	shalt  }
0x4e: {  	_ =	shalt  }
0x4f: {  	_ =	shalt  }
0x50: {  	_ =	shalt  }
0x51: {  	_ =	shalt  }
0x52: {  	_ =	shalt  }
0x53: {  	_ =	shalt  }
0x54: {  	_ =	shalt  }
0x55: {  	_ =	shalt  }
0x56: {  	_ =	shalt  }
0x57: {  	_ =	shalt  }
0x58: {  	_ =	shalt  }
0x59: {  	_ =	shalt  }
0x5a: {  	_ =	shalt  }
0x5b: {  	_ =	shalt  }
0x5c: {  	_ =	shalt  }
0x5d: {  	_ =	shalt  }
0x5e: {  	_ =	shalt  }
0x5f: {  	_ =	shalt  }
0x60: {  	_ =	shalt  }
0x61: {  	_ =	shalt  }
0x62: {  	_ =	shalt  }
0x63: {  	_ =	shalt  }
0x64: {  	_ =	shalt  }
0x65: {  	_ =	shalt  }
0x66: {  	_ =	shalt  }
0x67: {  	_ =	shalt  }
0x68: {  	_ =	shalt  }
0x69: {  	_ =	shalt  }
0x6a: {  	_ =	shalt  }
0x6b: {  	_ =	shalt  }
0x6c: {  	_ =	shalt  }
0x6d: {  	_ =	shalt  }
0x6e: {  	_ =	shalt  }
0x6f: {  	_ =	shalt  }
0x70: {  	_ =	shalt  }
0x71: {  	_ =	shalt  }
0x72: {  	_ =	shalt  }
0x73: {  	_ =	shalt  }
0x74: {  	_ =	shalt  }
0x75: {  	_ =	shalt  }
0x76: {  	_ =	shalt  }
0x77: {  	_ =	shalt  }
0x78: {  	_ =	shalt  }
0x79: {  	_ =	shalt  }
0x7a: {  	_ =	shalt  }
0x7b: {  	_ =	shalt  }
0x7c: {  	_ =	shalt  }
0x7d: {  	_ =	shalt  }
0x7e: {  	_ =	shalt  }
0x7f: {  	_ =	shalt  }
0x80: {  	_ =	shalt  }
0x81: {  	_ =	shalt  }
0x82: {  	_ =	shalt  }
0x83: {  	_ =	shalt  }
0x84: {  	_ =	shalt  }
0x85: {  	_ =	shalt  }
0x86: {  	_ =	shalt  }
0x87: {  	_ =	shalt  }
.Lfunc_end0:
.L_simem_size_0:
called_computation.1_lowered:
.L_overlay_start_0:
0x88: {  	s2 =	sld [smem:$0x3FD9]  }
0x89: {  	s3 =	sld [smem:$0x3FFE];
	_ =	sdelay $0x1  }
0x8a: {  	s1 =	srdreg.scid  }
0x8b: {  	s0 =	sand.u32 $0x1, s1  }
0x8c: {  	s17 =	sshll.u32 s0, $0xA;
	s2 =	sadd.s32 s3, s2  }
0x8d: {  	s2 =	sadd.s32 s2, s17  }
0x8e: {  	[smem:$0x3FC4] =	sst s2  }
0x8f: {  	_ = 	snop  }
0x90: {  	s2 =	sld [smem:$0x3FD0];
	(tm) =	ssettm $0x1  }
0x91: {  	s18 =	sld [smem:$0x3FFB];
	_ =	sdelay $0x3  }
0x92: {  	_ =	strace s18  }
0x93: {  	s3 =	sld [smem:$0x3FFC];
	_ =	sdelay $0x3  }
0x94: {  	_ =	strace s3  }
0x95: {  	s3 =	sld [smem:$0x3FFD];
	_ =	sdelay $0x3  }
0x96: {  	_ =	strace s3  }
0x97: {  	_ =	strace $0x8FFFFFFF  }
0x98: {  	s19 =	sld [smem:$0x3FDB];
	_ =	sdelay $0x1  }
0x99: {  	s4 =	simm.s32 $_scs_section_size  }
0x9a: {  	s5 =	simm.s32 $_size__tile_overlayer_lowered;
	s6 =	simm.s32 $_tile_overlayer_lowered  }
0x9b: {  	s22 =	simm.s32 $0x1BFF;
	s21 =	sshll.u32 s6, $0x1;
	s3 =	sadd.s32 s4, s19  }
0x9c: {  	s7 =	simm.s32 $0x0;
	s20 =	sshll.u32 s5, $0x1;
	s5 =	sadd.s32 s21, s3  }
0x9d: {  	[timem:s7], [sflag:s22] =	dma.local [hbm:s5], s20  }
0x9e: {  	_ =	swait.ge [sflag:s22], s20  }
0x9f: {  	s4 =	ssub.s32 $0x0, s20;
	[sflag:s22] =	ssyncset.done $0x0  }
0xa0: {  	[sflag:s22] =	ssyncadd.s32 s4;
	_ =	sdelay $0x1  }
0xa1: {  	s23 =	simm.s32 $0x1B8B  }
0xa2: {  	_ =	swait.ge [sflag:s23], $0x1  }
0xa3: {  	[sflag:s23] =	ssyncset.done $0x0  }
0xa4: {  	s25 =	simm.s32 $0x1B8E;
	s24 =	sld [smem:$0x3FFE];
	[sflag:s23] =	ssyncadd.s32 $0xFFFFFFFF  }
0xa5: {  	s26 =	simm.s32 $execute0_lowered;
	[smem:$0x3FD2] =	sst s25  }
0xa6: {  	s5 =	sshll.u32 s26, $0x1;
	_ =	strace $0x80000049;
	[dreg:$0x1] =	wrdreg $0xFFFFFFFF  }
0xa7: {  	s28 =	simm.s32 $_size_execute0_lowered;
	s3 =	sadd.s32 s3, s5;
	[dreg:$0x0] =	wrdreg $0x0  }
0xa8: {  	s5 =	sshll.u32 s28, $0x1;
	[dreg:$0x2] =	wrdreg s3  }
0xa9: {  	[dreg:$0x3] =	wrdreg s5  }
0xaa: {  	[dreg:$0x4] =	wrdreg $0xC0  }
0xab: {  	_ =	task [dreg:s7], $0x5FFFF  }
0xac: {  	[dreg:$0x1] =	wrdreg $0xFFFFFFFF  }
0xad: {  	[dreg:$0x0] =	wrdreg $0x60  }
0xae: {  	[dreg:$0x2] =	wrdreg s24  }
0xaf: {  	[dreg:$0x3] =	wrdreg s2  }
0xb0: {  	[dreg:$0x4] =	wrdreg $0xA8000  }
0xb1: {  	[dreg:$0x5] =	wrdreg $0x9  }
0xb2: {  	_ =	task.clear_ibuf [dreg:s7], $0x6FFFF;
	_ =	strace $0x90000049  }
0xb3: {  	s29 =	simm.s32 $0x9;
	_ =	strace $0x8000004B  }
0xb4: {  	_ =	swait.ge [sflag:s29], $0x1  }
0xb5: {  	[sflag:s29] =	ssyncadd.s32 $0xFFFFFFFF  }
0xb6: {  	_ =	strace $0x9000004B  }
0xb7: {  	_ =	sfence  }
0xb8: {  	s30 =	sld [smem:$0x0];
	_ =	sdelay $0x2  }
0xb9: {  	s31 =	sshll.u32 s1, $0xD;
	s1 =	sshrl.u32 s1, $0x2  }
0xba: {  	s3 =	sand.u32 $0x4000, s31;
	s1 =	sadd.s32 s1, s30  }
0xbb: {  	s0 =	sor.u32 s3, s0;
	s1 =	sshll.u32 s1, $0x11  }
0xbc: {  	s0 =	sor.u32 s1, s0  }
0xbd: {  	s0 =	sadd.s32 $0x8F2B, s0  }
0xbe: {  	[sflag:s0] =	ssyncadd.remote.s32 $0x1  }
0xbf: {  	_ =	sfence.sel $0xFFFF  }
0xc0: {  	[dreg:$0x0] =	wrdreg $0xFFFFFFFF;
	(pc) =	sbr.abs _section_cstart, $3  }
0xc1: {  	[dreg:$0x1] =	wrdreg $0xFFFFFFFF  }
0xc2: {  	_ =	task.clear_ibuf [dreg:s7], $0x2FFFF;
	_ =	strace $0x9FFFFFFF  }
0xc3: {  	(tm) =	ssettm $0x7FFFFFFF  }
tec
execute0_lowered:
.L_overlay_start_1:
0x0: {  	(tag) =	ssettag $0x1  }
0x1: {  	s0 =	rddreg [dreg:$0x0]  }
0x2: {  	s31 =	rddreg [dreg:$0x1]  }
0x3: {  	s1 =	rddreg [dreg:$0x2];
	s3 =	simm.s32 $0x0  }
0x4: {  	s4 =	srdreg.scid;
	s16 =	stileid.u32;
	s29 =	simm.s32 $0x700  }
0x5: {  	[smem:$0x7FF] =	sst s3;
	s5 =	sadd.s32 $0x5E00, s0;
	s9 =	smul.u32 $0x50000, s16  }
0x6: {  	s4 =	sand.u32 $0x1, s4;
	s6 =	sadd.s32 $0xE00, s0;
	s21 =	smul.u32 $0x2800, s16  }
0x7: {  	s10 =	sadd.s32 $0x54000, s0;
	s11 =	sadd.s32 $0x56800, s0;
	s15 =	smul.u32 $0x1388, s16  }
0x8: {  	s22 =	sshll.u32 s16, $0x6;
	p0 =	seq.s32 s16, $0xF;
	s24 =	smul.u32 $0x13880, s4  }
0x9: {  	_ =	strace $0x8000004A;
	s7 =	sshll.u32 s4, $0x4;
	s2 =	smul.u32 $0x27100, s4  }
0xa: {  	s8 =	ssub.s32 $0x2, s4;
	[dreg:$0xb] =	wrdreg s10;
	s4 =	smul.u32 $0x138800, s4  }
0xb: {  	s7 =	sor.u32 s16, s7;
	s20 =	sshrl.u32 s8, $0x1;
	s9 =	sshrl.u32 s9, $0x2  }
0xc: {  	s16 =	simm.s32 $0x380;
	s7 =	smul.u32 $0x1388, s7;
	s0 =	ssub.s32 s8, s20  }
0xd: {  	s19 =	sadd.s32 s9, s1;
	s20 =	sor.u32 $0x1C04, s22;
	s8 =	sadd.s32 s21, s2  }
0xe: {  	s4 =	sshrl.u32 s4, $0x3;
	s8 =	sadd.s32 s11, s8;
	[dreg:$0xc] =	wrdreg s19  }
0xf: {  	s4 =	sadd.s32 s11, s4;
	s0 =	smax.u32 s0, $0x1;
	[dreg:$0xd] =	wrdreg s20  }
0x10: {  	s11 =	simm.s32 $0x3;
	s12 =	sadd.s32 $0x28, s7;
	[dreg:$0x14] =	wrdreg s8  }
0x11: {  	s10 =	sshrl.u32 s7, $0x3;
	s30 =	sadd.s32 $0x1E0, s7;
	[smem:$0x7FB] =	sst s0  }
0x12: {  	s4 =	sadd.s32 $0x25800, s4;
	s0 =	sadd.s32 $0x12C000, s1;
	[dreg:$0x4] =	wrdreg s30  }
0x13: {  	s23 =	sshrl.u32 s12, $0x3;
	[smem:$0x7FA] =	sst s4;
	s0 =	sshrl.u32 @p0 s0, $0x3  }
0x14: {  	s14 =	sadd.s32 $0x78, s7;
	s12 =	sadd.s32 s6, s23;
	[smem:$0x7FD] =	sst s0  }
0x15: {  	s13 =	sadd.s32 $0xA, s10;
	s9 =	sadd.s32 s31, s23;
	[dreg:$0xe] =	wrdreg s12  }
0x16: {  	s26 =	sshrl.u32 s14, $0x3;
	s25 =	sadd.s32 s6, s13;
	[dreg:$0xf] =	wrdreg s9  }
0x17: {  	s30 =	sadd.s32 $0xC8, s7;
	s13 =	sadd.s32 s31, s13;
	[dreg:$0x10] =	wrdreg s25  }
0x18: {  	s7 =	sadd.s32 $0x118, s7;
	s28 =	sadd.s32 s6, s26;
	[dreg:$0x11] =	wrdreg s13  }
0x19: {  	s23 =	sadd.s32 $0x14, s10;
	[dreg:$0x12] =	wrdreg s28;
	s9 =	sadd.s32 s31, s26  }
0x1a: {  	s2 =	sadd.s32 s6, s23;
	s13 =	sshrl.u32 s30, $0x3;
	[dreg:$0x13] =	wrdreg s9  }
0x1b: {  	s12 =	sadd.s32 s15, s24;
	[dreg:$0x15] =	wrdreg s2;
	s8 =	sadd.s32 s31, s13  }
0x1c: {  	s15 =	sadd.s32 $0x1B8, s12;
	s30 =	sadd.s32 $0x140, s12;
	[dreg:$0x18] =	wrdreg s8  }
0x1d: {  	s17 =	sshrl.u32 s15, $0x3;
	s15 =	sadd.s32 s31, s23;
	[smem:$0x7FC] =	sst s30  }
0x1e: {  	s14 =	simm.s32 $0x300;
	s23 =	sadd.s32 s31, s10;
	[dreg:$0x16] =	wrdreg s15  }
0x1f: {  	s21 =	sadd.s32 $0x190, s12;
	s18 =	sadd.s32 s17, s31;
	[dreg:$0x1c] =	wrdreg s23  }
0x20: {  	s22 =	sshrl.u32 s21, $0x3;
	s9 =	sadd.s32 s17, s6;
	[dreg:$0x5] =	wrdreg s18  }
0x21: {  	s7 =	sshrl.u32 s7, $0x3;
	s24 =	sadd.s32 s22, s31;
	[dreg:$0x6] =	wrdreg s9  }
0x22: {  	s0 =	simm.s32 $0x0;
	s26 =	sadd.s32 s22, s6;
	[dreg:$0x7] =	wrdreg s24  }
0x23: {  	s25 =	sadd.s32 $0x168, s12;
	s17 =	sadd.s32 s6, s13;
	[dreg:$0x8] =	wrdreg s26  }
0x24: {  	s22 =	sadd.s32 s6, s10;
	s9 =	sshrl.u32 s25, $0x3;
	[dreg:$0x17] =	wrdreg s17  }
0x25: {  	s18 =	sadd.s32 $0x1E, s10;
	[dreg:$0x1b] =	wrdreg s22;
	s25 =	sadd.s32 s6, s7  }
0x26: {  	s24 =	sadd.s32 $0x26C, s10;
	s7 =	sadd.s32 s31, s7;
	[dreg:$0x1d] =	wrdreg s25  }
0x27: {  	s22 =	simm.s32 $0x80;
	s28 =	sadd.s32 s9, s31;
	[dreg:$0x1e] =	wrdreg s7  }
0x28: {  	s17 =	simm.s32 $0x1;
	s9 =	sadd.s32 s9, s6;
	[dreg:$0x9] =	wrdreg s28  }
0x29: {  	s10 =	simm.s32 $0x2;
	s21 =	sadd.s32 s6, s18;
	[dreg:$0xa] =	wrdreg s9  }
0x2a: {  	s8 =	sadd.s32 s31, s18;
	s26 =	sadd.s32 s6, s24;
	[dreg:$0x19] =	wrdreg s21  }
0x2b: {  	s7 =	simm.s32 $0x4;
	s18 =	simm.s32 $0x28;
	[dreg:$0x1a] =	wrdreg s8  }
0x2c: {  	[dreg:$0x1f] =	wrdreg s26;
	s28 =	sadd.s32 s31, s24;
	s24 =	simm.s32 $0x100  }
0x2d: {  	s26 =	simm.s32 $0x180;
	s9 =	simm.s32 $0x680;
	[smem:$0x7F9] =	sst s28  }
.LBB2_1:
0x2e: {  	[smem:$0x7F8] =	sst s0  }
0x2f: {  	s12 =	sshrl.u32 s19, $0x3;
	s13 =	rddreg [dreg:$0xb]  }
0x30: {  	[spmem:s12], [sflag:s20] =	dma.local [hbm:s13], $0x2800  }
0x31: {  	_ =	swait.ge [sflag:s7], $0x2800  }
0x32: {  	[sflag:s7] =	ssyncset.done $0x0  }
0x33: {  	[sflag:s7] =	ssyncadd.s32 $0xFFFFD800  }
0x34: {  	[bflag:$0x0] =	sbarrier.arrive $0xFFFF  }
0x35: {  	s19 =	rddreg [dreg:$0x1b]  }
0x36: {  	[tilespmem:s3], [sflag:$0x1] =	stream.linear.gather [hbm4b:s19+s3], $0x28, $0x38;
	[tilespmem:$0x1E800] =	vst v63  }
0x37: {  	s15 =	simm.s32 $0x400;
	s20 =	rddreg [dreg:$0x1c]  }
0x38: {  	[tilespmem:s15], [sflag:$0x1] =	stream.linear.gather [hbm4b:s20+s3], $0x28, $0x38;
	[tilespmem:$0x1E800] =	vst v63  }
0x39: {  	s21 =	rddreg [dreg:$0xe]  }
0x3a: {  	[tilespmem:s22], [sflag:$0x1] =	stream.linear.gather [hbm4b:s21+s3], $0x28, $0x38;
	[tilespmem:$0x1E800] =	vst v63  }
0x3b: {  	s23 =	rddreg [dreg:$0xf];
	s19 =	simm.s32 $0x480  }
0x3c: {  	[tilespmem:s19], [sflag:$0x1] =	stream.linear.gather [hbm4b:s23+s3], $0x28, $0x38;
	[tilespmem:$0x1E800] =	vst v63  }
0x3d: {  	s25 =	rddreg [dreg:$0x10]  }
0x3e: {  	[tilespmem:s24], [sflag:$0x1] =	stream.linear.gather [hbm4b:s25+s3], $0x28, $0x38;
	[tilespmem:$0x1E800] =	vst v63  }
0x3f: {  	s28 =	rddreg [dreg:$0x11];
	s20 =	simm.s32 $0x500  }
0x40: {  	[tilespmem:s20], [sflag:$0x1] =	stream.linear.gather [hbm4b:s28+s3], $0x28, $0x38;
	[tilespmem:$0x1E800] =	vst v63  }
0x41: {  	s30 =	rddreg [dreg:$0x12]  }
0x42: {  	[tilespmem:s26], [sflag:$0x1] =	stream.linear.gather [hbm4b:s30+s3], $0x28, $0x38;
	[tilespmem:$0x1E800] =	vst v63  }
0x43: {  	s0 =	rddreg [dreg:$0x13];
	s21 =	simm.s32 $0x580  }
0x44: {  	[tilespmem:s21], [sflag:$0x1] =	stream.linear.gather [hbm4b:s0+s3], $0x28, $0x38;
	[tilespmem:$0x1E800] =	vst v63  }
0x45: {  	_ =	swait.ge [sflag:s17], $0x28  }
0x46: {  	[sflag:s17] =	ssyncset.done $0x0  }
0x47: {  	[sflag:s17] =	ssyncadd.s32 $0xFFFFFFD8  }
0x48: {  	_ =	swait.ge [sflag:s17], $0x28  }
0x49: {  	[sflag:s17] =	ssyncset.done $0x0  }
0x4a: {  	[sflag:s17] =	ssyncadd.s32 $0xFFFFFFD8  }
0x4b: {  	_ =	swait.ge [sflag:s17], $0x28  }
0x4c: {  	[sflag:s17] =	ssyncset.done $0x0  }
0x4d: {  	[sflag:s17] =	ssyncadd.s32 $0xFFFFFFD8  }
0x4e: {  	_ =	swait.ge [sflag:s17], $0x28  }
0x4f: {  	[sflag:s17] =	ssyncset.done $0x0  }
0x50: {  	[sflag:s17] =	ssyncadd.s32 $0xFFFFFFD8  }
0x51: {  	_ =	swait.ge [sflag:s17], $0x28  }
0x52: {  	[sflag:s17] =	ssyncset.done $0x0  }
0x53: {  	[sflag:s17] =	ssyncadd.s32 $0xFFFFFFD8  }
0x54: {  	_ =	swait.ge [sflag:s17], $0x28  }
0x55: {  	[sflag:s17] =	ssyncset.done $0x0  }
0x56: {  	[sflag:s17] =	ssyncadd.s32 $0xFFFFFFD8  }
0x57: {  	_ =	swait.ge [sflag:s17], $0x28  }
0x58: {  	[sflag:s17] =	ssyncset.done $0x0  }
0x59: {  	[sflag:s17] =	ssyncadd.s32 $0xFFFFFFD8  }
0x5a: {  	_ =	swait.ge [sflag:s17], $0x28  }
0x5b: {  	[sflag:s17] =	ssyncset.done $0x0  }
0x5c: {  	s23 =	simm.s32 $0x800;
	[sflag:s17] =	ssyncadd.s32 $0xFFFFFFD8  }
0x5d: {  	[tilespmem:s23], [sflag:$0x2] =	stream.indirect.gather [hbm4b:s5+s18], $0x80, s3, s18, $0xb8;
	[tilespmem:$0x1E800] =	vst v63  }
0x5e: {  	s25 =	simm.s32 $0x1C00  }
0x5f: {  	[tilespmem:s25], [sflag:$0x2] =	stream.indirect.gather [hbm4b:s5+s18], $0x80, s22, s18, $0xb8;
	[tilespmem:$0x1E800] =	vst v63  }
0x60: {  	s28 =	simm.s32 $0x3000  }
0x61: {  	[tilespmem:s28], [sflag:$0x2] =	stream.indirect.gather [hbm4b:s5+s18], $0x80, s24, s18, $0xb8;
	[tilespmem:$0x1E800] =	vst v63  }
0x62: {  	s4 =	simm.s32 $0x4400  }
0x63: {  	[tilespmem:s4], [sflag:$0x2] =	stream.indirect.gather [hbm4b:s5+s18], $0x80, s26, s18, $0xb8;
	[tilespmem:$0x1E800] =	vst v63  }
0x64: {  	s2 =	simm.s32 $0x200;
	s1 =	rddreg [dreg:$0x15]  }
0x65: {  	[tilespmem:s2], [sflag:$0x1] =	stream.linear.gather [hbm4b:s1+s3], $0x28, $0x38;
	[tilespmem:$0x1E800] =	vst v63  }
0x66: {  	s30 =	simm.s32 $0x600;
	s8 =	rddreg [dreg:$0x16]  }
0x67: {  	[tilespmem:s30], [sflag:$0x1] =	stream.linear.gather [hbm4b:s8+s3], $0x28, $0x38;
	[tilespmem:$0x1E800] =	vst v63  }
0x68: {  	s13 =	simm.s32 $0x280;
	s0 =	rddreg [dreg:$0x17]  }
0x69: {  	[tilespmem:s13], [sflag:$0x1] =	stream.linear.gather [hbm4b:s0+s3], $0x28, $0x38;
	[tilespmem:$0x1E800] =	vst v63  }
0x6a: {  	s1 =	rddreg [dreg:$0x18]  }
0x6b: {  	[tilespmem:s9], [sflag:$0x1] =	stream.linear.gather [hbm4b:s1+s3], $0x28, $0x38;
	[tilespmem:$0x1E800] =	vst v63  }
0x6c: {  	s8 =	rddreg [dreg:$0x19]  }
0x6d: {  	[tilespmem:s14], [sflag:$0x1] =	stream.linear.gather [hbm4b:s8+s3], $0x28, $0x38;
	[tilespmem:$0x1E800] =	vst v63  }
0x6e: {  	s30 =	rddreg [dreg:$0x1a]  }
0x6f: {  	[tilespmem:s29], [sflag:$0x1] =	stream.linear.gather [hbm4b:s30+s3], $0x28, $0x38;
	[tilespmem:$0x1E800] =	vst v63  }
0x70: {  	s0 =	rddreg [dreg:$0x1d]  }
0x71: {  	[tilespmem:s16], [sflag:$0x1] =	stream.linear.gather [hbm4b:s0+s3], $0x28, $0x38;
	[tilespmem:$0x1E800] =	vst v63  }
0x72: {  	s1 =	rddreg [dreg:$0x1e];
	s8 =	simm.s32 $0x780  }
0x73: {  	[tilespmem:s8], [sflag:$0x1] =	stream.linear.gather [hbm4b:s1+s3], $0x28, $0x38;
	[tilespmem:$0x1E800] =	vst v63  }
0x74: {  	_ =	swait.ge [sflag:s17], $0x28  }
0x75: {  	[sflag:s17] =	ssyncset.done $0x0  }
0x76: {  	[sflag:s17] =	ssyncadd.s32 $0xFFFFFFD8  }
0x77: {  	_ =	swait.ge [sflag:s17], $0x28  }
0x78: {  	[sflag:s17] =	ssyncset.done $0x0  }
0x79: {  	[sflag:s17] =	ssyncadd.s32 $0xFFFFFFD8  }
0x7a: {  	_ =	swait.ge [sflag:s17], $0x28  }
0x7b: {  	[sflag:s17] =	ssyncset.done $0x0  }
0x7c: {  	[sflag:s17] =	ssyncadd.s32 $0xFFFFFFD8  }
0x7d: {  	_ =	swait.ge [sflag:s17], $0x28  }
0x7e: {  	[sflag:s17] =	ssyncset.done $0x0  }
0x7f: {  	[sflag:s17] =	ssyncadd.s32 $0xFFFFFFD8  }
0x80: {  	_ =	swait.ge [sflag:s17], $0x28  }
0x81: {  	[sflag:s17] =	ssyncset.done $0x0  }
0x82: {  	[sflag:s17] =	ssyncadd.s32 $0xFFFFFFD8  }
0x83: {  	_ =	swait.ge [sflag:s17], $0x28  }
0x84: {  	[sflag:s17] =	ssyncset.done $0x0  }
0x85: {  	[sflag:s17] =	ssyncadd.s32 $0xFFFFFFD8  }
0x86: {  	_ =	swait.ge [sflag:s17], $0x28  }
0x87: {  	[sflag:s17] =	ssyncset.done $0x0  }
0x88: {  	[sflag:s17] =	ssyncadd.s32 $0xFFFFFFD8  }
0x89: {  	_ =	swait.ge [sflag:s17], $0x28  }
0x8a: {  	[sflag:s17] =	ssyncset.done $0x0  }
0x8b: {  	s2 =	simm.s32 $0x200;
	s1 =	simm.s32 $0x5800;
	[sflag:s17] =	ssyncadd.s32 $0xFFFFFFD8  }
0x8c: {  	[tilespmem:s1], [sflag:$0x3] =	stream.indirect.gather [hbm4b:s5+s18], $0x80, s2, s18, $0xb8;
	[tilespmem:$0x1E800] =	vst v63  }
0x8d: {  	s2 =	simm.s32 $0x6C00  }
0x8e: {  	[tilespmem:s2], [sflag:$0x3] =	stream.indirect.gather [hbm4b:s5+s18], $0x80, s13, s18, $0xb8;
	[tilespmem:$0x1E800] =	vst v63  }
0x8f: {  	s8 =	simm.s32 $0x8000  }
0x90: {  	[tilespmem:s8], [sflag:$0x3] =	stream.indirect.gather [hbm4b:s5+s18], $0x80, s14, s18, $0xb8;
	[tilespmem:$0x1E800] =	vst v63  }
0x91: {  	s30 =	simm.s32 $0x9400  }
0x92: {  	[tilespmem:s30], [sflag:$0x3] =	stream.indirect.gather [hbm4b:s5+s18], $0x80, s16, s18, $0xb8;
	[tilespmem:$0x1E800] =	vst v63  }
0x93: {  	_ =	swait.ge [sflag:s10], $0x1400  }
0x94: {  	[sflag:s10] =	ssyncset.done $0x0  }
0x95: {  	[sflag:s10] =	ssyncadd.s32 $0xFFFFEC00  }
0x96: {  	_ =	swait.ge [sflag:s10], $0x1400  }
0x97: {  	[sflag:s10] =	ssyncset.done $0x0  }
0x98: {  	[sflag:s10] =	ssyncadd.s32 $0xFFFFEC00  }
0x99: {  	_ =	swait.ge [sflag:s10], $0x1400  }
0x9a: {  	[sflag:s10] =	ssyncset.done $0x0  }
0x9b: {  	[sflag:s10] =	ssyncadd.s32 $0xFFFFEC00  }
0x9c: {  	_ =	swait.ge [sflag:s10], $0x1400  }
0x9d: {  	[sflag:s10] =	ssyncset.done $0x0  }
0x9e: {  	[sflag:s10] =	ssyncadd.s32 $0xFFFFEC00  }
0x9f: {  	s0 =	rddreg [dreg:$0x2]  }
0xa0: {  	[spmem:s0] =	stream.indirect.scatter.add.f32 [tilespmem:s23], [sflag:$0x4], $0x80, s15, s18, $0xb8;
	[tilespmem:$0x1E800] =	vst v63  }
0xa1: {  	_ =	swait.ge [sflag:s7], $0x1400  }
0xa2: {  	[sflag:s7] =	ssyncset.done $0x0  }
0xa3: {  	[sflag:s7] =	ssyncadd.s32 $0xFFFFEC00  }
0xa4: {  	[spmem:s0] =	stream.indirect.scatter.add.f32 [tilespmem:s25], [sflag:$0x4], $0x80, s19, s18, $0xb8;
	[tilespmem:$0x1E800] =	vst v63  }
0xa5: {  	_ =	swait.ge [sflag:s7], $0x1400  }
0xa6: {  	[sflag:s7] =	ssyncset.done $0x0  }
0xa7: {  	[sflag:s7] =	ssyncadd.s32 $0xFFFFEC00  }
0xa8: {  	[spmem:s0] =	stream.indirect.scatter.add.f32 [tilespmem:s28], [sflag:$0x4], $0x80, s20, s18, $0xb8;
	[tilespmem:$0x1E800] =	vst v63  }
0xa9: {  	_ =	swait.ge [sflag:s7], $0x1400  }
0xaa: {  	[sflag:s7] =	ssyncset.done $0x0  }
0xab: {  	[sflag:s7] =	ssyncadd.s32 $0xFFFFEC00  }
0xac: {  	[spmem:s0] =	stream.indirect.scatter.add.f32 [tilespmem:s4], [sflag:$0x4], $0x80, s21, s18, $0xb8;
	[tilespmem:$0x1E800] =	vst v63  }
0xad: {  	_ =	swait.ge [sflag:s7], $0x1400  }
0xae: {  	s16 =	sld [smem:$0x7FC];
	_ =	sdelay $0x2  }
0xaf: {  	[sflag:s7] =	ssyncset.done $0x0;
	s12 =	sshrl.u32 s16, $0x3  }
0xb0: {  	[sflag:s7] =	ssyncadd.s32 $0xFFFFEC00;
	s13 =	sadd.s32 s6, s12  }
0xb1: {  	[tilespmem:s3], [sflag:$0x1] =	stream.linear.gather [hbm4b:s13+s3], $0x28, $0x38;
	[tilespmem:$0x1E800] =	vst v63  }
0xb2: {  	s14 =	rddreg [dreg:$0xa];
	s12 =	sadd.s32 s31, s12  }
0xb3: {  	[tilespmem:s15], [sflag:$0x1] =	stream.linear.gather [hbm4b:s12+s3], $0x28, $0x38;
	[tilespmem:$0x1E800] =	vst v63  }
0xb4: {  	s13 =	rddreg [dreg:$0x9];
	s15 =	sadd.s32 $0x0, s14  }
0xb5: {  	[tilespmem:s22], [sflag:$0x1] =	stream.linear.gather [hbm4b:s15+s3], $0x28, $0x38;
	[tilespmem:$0x1E800] =	vst v63  }
0xb6: {  	s14 =	rddreg [dreg:$0x8];
	s15 =	sadd.s32 $0x0, s13  }
0xb7: {  	[tilespmem:s19], [sflag:$0x1] =	stream.linear.gather [hbm4b:s15+s3], $0x28, $0x38;
	[tilespmem:$0x1E800] =	vst v63  }
0xb8: {  	s13 =	rddreg [dreg:$0x7];
	s15 =	sadd.s32 $0x0, s14  }
0xb9: {  	[tilespmem:s24], [sflag:$0x1] =	stream.linear.gather [hbm4b:s15+s3], $0x28, $0x38;
	[tilespmem:$0x1E800] =	vst v63  }
0xba: {  	s13 =	sadd.s32 $0x0, s13;
	s19 =	rddreg [dreg:$0x6]  }
0xbb: {  	[tilespmem:s20], [sflag:$0x1] =	stream.linear.gather [hbm4b:s13+s3], $0x28, $0x38;
	[tilespmem:$0x1E800] =	vst v63  }
0xbc: {  	s19 =	sadd.s32 $0x0, s19;
	s15 =	rddreg [dreg:$0x5]  }
0xbd: {  	[tilespmem:s26], [sflag:$0x1] =	stream.linear.gather [hbm4b:s19+s3], $0x28, $0x38;
	[tilespmem:$0x1E800] =	vst v63  }
0xbe: {  	s20 =	sadd.s32 $0x0, s15  }
0xbf: {  	[tilespmem:s21], [sflag:$0x1] =	stream.linear.gather [hbm4b:s20+s3], $0x28, $0x38;
	[tilespmem:$0x1E800] =	vst v63  }
0xc0: {  	_ =	swait.ge [sflag:s17], $0x28  }
0xc1: {  	[sflag:s17] =	ssyncset.done $0x0  }
0xc2: {  	[sflag:s17] =	ssyncadd.s32 $0xFFFFFFD8  }
0xc3: {  	_ =	swait.ge [sflag:s17], $0x28  }
0xc4: {  	[sflag:s17] =	ssyncset.done $0x0  }
0xc5: {  	[sflag:s17] =	ssyncadd.s32 $0xFFFFFFD8  }
0xc6: {  	_ =	swait.ge [sflag:s17], $0x28  }
0xc7: {  	[sflag:s17] =	ssyncset.done $0x0  }
0xc8: {  	[sflag:s17] =	ssyncadd.s32 $0xFFFFFFD8  }
0xc9: {  	_ =	swait.ge [sflag:s17], $0x28  }
0xca: {  	[sflag:s17] =	ssyncset.done $0x0  }
0xcb: {  	[sflag:s17] =	ssyncadd.s32 $0xFFFFFFD8  }
0xcc: {  	_ =	swait.ge [sflag:s17], $0x28  }
0xcd: {  	[sflag:s17] =	ssyncset.done $0x0  }
0xce: {  	[sflag:s17] =	ssyncadd.s32 $0xFFFFFFD8  }
0xcf: {  	_ =	swait.ge [sflag:s17], $0x28  }
0xd0: {  	[sflag:s17] =	ssyncset.done $0x0  }
0xd1: {  	[sflag:s17] =	ssyncadd.s32 $0xFFFFFFD8  }
0xd2: {  	_ =	swait.ge [sflag:s17], $0x28  }
0xd3: {  	[sflag:s17] =	ssyncset.done $0x0  }
0xd4: {  	[sflag:s17] =	ssyncadd.s32 $0xFFFFFFD8  }
0xd5: {  	_ =	swait.ge [sflag:s17], $0x28  }
0xd6: {  	[sflag:s17] =	ssyncset.done $0x0  }
0xd7: {  	[sflag:s17] =	ssyncadd.s32 $0xFFFFFFD8  }
0xd8: {  	[tilespmem:s23], [sflag:$0x2] =	stream.indirect.gather [hbm4b:s5+s18], $0x80, s3, s18, $0xb8;
	[tilespmem:$0x1E800] =	vst v63  }
0xd9: {  	_ = 	snop  }
0xda: {  	[tilespmem:s25], [sflag:$0x2] =	stream.indirect.gather [hbm4b:s5+s18], $0x80, s22, s18, $0xb8;
	[tilespmem:$0x1E800] =	vst v63  }
0xdb: {  	_ = 	snop  }
0xdc: {  	[tilespmem:s28], [sflag:$0x2] =	stream.indirect.gather [hbm4b:s5+s18], $0x80, s24, s18, $0xb8;
	[tilespmem:$0x1E800] =	vst v63  }
0xdd: {  	_ = 	snop  }
0xde: {  	[tilespmem:s4], [sflag:$0x2] =	stream.indirect.gather [hbm4b:s5+s18], $0x80, s26, s18, $0xb8;
	[tilespmem:$0x1E800] =	vst v63  }
0xdf: {  	_ =	swait.ge [sflag:s11], $0x1400  }
0xe0: {  	[sflag:s11] =	ssyncset.done $0x0  }
0xe1: {  	[sflag:s11] =	ssyncadd.s32 $0xFFFFEC00  }
0xe2: {  	_ =	swait.ge [sflag:s11], $0x1400  }
0xe3: {  	[sflag:s11] =	ssyncset.done $0x0  }
0xe4: {  	[sflag:s11] =	ssyncadd.s32 $0xFFFFEC00  }
0xe5: {  	_ =	swait.ge [sflag:s11], $0x1400  }
0xe6: {  	[sflag:s11] =	ssyncset.done $0x0  }
0xe7: {  	[sflag:s11] =	ssyncadd.s32 $0xFFFFEC00  }
0xe8: {  	_ =	swait.ge [sflag:s11], $0x1400  }
0xe9: {  	[sflag:s11] =	ssyncset.done $0x0  }
0xea: {  	s28 =	simm.s32 $0x600;
	[sflag:s11] =	ssyncadd.s32 $0xFFFFEC00  }
0xeb: {  	[spmem:s0] =	stream.indirect.scatter.add.f32 [tilespmem:s1], [sflag:$0x4], $0x80, s28, s18, $0xb8;
	[tilespmem:$0x1E800] =	vst v63  }
0xec: {  	_ =	swait.ge [sflag:s7], $0x1400  }
0xed: {  	[sflag:s7] =	ssyncset.done $0x0  }
0xee: {  	[sflag:s7] =	ssyncadd.s32 $0xFFFFEC00  }
0xef: {  	[spmem:s0] =	stream.indirect.scatter.add.f32 [tilespmem:s2], [sflag:$0x4], $0x80, s9, s18, $0xb8;
	[tilespmem:$0x1E800] =	vst v63  }
0xf0: {  	_ =	swait.ge [sflag:s7], $0x1400  }
0xf1: {  	[sflag:s7] =	ssyncset.done $0x0  }
0xf2: {  	[sflag:s7] =	ssyncadd.s32 $0xFFFFEC00  }
0xf3: {  	[spmem:s0] =	stream.indirect.scatter.add.f32 [tilespmem:s8], [sflag:$0x4], $0x80, s29, s18, $0xb8;
	[tilespmem:$0x1E800] =	vst v63  }
0xf4: {  	_ =	swait.ge [sflag:s7], $0x1400  }
0xf5: {  	[sflag:s7] =	ssyncset.done $0x0  }
0xf6: {  	s14 =	smin.u32 s3, $0x1B;
	s13 =	simm.s32 $0x780;
	[sflag:s7] =	ssyncadd.s32 $0xFFFFEC00  }
0xf7: {  	[spmem:s0] =	stream.indirect.scatter.add.f32 [tilespmem:s30], [sflag:$0x4], $0x80, s13, s18, $0xb8;
	[tilespmem:$0x1E800] =	vst v63  }
0xf8: {  	s12 =	smul.u32 $0xA0, s14;
	_ =	swait.ge [sflag:s7], $0x1400  }
0xf9: {  	s15 =	rddreg [dreg:$0x4]  }
0xfa: {  	s21 =	simm.s32 $0x200;
	s12 =	sadd.s32 s12, s15  }
0xfb: {  	s25 =	simm.s32 $0x300;
	[sflag:s7] =	ssyncset.done $0x0;
	s13 =	sshrl.u32 s12, $0x3  }
0xfc: {  	[sflag:s7] =	ssyncadd.s32 $0xFFFFEC00;
	s19 =	sadd.s32 $0x28, s12;
	s20 =	sadd.s32 s6, s13  }
0xfd: {  	[tilespmem:s21], [sflag:$0x1] =	stream.linear.gather [hbm4b:s20+s3], $0x28, $0x38;
	[tilespmem:$0x1E800] =	vst v63  }
0xfe: {  	s1 =	smov.u32 s31;
	s14 =	sshrl.u32 s19, $0x3;
	s22 =	sadd.s32 s31, s13  }
0xff: {  	[tilespmem:s28], [sflag:$0x1] =	stream.linear.gather [hbm4b:s22+s3], $0x28, $0x38;
	[tilespmem:$0x1E800] =	vst v63  }
0x100: {  	s8 =	simm.s32 $0x280;
	s30 =	simm.s32 $0x380;
	s23 =	sadd.s32 s6, s14  }
0x101: {  	[tilespmem:s8], [sflag:$0x1] =	stream.linear.gather [hbm4b:s23+s3], $0x28, $0x38;
	[tilespmem:$0x1E800] =	vst v63  }
0x102: {  	s12 =	sadd.s32 $0x78, s12;
	s13 =	sadd.s32 $0xA, s13;
	s14 =	sadd.s32 s31, s14  }
0x103: {  	[tilespmem:s9], [sflag:$0x1] =	stream.linear.gather [hbm4b:s14+s3], $0x28, $0x38;
	[tilespmem:$0x1E800] =	vst v63  }
0x104: {  	s26 =	sshrl.u32 s12, $0x3;
	s12 =	simm.s32 $0x28;
	s24 =	sadd.s32 s6, s13  }
0x105: {  	[tilespmem:s25], [sflag:$0x1] =	stream.linear.gather [hbm4b:s24+s3], $0x28, $0x38;
	[tilespmem:$0x1E800] =	vst v63  }
0x106: {  	s15 =	sadd.s32 s31, s26;
	s28 =	sadd.s32 s31, s13;
	s13 =	sadd.s32 $0x140, s16  }
0x107: {  	[tilespmem:s29], [sflag:$0x1] =	stream.linear.gather [hbm4b:s28+s3], $0x28, $0x38;
	[tilespmem:$0x1E800] =	vst v63  }
0x108: {  	s16 =	simm.s32 $0x380;
	s14 =	simm.s32 $0x2;
	s29 =	sadd.s32 s6, s26  }
0x109: {  	[tilespmem:s30], [sflag:$0x1] =	stream.linear.gather [hbm4b:s29+s3], $0x28, $0x38;
	[tilespmem:$0x1E800] =	vst v63  }
.LBB2_2:
0x10a: {  	s0 =	simm.s32 $0x780  }
0x10b: {  	[tilespmem:s0], [sflag:$0x1] =	stream.linear.gather [hbm4b:s15+s3], $0x28, $0x38;
	[tilespmem:$0x1E800] =	vst v63  }
0x10c: {  	_ =	swait.ge [sflag:s17], $0x28  }
0x10d: {  	[sflag:s17] =	ssyncset.done $0x0  }
0x10e: {  	[sflag:s17] =	ssyncadd.s32 $0xFFFFFFD8  }
0x10f: {  	_ =	swait.ge [sflag:s17], $0x28  }
0x110: {  	[sflag:s17] =	ssyncset.done $0x0  }
0x111: {  	[sflag:s17] =	ssyncadd.s32 $0xFFFFFFD8  }
0x112: {  	_ =	swait.ge [sflag:s17], $0x28  }
0x113: {  	[sflag:s17] =	ssyncset.done $0x0  }
0x114: {  	[sflag:s17] =	ssyncadd.s32 $0xFFFFFFD8  }
0x115: {  	_ =	swait.ge [sflag:s17], $0x28  }
0x116: {  	[sflag:s17] =	ssyncset.done $0x0  }
0x117: {  	[sflag:s17] =	ssyncadd.s32 $0xFFFFFFD8  }
0x118: {  	_ =	swait.ge [sflag:s17], $0x28  }
0x119: {  	[sflag:s17] =	ssyncset.done $0x0  }
0x11a: {  	[sflag:s17] =	ssyncadd.s32 $0xFFFFFFD8  }
0x11b: {  	_ =	swait.ge [sflag:s17], $0x28  }
0x11c: {  	[sflag:s17] =	ssyncset.done $0x0  }
0x11d: {  	[sflag:s17] =	ssyncadd.s32 $0xFFFFFFD8  }
0x11e: {  	_ =	swait.ge [sflag:s17], $0x28  }
0x11f: {  	[sflag:s17] =	ssyncset.done $0x0  }
0x120: {  	[sflag:s17] =	ssyncadd.s32 $0xFFFFFFD8  }
0x121: {  	_ =	swait.ge [sflag:s17], $0x28  }
0x122: {  	[sflag:s17] =	ssyncset.done $0x0  }
0x123: {  	s23 =	simm.s32 $0x200;
	s9 =	simm.s32 $0x5800;
	[sflag:s17] =	ssyncadd.s32 $0xFFFFFFD8  }
0x124: {  	[tilespmem:s9], [sflag:$0x3] =	stream.indirect.gather [hbm4b:s5+s18], $0x80, s23, s18, $0xb8;
	[tilespmem:$0x1E800] =	vst v63  }
0x125: {  	s2 =	simm.s32 $0x6C00  }
0x126: {  	[tilespmem:s2], [sflag:$0x3] =	stream.indirect.gather [hbm4b:s5+s18], $0x80, s8, s18, $0xb8;
	[tilespmem:$0x1E800] =	vst v63  }
0x127: {  	s21 =	simm.s32 $0x8000;
	s24 =	simm.s32 $0x300  }
0x128: {  	[tilespmem:s21], [sflag:$0x3] =	stream.indirect.gather [hbm4b:s5+s18], $0x80, s24, s18, $0xb8;
	[tilespmem:$0x1E800] =	vst v63  }
0x129: {  	s23 =	simm.s32 $0x9400  }
0x12a: {  	[tilespmem:s23], [sflag:$0x3] =	stream.indirect.gather [hbm4b:s5+s18], $0x80, s16, s18, $0xb8;
	[tilespmem:$0x1E800] =	vst v63  }
0x12b: {  	_ =	swait.ge [sflag:s10], $0x1400  }
0x12c: {  	[sflag:s10] =	ssyncset.done $0x0  }
0x12d: {  	[sflag:s10] =	ssyncadd.s32 $0xFFFFEC00  }
0x12e: {  	_ =	swait.ge [sflag:s10], $0x1400  }
0x12f: {  	[sflag:s10] =	ssyncset.done $0x0  }
0x130: {  	[sflag:s10] =	ssyncadd.s32 $0xFFFFEC00  }
0x131: {  	_ =	swait.ge [sflag:s10], $0x1400  }
0x132: {  	[sflag:s10] =	ssyncset.done $0x0  }
0x133: {  	[sflag:s10] =	ssyncadd.s32 $0xFFFFEC00  }
0x134: {  	_ =	swait.ge [sflag:s10], $0x1400  }
0x135: {  	[sflag:s10] =	ssyncset.done $0x0  }
0x136: {  	[sflag:s10] =	ssyncadd.s32 $0xFFFFEC00  }
0x137: {  	s22 =	simm.s32 $0x400;
	s30 =	simm.s32 $0x800;
	s0 =	rddreg [dreg:$0x2]  }
0x138: {  	[spmem:s0] =	stream.indirect.scatter.add.f32 [tilespmem:s30], [sflag:$0x4], $0x80, s22, s18, $0xb8;
	[tilespmem:$0x1E800] =	vst v63  }
0x139: {  	_ =	swait.ge [sflag:s7], $0x1400  }
0x13a: {  	[sflag:s7] =	ssyncset.done $0x0  }
0x13b: {  	s31 =	simm.s32 $0x1C00;
	s24 =	simm.s32 $0x480;
	[sflag:s7] =	ssyncadd.s32 $0xFFFFEC00  }
0x13c: {  	[spmem:s0] =	stream.indirect.scatter.add.f32 [tilespmem:s31], [sflag:$0x4], $0x80, s24, s18, $0xb8;
	[tilespmem:$0x1E800] =	vst v63  }
0x13d: {  	_ =	swait.ge [sflag:s7], $0x1400  }
0x13e: {  	[sflag:s7] =	ssyncset.done $0x0  }
0x13f: {  	s26 =	simm.s32 $0x500;
	s4 =	simm.s32 $0x3000;
	[sflag:s7] =	ssyncadd.s32 $0xFFFFEC00  }
0x140: {  	[spmem:s0] =	stream.indirect.scatter.add.f32 [tilespmem:s4], [sflag:$0x4], $0x80, s26, s18, $0xb8;
	[tilespmem:$0x1E800] =	vst v63  }
0x141: {  	_ =	swait.ge [sflag:s7], $0x1400  }
0x142: {  	[sflag:s7] =	ssyncset.done $0x0  }
0x143: {  	s29 =	simm.s32 $0x580;
	s8 =	simm.s32 $0x4400;
	[sflag:s7] =	ssyncadd.s32 $0xFFFFEC00  }
0x144: {  	[spmem:s0] =	stream.indirect.scatter.add.f32 [tilespmem:s8], [sflag:$0x4], $0x80, s29, s18, $0xb8;
	[tilespmem:$0x1E800] =	vst v63  }
0x145: {  	_ =	swait.ge [sflag:s7], $0x1400  }
0x146: {  	s25 =	sshrl.u32 s13, $0x3;
	[sflag:s7] =	ssyncset.done $0x0  }
0x147: {  	s19 =	sadd.s32 s6, s25;
	[sflag:s7] =	ssyncadd.s32 $0xFFFFEC00  }
0x148: {  	[tilespmem:s3], [sflag:$0x1] =	stream.linear.gather [hbm4b:s19+s3], $0x28, $0x38;
	[tilespmem:$0x1E800] =	vst v63  }
0x149: {  	s15 =	smov.u32 s12;
	s16 =	sadd.s32 s1, s25;
	s20 =	rddreg [dreg:$0xa]  }
0x14a: {  	[tilespmem:s22], [sflag:$0x1] =	stream.linear.gather [hbm4b:s16+s3], $0x28, $0x38;
	[tilespmem:$0x1E800] =	vst v63  }
0x14b: {  	s25 =	sadd.s32 s15, s20;
	s19 =	rddreg [dreg:$0x9];
	s22 =	simm.s32 $0x80  }
0x14c: {  	[tilespmem:s22], [sflag:$0x1] =	stream.linear.gather [hbm4b:s25+s3], $0x28, $0x38;
	[tilespmem:$0x1E800] =	vst v63  }
0x14d: {  	s20 =	rddreg [dreg:$0x8];
	s25 =	sadd.s32 s15, s19  }
0x14e: {  	[tilespmem:s24], [sflag:$0x1] =	stream.linear.gather [hbm4b:s25+s3], $0x28, $0x38;
	[tilespmem:$0x1E800] =	vst v63  }
0x14f: {  	s19 =	rddreg [dreg:$0x7];
	s24 =	simm.s32 $0x100;
	s25 =	sadd.s32 s15, s20  }
0x150: {  	[tilespmem:s24], [sflag:$0x1] =	stream.linear.gather [hbm4b:s25+s3], $0x28, $0x38;
	[tilespmem:$0x1E800] =	vst v63  }
0x151: {  	s20 =	rddreg [dreg:$0x6];
	s25 =	sadd.s32 s15, s19  }
0x152: {  	[tilespmem:s26], [sflag:$0x1] =	stream.linear.gather [hbm4b:s25+s3], $0x28, $0x38;
	[tilespmem:$0x1E800] =	vst v63  }
0x153: {  	s19 =	rddreg [dreg:$0x5];
	s26 =	simm.s32 $0x180;
	s25 =	sadd.s32 s15, s20  }
0x154: {  	[tilespmem:s26], [sflag:$0x1] =	stream.linear.gather [hbm4b:s25+s3], $0x28, $0x38;
	[tilespmem:$0x1E800] =	vst v63  }
0x155: {  	s15 =	sadd.s32 s15, s19  }
0x156: {  	[tilespmem:s29], [sflag:$0x1] =	stream.linear.gather [hbm4b:s15+s3], $0x28, $0x38;
	[tilespmem:$0x1E800] =	vst v63  }
0x157: {  	_ =	swait.ge [sflag:s17], $0x28  }
0x158: {  	[sflag:s17] =	ssyncset.done $0x0  }
0x159: {  	[sflag:s17] =	ssyncadd.s32 $0xFFFFFFD8  }
0x15a: {  	_ =	swait.ge [sflag:s17], $0x28  }
0x15b: {  	[sflag:s17] =	ssyncset.done $0x0  }
0x15c: {  	[sflag:s17] =	ssyncadd.s32 $0xFFFFFFD8  }
0x15d: {  	_ =	swait.ge [sflag:s17], $0x28  }
0x15e: {  	[sflag:s17] =	ssyncset.done $0x0  }
0x15f: {  	[sflag:s17] =	ssyncadd.s32 $0xFFFFFFD8  }
0x160: {  	_ =	swait.ge [sflag:s17], $0x28  }
0x161: {  	[sflag:s17] =	ssyncset.done $0x0  }
0x162: {  	[sflag:s17] =	ssyncadd.s32 $0xFFFFFFD8  }
0x163: {  	_ =	swait.ge [sflag:s17], $0x28  }
0x164: {  	[sflag:s17] =	ssyncset.done $0x0  }
0x165: {  	[sflag:s17] =	ssyncadd.s32 $0xFFFFFFD8  }
0x166: {  	_ =	swait.ge [sflag:s17], $0x28  }
0x167: {  	[sflag:s17] =	ssyncset.done $0x0  }
0x168: {  	[sflag:s17] =	ssyncadd.s32 $0xFFFFFFD8  }
0x169: {  	_ =	swait.ge [sflag:s17], $0x28  }
0x16a: {  	[sflag:s17] =	ssyncset.done $0x0  }
0x16b: {  	[sflag:s17] =	ssyncadd.s32 $0xFFFFFFD8  }
0x16c: {  	_ =	swait.ge [sflag:s17], $0x28  }
0x16d: {  	[sflag:s17] =	ssyncset.done $0x0  }
0x16e: {  	[sflag:s17] =	ssyncadd.s32 $0xFFFFFFD8  }
0x16f: {  	[tilespmem:s30], [sflag:$0x2] =	stream.indirect.gather [hbm4b:s5+s18], $0x80, s3, s18, $0xb8;
	[tilespmem:$0x1E800] =	vst v63  }
0x170: {  	_ = 	snop  }
0x171: {  	[tilespmem:s31], [sflag:$0x2] =	stream.indirect.gather [hbm4b:s5+s18], $0x80, s22, s18, $0xb8;
	[tilespmem:$0x1E800] =	vst v63  }
0x172: {  	_ = 	snop  }
0x173: {  	[tilespmem:s4], [sflag:$0x2] =	stream.indirect.gather [hbm4b:s5+s18], $0x80, s24, s18, $0xb8;
	[tilespmem:$0x1E800] =	vst v63  }
0x174: {  	_ = 	snop  }
0x175: {  	[tilespmem:s8], [sflag:$0x2] =	stream.indirect.gather [hbm4b:s5+s18], $0x80, s26, s18, $0xb8;
	[tilespmem:$0x1E800] =	vst v63  }
0x176: {  	_ =	swait.ge [sflag:s11], $0x1400  }
0x177: {  	[sflag:s11] =	ssyncset.done $0x0  }
0x178: {  	[sflag:s11] =	ssyncadd.s32 $0xFFFFEC00  }
0x179: {  	_ =	swait.ge [sflag:s11], $0x1400  }
0x17a: {  	[sflag:s11] =	ssyncset.done $0x0  }
0x17b: {  	[sflag:s11] =	ssyncadd.s32 $0xFFFFEC00  }
0x17c: {  	_ =	swait.ge [sflag:s11], $0x1400  }
0x17d: {  	[sflag:s11] =	ssyncset.done $0x0  }
0x17e: {  	[sflag:s11] =	ssyncadd.s32 $0xFFFFEC00  }
0x17f: {  	_ =	swait.ge [sflag:s11], $0x1400  }
0x180: {  	[sflag:s11] =	ssyncset.done $0x0  }
0x181: {  	s8 =	simm.s32 $0x600;
	[sflag:s11] =	ssyncadd.s32 $0xFFFFEC00  }
0x182: {  	[spmem:s0] =	stream.indirect.scatter.add.f32 [tilespmem:s9], [sflag:$0x4], $0x80, s8, s18, $0xb8;
	[tilespmem:$0x1E800] =	vst v63  }
0x183: {  	_ =	swait.ge [sflag:s7], $0x1400  }
0x184: {  	[sflag:s7] =	ssyncset.done $0x0  }
0x185: {  	s25 =	simm.s32 $0x680;
	[sflag:s7] =	ssyncadd.s32 $0xFFFFEC00  }
0x186: {  	[spmem:s0] =	stream.indirect.scatter.add.f32 [tilespmem:s2], [sflag:$0x4], $0x80, s25, s18, $0xb8;
	[tilespmem:$0x1E800] =	vst v63  }
0x187: {  	_ =	swait.ge [sflag:s7], $0x1400  }
0x188: {  	[sflag:s7] =	ssyncset.done $0x0  }
0x189: {  	s2 =	simm.s32 $0x700;
	[sflag:s7] =	ssyncadd.s32 $0xFFFFEC00  }
0x18a: {  	[spmem:s0] =	stream.indirect.scatter.add.f32 [tilespmem:s21], [sflag:$0x4], $0x80, s2, s18, $0xb8;
	[tilespmem:$0x1E800] =	vst v63  }
0x18b: {  	_ =	swait.ge [sflag:s7], $0x1400  }
0x18c: {  	[sflag:s7] =	ssyncset.done $0x0  }
0x18d: {  	s19 =	simm.s32 $0x780;
	s20 =	smin.u32 s14, $0x1B;
	[sflag:s7] =	ssyncadd.s32 $0xFFFFEC00  }
0x18e: {  	[spmem:s0] =	stream.indirect.scatter.add.f32 [tilespmem:s23], [sflag:$0x4], $0x80, s19, s18, $0xb8;
	[tilespmem:$0x1E800] =	vst v63  }
0x18f: {  	p1 =	sne.s32 s12, $0x230;
	s15 =	smul.u32 $0xA0, s20;
	_ =	swait.ge [sflag:s7], $0x1400  }
0x190: {  	s28 =	simm.s32 $0x580;
	s13 =	sadd.s32 $0x140, s13;
	s21 =	rddreg [dreg:$0x4]  }
0x191: {  	s12 =	sadd.s32 $0x28, s12;
	[sflag:s7] =	ssyncset.done $0x0;
	s15 =	sadd.s32 s15, s21  }
0x192: {  	s14 =	sadd.s32 $0x2, s14;
	[sflag:s7] =	ssyncadd.s32 $0xFFFFEC00;
	s16 =	sshrl.u32 s15, $0x3  }
0x193: {  	s21 =	simm.s32 $0x200;
	s23 =	sadd.s32 $0x28, s15;
	s0 =	sadd.s32 s6, s16  }
0x194: {  	[tilespmem:s21], [sflag:$0x1] =	stream.linear.gather [hbm4b:s0+s3], $0x28, $0x38;
	[tilespmem:$0x1E800] =	vst v63  }
0x195: {  	s29 =	simm.s32 $0x800;
	s19 =	sshrl.u32 s23, $0x3;
	s23 =	sadd.s32 s1, s16  }
0x196: {  	[tilespmem:s8], [sflag:$0x1] =	stream.linear.gather [hbm4b:s23+s3], $0x28, $0x38;
	[tilespmem:$0x1E800] =	vst v63  }
0x197: {  	s30 =	simm.s32 $0x1C00;
	s0 =	sadd.s32 s6, s19;
	s8 =	simm.s32 $0x280  }
0x198: {  	[tilespmem:s8], [sflag:$0x1] =	stream.linear.gather [hbm4b:s0+s3], $0x28, $0x38;
	[tilespmem:$0x1E800] =	vst v63  }
0x199: {  	s31 =	simm.s32 $0x3000;
	s16 =	sadd.s32 $0xA, s16;
	s19 =	sadd.s32 s1, s19  }
0x19a: {  	[tilespmem:s25], [sflag:$0x1] =	stream.linear.gather [hbm4b:s19+s3], $0x28, $0x38;
	[tilespmem:$0x1E800] =	vst v63  }
0x19b: {  	s15 =	sadd.s32 $0x78, s15;
	s20 =	sadd.s32 s6, s16;
	s21 =	simm.s32 $0x300  }
0x19c: {  	[tilespmem:s21], [sflag:$0x1] =	stream.linear.gather [hbm4b:s20+s3], $0x28, $0x38;
	[tilespmem:$0x1E800] =	vst v63  }
.Ltmp0:
0x19d: {  	s4 =	simm.s32 $0x4400;
	s15 =	sshrl.u32 s15, $0x3;
	(pc) =	sbr.rel @p1 .LBB2_2-.Ltmp0, $4  }
0x19e: {  	s9 =	simm.s32 $0x780;
	s16 =	sadd.s32 s1, s16;
	s23 =	sadd.s32 s6, s15  }
0x19f: {  	[tilespmem:s2], [sflag:$0x1] =	stream.linear.gather [hbm4b:s16+s3], $0x28, $0x38;
	[tilespmem:$0x1E800] =	vst v63  }
0x1a0: {  	s15 =	sadd.s32 s1, s15;
	s25 =	simm.s32 $0x380;
	s16 =	simm.s32 $0x380  }
0x1a1: {  	[tilespmem:s25], [sflag:$0x1] =	stream.linear.gather [hbm4b:s23+s3], $0x28, $0x38;
	[tilespmem:$0x1E800] =	vst v63  }
0x1a2: {  	[tilespmem:s9], [sflag:$0x1] =	stream.linear.gather [hbm4b:s15+s3], $0x28, $0x38;
	[tilespmem:$0x1E800] =	vst v63  }
0x1a3: {  	_ =	swait.ge [sflag:s17], $0x28  }
0x1a4: {  	[sflag:s17] =	ssyncset.done $0x0  }
0x1a5: {  	[sflag:s17] =	ssyncadd.s32 $0xFFFFFFD8  }
0x1a6: {  	_ =	swait.ge [sflag:s17], $0x28  }
0x1a7: {  	[sflag:s17] =	ssyncset.done $0x0  }
0x1a8: {  	[sflag:s17] =	ssyncadd.s32 $0xFFFFFFD8  }
0x1a9: {  	_ =	swait.ge [sflag:s17], $0x28  }
0x1aa: {  	[sflag:s17] =	ssyncset.done $0x0  }
0x1ab: {  	[sflag:s17] =	ssyncadd.s32 $0xFFFFFFD8  }
0x1ac: {  	_ =	swait.ge [sflag:s17], $0x28  }
0x1ad: {  	[sflag:s17] =	ssyncset.done $0x0  }
0x1ae: {  	[sflag:s17] =	ssyncadd.s32 $0xFFFFFFD8  }
0x1af: {  	_ =	swait.ge [sflag:s17], $0x28  }
0x1b0: {  	[sflag:s17] =	ssyncset.done $0x0  }
0x1b1: {  	[sflag:s17] =	ssyncadd.s32 $0xFFFFFFD8  }
0x1b2: {  	_ =	swait.ge [sflag:s17], $0x28  }
0x1b3: {  	[sflag:s17] =	ssyncset.done $0x0  }
0x1b4: {  	[sflag:s17] =	ssyncadd.s32 $0xFFFFFFD8  }
0x1b5: {  	_ =	swait.ge [sflag:s17], $0x28  }
0x1b6: {  	[sflag:s17] =	ssyncset.done $0x0  }
0x1b7: {  	[sflag:s17] =	ssyncadd.s32 $0xFFFFFFD8  }
0x1b8: {  	_ =	swait.ge [sflag:s17], $0x28  }
0x1b9: {  	[sflag:s17] =	ssyncset.done $0x0  }
0x1ba: {  	[sflag:s17] =	ssyncadd.s32 $0xFFFFFFD8  }
0x1bb: {  	_ =	swait.ge [sflag:s10], $0x1400  }
0x1bc: {  	[sflag:s10] =	ssyncset.done $0x0  }
0x1bd: {  	[sflag:s10] =	ssyncadd.s32 $0xFFFFEC00  }
0x1be: {  	_ =	swait.ge [sflag:s10], $0x1400  }
0x1bf: {  	[sflag:s10] =	ssyncset.done $0x0  }
0x1c0: {  	[sflag:s10] =	ssyncadd.s32 $0xFFFFEC00  }
0x1c1: {  	_ =	swait.ge [sflag:s10], $0x1400  }
0x1c2: {  	[sflag:s10] =	ssyncset.done $0x0  }
0x1c3: {  	[sflag:s10] =	ssyncadd.s32 $0xFFFFEC00  }
0x1c4: {  	_ =	swait.ge [sflag:s10], $0x1400  }
0x1c5: {  	[sflag:s10] =	ssyncset.done $0x0  }
0x1c6: {  	[sflag:s10] =	ssyncadd.s32 $0xFFFFEC00  }
0x1c7: {  	s0 =	simm.s32 $0x400;
	s2 =	rddreg [dreg:$0x2]  }
0x1c8: {  	[spmem:s2] =	stream.indirect.scatter.add.f32 [tilespmem:s29], [sflag:$0x4], $0x80, s0, s18, $0xb8;
	[tilespmem:$0x1E800] =	vst v63  }
0x1c9: {  	_ =	swait.ge [sflag:s7], $0x1400  }
0x1ca: {  	[sflag:s7] =	ssyncset.done $0x0  }
0x1cb: {  	s19 =	simm.s32 $0x480;
	[sflag:s7] =	ssyncadd.s32 $0xFFFFEC00  }
0x1cc: {  	[spmem:s2] =	stream.indirect.scatter.add.f32 [tilespmem:s30], [sflag:$0x4], $0x80, s19, s18, $0xb8;
	[tilespmem:$0x1E800] =	vst v63  }
0x1cd: {  	_ =	swait.ge [sflag:s7], $0x1400  }
0x1ce: {  	[sflag:s7] =	ssyncset.done $0x0  }
0x1cf: {  	s20 =	simm.s32 $0x500;
	[sflag:s7] =	ssyncadd.s32 $0xFFFFEC00  }
0x1d0: {  	[spmem:s2] =	stream.indirect.scatter.add.f32 [tilespmem:s31], [sflag:$0x4], $0x80, s20, s18, $0xb8;
	[tilespmem:$0x1E800] =	vst v63  }
0x1d1: {  	_ =	swait.ge [sflag:s7], $0x1400  }
0x1d2: {  	[sflag:s7] =	ssyncset.done $0x0  }
0x1d3: {  	[sflag:s7] =	ssyncadd.s32 $0xFFFFEC00  }
0x1d4: {  	[spmem:s2] =	stream.indirect.scatter.add.f32 [tilespmem:s4], [sflag:$0x4], $0x80, s28, s18, $0xb8;
	[tilespmem:$0x1E800] =	vst v63  }
0x1d5: {  	_ =	swait.ge [sflag:s7], $0x1400  }
0x1d6: {  	[sflag:s7] =	ssyncset.done $0x0;
	s12 =	rddreg [dreg:$0x1f]  }
0x1d7: {  	s21 =	simm.s32 $0x200;
	s23 =	sld [smem:$0x7F9];
	[sflag:s7] =	ssyncadd.s32 $0xFFFFEC00  }
0x1d8: {  	[tilespmem:s21], [sflag:$0x1] =	stream.linear.gather [hbm4b:s12+s3], $0x28, $0x38;
	[tilespmem:$0x1E800] =	vst v63  }
0x1d9: {  	s25 =	simm.s32 $0x600  }
0x1da: {  	[tilespmem:s25], [sflag:$0x1] =	stream.linear.gather [hbm4b:s23+s3], $0x28, $0x38;
	[tilespmem:$0x1E800] =	vst v63  }
0x1db: {  	_ =	swait.ge [sflag:s17], $0x28  }
0x1dc: {  	[sflag:s17] =	ssyncset.done $0x0  }
0x1dd: {  	[sflag:s17] =	ssyncadd.s32 $0xFFFFFFD8  }
0x1de: {  	_ =	swait.ge [sflag:s17], $0x28  }
0x1df: {  	[sflag:s17] =	ssyncset.done $0x0  }
0x1e0: {  	s8 =	simm.s32 $0x5800;
	[sflag:s17] =	ssyncadd.s32 $0xFFFFFFD8  }
0x1e1: {  	[tilespmem:s8], [sflag:$0x3] =	stream.indirect.gather [hbm4b:s5+s18], $0x80, s21, s18, $0xb8;
	[tilespmem:$0x1E800] =	vst v63  }
0x1e2: {  	_ =	swait.ge [sflag:s11], $0x1400  }
0x1e3: {  	[sflag:s11] =	ssyncset.done $0x0  }
0x1e4: {  	[sflag:s11] =	ssyncadd.s32 $0xFFFFEC00  }
0x1e5: {  	[spmem:s2] =	stream.indirect.scatter.add.f32 [tilespmem:s8], [sflag:$0x4], $0x80, s25, s18, $0xb8;
	[tilespmem:$0x1E800] =	vst v63  }
0x1e6: {  	_ =	swait.ge [sflag:s7], $0x1400  }
0x1e7: {  	[sflag:s7] =	ssyncset.done $0x0  }
0x1e8: {  	[sflag:s7] =	ssyncadd.s32 $0xFFFFEC00  }
0x1e9: {  	[bflag:$0x0] =	sbarrier.arrive $0xFFFF  }
0x1ea: {  	s12 =	sld [smem:$0x7FA]  }
0x1eb: {  	s13 =	sld [smem:$0x7FD];
	_ =	sdelay $0x1  }
0x1ec: {  	s20 =	rddreg [dreg:$0xd]  }
0x1ed: {  	[hbm:s12], [sflag:s20] =	dma.local @p0 [spmem:s13], $0x1900  }
0x1ee: {  	s12 =	simm.s32 @p0 $0x4  }
0x1ef: {  	_ =	swait.ge @p0 [sflag:s12], $0x1900  }
0x1f0: {  	[sflag:s12] =	ssyncset.done @p0 $0x0;
	s19 =	rddreg [dreg:$0xc]  }
0x1f1: {  	s13 =	rddreg [dreg:$0x14];
	[sflag:s12] =	ssyncadd.s32 @p0 $0xFFFFE700;
	s12 =	sshrl.u32 @!p0 s19, $0x3  }
0x1f2: {  	[hbm:s13], [sflag:s20] =	dma.local @!p0 [spmem:s12], $0x2800  }
0x1f3: {  	s12 =	simm.s32 @!p0 $0x4  }
0x1f4: {  	_ =	swait.ge @!p0 [sflag:s12], $0x2800  }
0x1f5: {  	s28 =	sld [smem:$0x7F8]  }
0x1f6: {  	s30 =	sld [smem:$0x7FB];
	_ =	sdelay $0x1  }
0x1f7: {  	s0 =	sadd.s32 $0x1, s28  }
0x1f8: {  	p1 =	sne.s32 s0, s30  }
.Ltmp1:
0x1f9: {  	_ = 	snop;
	(pc) =	sbr.rel @p1 .LBB2_1-.Ltmp1, $3  }
0x1fa: {  	_ =	sdelay $0x1  }
0x1fb: {  	s9 =	simm.s32 $0x680;
	s14 =	simm.s32 $0x300;
	[sflag:s12] =	ssyncset.done @!p0 $0x0  }
0x1fc: {  	s29 =	simm.s32 $0x700;
	s31 =	smov.u32 s1;
	[sflag:s12] =	ssyncadd.s32 @!p0 $0xFFFFD800  }
0x1fd: {  	_ =	sfence.sel $0x180000  }
0x1fe: {  	[bflag:$0x0] =	sbarrier.arrive $0xFFFF  }
0x1ff: {  	_ =	strace $0x9000004A  }
0x200: {  	s0 =	stileid.u32;
	[bflag:$0x2] =	sbarrier.arrive $0xFFFF  }
0x201: {  	p0 =	sne.s32 s0, $0x0;
	s0 =	rddreg [dreg:$0x3]  }
0x202: {  	s0 =	sadd.s32 @!p0 $0x100000, s0  }
0x203: {  	[sflag:s0] =	ssyncadd.tile.s32 @!p0 $0x1;
	_ =	shalt  }
.Lfunc_end2:
_tile_overlayer_lowered:
.L_overlay_start_2:
0x204: {  	(tag) =	ssettag $0x2  }
0x205: {  	s0 =	rddreg [dreg:$0x0];
	s2 =	stileid.u32  }
0x206: {  	s1 =	rddreg [dreg:$0x1];
	p0 =	sne.s32 s2, $0x0  }
0x207: {  	s3 =	rddreg [dreg:$0x2];
	[bflag:$0x3] =	sbarrier.arrive $0xFFFF;
	s2 =	simm.s32 @!p0 $0x1C04  }
0x208: {  	[timem:s3], [sflag:s2] =	dma.local @!p0 [hbm:s0], s1  }
0x209: {  	s0 =	simm.s32 @!p0 $0x4  }
0x20a: {  	_ =	swait.ge @!p0 [sflag:s0], s1  }
0x20b: {  	s1 =	ssub.s32 @!p0 $0x0, s1;
	[sflag:s0] =	ssyncset.done @!p0 $0x0  }
0x20c: {  	[sflag:s0] =	ssyncadd.s32 @!p0 s1  }
0x20d: {  	[bflag:$0x3] =	sbarrier.arrive $0xFFFF  }
0x20e: {  	_ =	shalt  }

// kernel: kernel.7.cloned.1.call-start
scs
__scs_entry_jumppad:
0x0: {  	(pc) =	sbr.rel $0x88, $3  }
0x1: {  	(tag) =	ssettag $0x0;
	lr =	simm.s32 $0x1  }
0x2: {  	[smem:$0x3F9D] =	sst lr;
	_ =	strace $0xD0000000  }
0x3: {  	_ = 	snop  }
0x4: {  	_ = 	snop  }
0x5: {  	_ = 	snop  }
0x6: {  	_ = 	snop  }
0x7: {  	_ = 	snop  }
__scs_overlays_trampoline_lowered:
0x8: {  	[smem:$0x3FAC] =	sst s0  }
0x9: {  	[smem:$0x3FAD] =	sst s1  }
0xa: {  	[smem:$0x3FAE] =	sst s2  }
0xb: {  	[smem:$0x3FAF] =	sst s3  }
0xc: {  	[smem:$0x3FB0] =	sst s4  }
0xd: {  	[smem:$0x3FB1] =	sst s5  }
0xe: {  	[smem:$0x3FB2] =	sst s6  }
0xf: {  	[smem:$0x3FB3] =	sst s7  }
0x10: {  	[smem:$0x3FB4] =	sst s8  }
0x11: {  	[smem:$0x3FB5] =	sst s9;
	s0 =	simm.s32 @!p0 $0x0  }
0x12: {  	s1 =	sld [smem:$0x3F9B];
	s0 =	simm.s32 @p0 $0x1  }
0x13: {  	[smem:$0x3FB6] =	sst s0;
	s0 =	simm.s32 @!p1 $0x0  }
0x14: {  	s2 =	sld [smem:$0x3F9A];
	s0 =	simm.s32 @p1 $0x1  }
0x15: {  	[smem:$0x3FB7] =	sst s0;
	s0 =	simm.s32 @!p2 $0x0  }
0x16: {  	s3 =	sld [smem:$0x3FDB];
	s0 =	simm.s32 @p2 $0x1  }
0x17: {  	s4 =	simm.s32 $0x1BF5;
	[smem:$0x3FB9] =	sst s0  }
0x18: {  	s0 =	sld [smem:$0x3F9C];
	_ =	swait.ge [sflag:s4], $0x0  }
0x19: {  	s7 =	sld [smem:$0x3F9D]  }
0x1a: {  	s8 =	sadd.s32 $0xFFFFE003, lr  }
0x1b: {  	s9 =	sadd.s32 $0xFFFFFEF7, lr;
	s5 =	simm.s32 $0xFFFFFFFF;
	p2 =	slt.u32 s8, $0xFFFFF086  }
0x1c: {  	p1 =	slt.u32 s9, $0xF7A;
	s5 =	simm.s32 @!p2 $0x0  }
0x1d: {  	s5 =	simm.s32 @p1 $0x1;
	p0 =	seq.s32 s7, s2  }
0x1e: {  	s7 =	smul.u32 @!p0 $0xF7A, s2;
	p2 =	seq.s32 @!p0 s5, $0x0  }
0x1f: {  	s9 =	smul.u32 $0xF7A, s1;
	s8 =	simm.s32 @!p0 $0x1BF5;
	p2 =	por !p2, p0  }
0x20: {  	[sflag:s8] =	ssyncset.s32 @!p0 $0xFFFFF086;
	s6 =	sadd.s32 @!p0 s3, s7;
	s7 =	simm.s32 @!p0 $0x108  }
0x21: {  	s3 =	sadd.s32 s3, s9;
	s6 =	sadd.s32 @!p0 $0x88, s6;
	s7 =	simm.s32 @p2 $0x1082  }
0x22: {  	[simem:s7], [sflag:s8] =	dma.local @!p0 [hbm:s6], $0xF7A  }
0x23: {  	s9 =	sor.u32 $0xD0000000, s2;
	s6 =	simm.s32 $0x108;
	_ =	swait.ge @!p0 [sflag:s8], $0x0  }
0x24: {  	s3 =	sadd.s32 $0x88, s3;
	s6 =	simm.s32 @!p1 $0x1082;
	[sflag:s4] =	ssyncset.s32 $0xFFFFF086  }
0x25: {  	[simem:s6], [sflag:s4] =	dma.local [hbm:s3], $0xF7A  }
0x26: {  	[smem:$0x3F9D] =	sst s1;
	(tag) =	ssettag s2;
	_ =	strace s9  }
0x27: {  	s1 =	sld [smem:$0x3FAD]  }
0x28: {  	s2 =	sld [smem:$0x3FAE]  }
0x29: {  	s4 =	sld [smem:$0x3FB0]  }
0x2a: {  	p0 =	seq.s32 s5, $0x0;
	s5 =	sld [smem:$0x3FB1]  }
0x2b: {  	s6 =	sld [smem:$0x3FB2]  }
0x2c: {  	s7 =	sld [smem:$0x3FB3]  }
0x2d: {  	s3 =	simm.s32 $0x108;
	s8 =	sld [smem:$0x3FB4]  }
0x2e: {  	s3 =	simm.s32 @!p0 $0x1082;
	s9 =	sld [smem:$0x3FB5]  }
0x2f: {  	lr =	sadd.s32 s0, s3;
	s0 =	sld [smem:$0x3FAC]  }
0x30: {  	s3 =	sld [smem:$0x3FAF]  }
0x31: {  	[smem:$0x3FB8] =	sst s10  }
0x32: {  	s10 =	sld [smem:$0x3FB6];
	_ =	sdelay $0x3  }
0x33: {  	p0 =	seq.s32 s10, $0x1;
	s10 =	sld [smem:$0x3FB8];
	_ =	sdelay $0x3  }
0x34: {  	[smem:$0x3FB8] =	sst s10  }
0x35: {  	s10 =	sld [smem:$0x3FB7];
	_ =	sdelay $0x3  }
0x36: {  	p1 =	seq.s32 s10, $0x1;
	s10 =	sld [smem:$0x3FB8];
	_ =	sdelay $0x3  }
0x37: {  	[smem:$0x3FB8] =	sst s10  }
0x38: {  	s10 =	sld [smem:$0x3FB9]  }
0x39: {  	_ = 	snop;
	(pc) =	sbr.ind lr, $3  }
0x3a: {  	_ = 	snop  }
0x3b: {  	_ = 	snop  }
0x3c: {  	p2 =	seq.s32 s10, $0x1;
	s10 =	sld [smem:$0x3FB8]  }
0x3d: {  	_ =	shalt  }
0x3e: {  	_ =	shalt  }
0x3f: {  	_ =	shalt  }
0x40: {  	_ =	shalt  }
0x41: {  	_ =	shalt  }
0x42: {  	_ =	shalt  }
0x43: {  	_ =	shalt  }
0x44: {  	_ =	shalt  }
0x45: {  	_ =	shalt  }
0x46: {  	_ =	shalt  }
0x47: {  	_ =	shalt  }
0x48: {  	_ =	shalt  }
0x49: {  	_ =	shalt  }
0x4a: {  	_ =	shalt  }
0x4b: {  	_ =	shalt  }
0x4c: {  	_ =	shalt  }
0x4d: {  	_ =	shalt  }
0x4e: {  	_ =	shalt  }
0x4f: {  	_ =	shalt  }
0x50: {  	_ =	shalt  }
0x51: {  	_ =	shalt  }
0x52: {  	_ =	shalt  }
0x53: {  	_ =	shalt  }
0x54: {  	_ =	shalt  }
0x55: {  	_ =	shalt  }
0x56: {  	_ =	shalt  }
0x57: {  	_ =	shalt  }
0x58: {  	_ =	shalt  }
0x59: {  	_ =	shalt  }
0x5a: {  	_ =	shalt  }
0x5b: {  	_ =	shalt  }
0x5c: {  	_ =	shalt  }
0x5d: {  	_ =	shalt  }
0x5e: {  	_ =	shalt  }
0x5f: {  	_ =	shalt  }
0x60: {  	_ =	shalt  }
0x61: {  	_ =	shalt  }
0x62: {  	_ =	shalt  }
0x63: {  	_ =	shalt  }
0x64: {  	_ =	shalt  }
0x65: {  	_ =	shalt  }
0x66: {  	_ =	shalt  }
0x67: {  	_ =	shalt  }
0x68: {  	_ =	shalt  }
0x69: {  	_ =	shalt  }
0x6a: {  	_ =	shalt  }
0x6b: {  	_ =	shalt  }
0x6c: {  	_ =	shalt  }
0x6d: {  	_ =	shalt  }
0x6e: {  	_ =	shalt  }
0x6f: {  	_ =	shalt  }
0x70: {  	_ =	shalt  }
0x71: {  	_ =	shalt  }
0x72: {  	_ =	shalt  }
0x73: {  	_ =	shalt  }
0x74: {  	_ =	shalt  }
0x75: {  	_ =	shalt  }
0x76: {  	_ =	shalt  }
0x77: {  	_ =	shalt  }
0x78: {  	_ =	shalt  }
0x79: {  	_ =	shalt  }
0x7a: {  	_ =	shalt  }
0x7b: {  	_ =	shalt  }
0x7c: {  	_ =	shalt  }
0x7d: {  	_ =	shalt  }
0x7e: {  	_ =	shalt  }
0x7f: {  	_ =	shalt  }
0x80: {  	_ =	shalt  }
0x81: {  	_ =	shalt  }
0x82: {  	_ =	shalt  }
0x83: {  	_ =	shalt  }
0x84: {  	_ =	shalt  }
0x85: {  	_ =	shalt  }
0x86: {  	_ =	shalt  }
0x87: {  	_ =	shalt  }
.Lfunc_end0:
.L_simem_size_0:
called_computation_lowered:
.L_overlay_start_0:
0x88: {  	s2 =	sld [smem:$0x3FD9]  }
0x89: {  	s3 =	sld [smem:$0x3FFE];
	_ =	sdelay $0x1  }
0x8a: {  	s1 =	srdreg.scid  }
0x8b: {  	s0 =	sand.u32 $0x1, s1  }
0x8c: {  	s17 =	sshll.u32 s0, $0xA;
	s2 =	sadd.s32 s3, s2  }
0x8d: {  	s2 =	sadd.s32 s2, s17  }
0x8e: {  	[smem:$0x3FC4] =	sst s2  }
0x8f: {  	_ = 	snop  }
0x90: {  	s2 =	sld [smem:$0x3FD0];
	(tm) =	ssettm $0x1  }
0x91: {  	s18 =	sld [smem:$0x3FFB];
	_ =	sdelay $0x3  }
0x92: {  	_ =	strace s18  }
0x93: {  	s3 =	sld [smem:$0x3FFC];
	_ =	sdelay $0x3  }
0x94: {  	_ =	strace s3  }
0x95: {  	s3 =	sld [smem:$0x3FFD];
	_ =	sdelay $0x3  }
0x96: {  	_ =	strace s3  }
0x97: {  	_ =	strace $0x8FFFFFFF  }
0x98: {  	s19 =	sld [smem:$0x3FDB];
	_ =	sdelay $0x1  }
0x99: {  	s4 =	simm.s32 $_scs_section_size  }
0x9a: {  	s5 =	simm.s32 $_size__tile_overlayer_lowered;
	s6 =	simm.s32 $_tile_overlayer_lowered  }
0x9b: {  	s22 =	simm.s32 $0x1BFF;
	s21 =	sshll.u32 s6, $0x1;
	s3 =	sadd.s32 s4, s19  }
0x9c: {  	s7 =	simm.s32 $0x0;
	s20 =	sshll.u32 s5, $0x1;
	s5 =	sadd.s32 s21, s3  }
0x9d: {  	[timem:s7], [sflag:s22] =	dma.local [hbm:s5], s20  }
0x9e: {  	_ =	swait.ge [sflag:s22], s20  }
0x9f: {  	s4 =	ssub.s32 $0x0, s20;
	[sflag:s22] =	ssyncset.done $0x0  }
0xa0: {  	[sflag:s22] =	ssyncadd.s32 s4;
	_ =	sdelay $0x1  }
0xa1: {  	s23 =	simm.s32 $0x1B8B  }
0xa2: {  	_ =	swait.ge [sflag:s23], $0x1  }
0xa3: {  	[sflag:s23] =	ssyncset.done $0x0  }
0xa4: {  	s25 =	simm.s32 $0x1B8E;
	s24 =	sld [smem:$0x3FFE];
	[sflag:s23] =	ssyncadd.s32 $0xFFFFFFFF  }
0xa5: {  	s26 =	simm.s32 $execute0_lowered;
	[smem:$0x3FD2] =	sst s25  }
0xa6: {  	s5 =	sshll.u32 s26, $0x1;
	_ =	strace $0x80000046;
	[dreg:$0x1] =	wrdreg $0xFFFFFFFF  }
0xa7: {  	s28 =	simm.s32 $_size_execute0_lowered;
	s3 =	sadd.s32 s3, s5;
	[dreg:$0x0] =	wrdreg $0x0  }
0xa8: {  	s5 =	sshll.u32 s28, $0x1;
	[dreg:$0x2] =	wrdreg s3  }
0xa9: {  	[dreg:$0x3] =	wrdreg s5  }
0xaa: {  	[dreg:$0x4] =	wrdreg $0xC0  }
0xab: {  	_ =	task [dreg:s7], $0x5FFFF  }
0xac: {  	[dreg:$0x1] =	wrdreg $0xFFFFFFFF  }
0xad: {  	[dreg:$0x0] =	wrdreg $0x60  }
0xae: {  	[dreg:$0x2] =	wrdreg s24  }
0xaf: {  	[dreg:$0x3] =	wrdreg s2  }
0xb0: {  	[dreg:$0x4] =	wrdreg $0xA4000  }
0xb1: {  	[dreg:$0x5] =	wrdreg $0x9  }
0xb2: {  	_ =	task.clear_ibuf [dreg:s7], $0x6FFFF;
	_ =	strace $0x90000046  }
0xb3: {  	s29 =	simm.s32 $0x9;
	_ =	strace $0x80000048  }
0xb4: {  	_ =	swait.ge [sflag:s29], $0x1  }
0xb5: {  	[sflag:s29] =	ssyncadd.s32 $0xFFFFFFFF  }
0xb6: {  	_ =	strace $0x90000048  }
0xb7: {  	_ =	sfence  }
0xb8: {  	s30 =	sld [smem:$0x0];
	_ =	sdelay $0x2  }
0xb9: {  	s31 =	sshll.u32 s1, $0xD;
	s1 =	sshrl.u32 s1, $0x2  }
0xba: {  	s3 =	sand.u32 $0x4000, s31;
	s1 =	sadd.s32 s1, s30  }
0xbb: {  	s0 =	sor.u32 s3, s0;
	s1 =	sshll.u32 s1, $0x11  }
0xbc: {  	s0 =	sor.u32 s1, s0  }
0xbd: {  	s0 =	sadd.s32 $0x8F2B, s0  }
0xbe: {  	[sflag:s0] =	ssyncadd.remote.s32 $0x1  }
0xbf: {  	_ =	sfence.sel $0xFFFF  }
0xc0: {  	[dreg:$0x0] =	wrdreg $0xFFFFFFFF;
	(pc) =	sbr.abs _section_cstart, $3  }
0xc1: {  	[dreg:$0x1] =	wrdreg $0xFFFFFFFF  }
0xc2: {  	_ =	task.clear_ibuf [dreg:s7], $0x2FFFF;
	_ =	strace $0x9FFFFFFF  }
0xc3: {  	(tm) =	ssettm $0x7FFFFFFF  }
tec
execute0_lowered:
.L_overlay_start_1:
0x0: {  	(tag) =	ssettag $0x1  }
0x1: {  	s0 =	rddreg [dreg:$0x0]  }
0x2: {  	s3 =	rddreg [dreg:$0x1];
	s2 =	srdreg.scid  }
0x3: {  	s1 =	rddreg [dreg:$0x2];
	s14 =	stileid.u32  }
0x4: {  	s28 =	simm.s32 $0x1;
	s29 =	simm.s32 $0x50;
	s6 =	smul.u32 $0x50000, s14  }
0x5: {  	s30 =	simm.s32 $0x400;
	s31 =	simm.s32 $0x2C00;
	s11 =	smul.u32 $0x2710, s14  }
0x6: {  	s4 =	sand.u32 $0x1, s2;
	s2 =	simm.s32 $0x0;
	s12 =	smul.u32 $0x2800, s14  }
0x7: {  	s9 =	sadd.s32 $0xE00, s0;
	s10 =	sadd.s32 $0x54000, s0;
	s25 =	smul.u32 $0x4E2, s14  }
0x8: {  	s16 =	sshll.u32 s14, $0x6;
	p0 =	seq.s32 s14, $0xF;
	s7 =	smul.u32 $0x27100, s4  }
0x9: {  	[smem:$0x7FF] =	sst s2;
	s5 =	ssub.s32 $0x2, s4;
	s4 =	smul.u32 $0x138800, s4  }
0xa: {  	_ =	strace $0x80000047;
	[dreg:$0x5] =	wrdreg s10;
	s13 =	sshrl.u32 s5, $0x1  }
0xb: {  	s15 =	sshrl.u32 s6, $0x2;
	s6 =	sor.u32 $0x1C04, s16;
	s26 =	sadd.s32 s25, s3  }
0xc: {  	s8 =	sadd.s32 s7, s0;
	s0 =	sadd.s32 $0x56800, s0;
	s10 =	ssub.s32 s5, s13  }
0xd: {  	s13 =	sshrl.u32 s11, $0x3;
	s5 =	sadd.s32 s15, s1;
	s7 =	sadd.s32 s12, s7  }
0xe: {  	s4 =	sshrl.u32 s4, $0x3;
	[dreg:$0x4] =	wrdreg s26;
	s26 =	simm.s32 $0x280  }
0xf: {  	s12 =	simm.s32 $0x3;
	s11 =	sadd.s32 $0xA, s13;
	s15 =	sadd.s32 s9, s13  }
0x10: {  	s17 =	sadd.s32 s3, s13;
	s19 =	sadd.s32 $0x14, s13;
	[dreg:$0x6] =	wrdreg s15  }
0x11: {  	s21 =	sadd.s32 $0x1E, s13;
	s7 =	sadd.s32 s0, s7;
	[dreg:$0x7] =	wrdreg s17  }
0x12: {  	s13 =	sadd.s32 $0x4D8, s13;
	s18 =	sadd.s32 s9, s11;
	[dreg:$0x10] =	wrdreg s7  }
0x13: {  	s0 =	sadd.s32 s0, s4;
	s11 =	sadd.s32 s3, s11;
	[dreg:$0x8] =	wrdreg s18  }
0x14: {  	s4 =	simm.s32 $0x180;
	s20 =	sadd.s32 s9, s19;
	[dreg:$0x9] =	wrdreg s11  }
0x15: {  	s22 =	sadd.s32 s9, s21;
	s23 =	sadd.s32 s9, s13;
	[dreg:$0xa] =	wrdreg s20  }
0x16: {  	s24 =	sadd.s32 s3, s13;
	s7 =	sadd.s32 $0x12C000, s1;
	[dreg:$0xc] =	wrdreg s22  }
0x17: {  	s13 =	simm.s32 $0x0;
	s11 =	sadd.s32 $0x5E00, s8;
	[dreg:$0xe] =	wrdreg s23  }
0x18: {  	s8 =	sadd.s32 s3, s19;
	[dreg:$0xf] =	wrdreg s24;
	s19 =	sadd.s32 $0x25800, s0  }
0x19: {  	s20 =	smax.u32 s10, $0x1;
	s22 =	simm.s32 $0x4;
	s23 =	simm.s32 $0x200  }
0x1a: {  	s24 =	simm.s32 $0x80;
	s0 =	simm.s32 $0x100;
	s10 =	simm.s32 $0x2  }
0x1b: {  	[dreg:$0xb] =	wrdreg s8;
	s8 =	sadd.s32 s3, s21;
	s21 =	sadd.s32 s25, s9  }
0x1c: {  	s25 =	sshrl.u32 @p0 s7, $0x3;
	s3 =	simm.s32 $0x300;
	s7 =	simm.s32 $0x380  }
0x1d: {  	s9 =	simm.s32 $0x7C00;
	[dreg:$0xd] =	wrdreg s8;
	s8 =	simm.s32 $0x5400  }
.LBB2_1:
0x1e: {  	s14 =	sshrl.u32 s5, $0x3;
	s15 =	rddreg [dreg:$0x5]  }
0x1f: {  	[spmem:s14], [sflag:s6] =	dma.local [hbm:s15], $0x2800  }
0x20: {  	_ =	swait.ge [sflag:s22], $0x2800  }
0x21: {  	[sflag:s22] =	ssyncset.done $0x0  }
0x22: {  	[sflag:s22] =	ssyncadd.s32 $0xFFFFD800  }
0x23: {  	[bflag:$0x0] =	sbarrier.arrive $0xFFFF  }
0x24: {  	s17 =	rddreg [dreg:$0x6]  }
0x25: {  	[tilespmem:s2], [sflag:$0x1] =	stream.linear.gather [hbm4b:s17+s2], $0x50, $0x38;
	[tilespmem:$0x1E400] =	vst v63  }
0x26: {  	s18 =	rddreg [dreg:$0x7]  }
0x27: {  	[tilespmem:s23], [sflag:$0x1] =	stream.linear.gather [hbm4b:s18+s2], $0x50, $0x38;
	[tilespmem:$0x1E400] =	vst v63  }
0x28: {  	s15 =	rddreg [dreg:$0x8]  }
0x29: {  	[tilespmem:s24], [sflag:$0x1] =	stream.linear.gather [hbm4b:s15+s2], $0x50, $0x38;
	[tilespmem:$0x1E400] =	vst v63  }
0x2a: {  	s16 =	rddreg [dreg:$0x9]  }
0x2b: {  	[tilespmem:s26], [sflag:$0x1] =	stream.linear.gather [hbm4b:s16+s2], $0x50, $0x38;
	[tilespmem:$0x1E400] =	vst v63  }
0x2c: {  	_ =	swait.ge [sflag:s28], $0x50  }
0x2d: {  	[sflag:s28] =	ssyncset.done $0x0  }
0x2e: {  	[sflag:s28] =	ssyncadd.s32 $0xFFFFFFB0  }
0x2f: {  	_ =	swait.ge [sflag:s28], $0x50  }
0x30: {  	[sflag:s28] =	ssyncset.done $0x0  }
0x31: {  	[sflag:s28] =	ssyncadd.s32 $0xFFFFFFB0  }
0x32: {  	_ =	swait.ge [sflag:s28], $0x50  }
0x33: {  	[sflag:s28] =	ssyncset.done $0x0  }
0x34: {  	[sflag:s28] =	ssyncadd.s32 $0xFFFFFFB0  }
0x35: {  	_ =	swait.ge [sflag:s28], $0x50  }
0x36: {  	[sflag:s28] =	ssyncset.done $0x0  }
0x37: {  	[sflag:s28] =	ssyncadd.s32 $0xFFFFFFB0  }
0x38: {  	[tilespmem:s30], [sflag:$0x2] =	stream.indirect.gather [hbm4b:s11+s29], $0x80, s2, s29, $0xb8;
	[tilespmem:$0x1E400] =	vst v63  }
0x39: {  	_ = 	snop  }
0x3a: {  	[tilespmem:s31], [sflag:$0x2] =	stream.indirect.gather [hbm4b:s11+s29], $0x80, s24, s29, $0xb8;
	[tilespmem:$0x1E400] =	vst v63  }
0x3b: {  	s17 =	rddreg [dreg:$0xa]  }
0x3c: {  	[tilespmem:s0], [sflag:$0x1] =	stream.linear.gather [hbm4b:s17+s2], $0x50, $0x38;
	[tilespmem:$0x1E400] =	vst v63  }
0x3d: {  	s18 =	rddreg [dreg:$0xb]  }
0x3e: {  	[tilespmem:s3], [sflag:$0x1] =	stream.linear.gather [hbm4b:s18+s2], $0x50, $0x38;
	[tilespmem:$0x1E400] =	vst v63  }
0x3f: {  	s15 =	rddreg [dreg:$0xc]  }
0x40: {  	[tilespmem:s4], [sflag:$0x1] =	stream.linear.gather [hbm4b:s15+s2], $0x50, $0x38;
	[tilespmem:$0x1E400] =	vst v63  }
0x41: {  	s16 =	rddreg [dreg:$0xd]  }
0x42: {  	[tilespmem:s7], [sflag:$0x1] =	stream.linear.gather [hbm4b:s16+s2], $0x50, $0x38;
	[tilespmem:$0x1E400] =	vst v63  }
0x43: {  	_ =	swait.ge [sflag:s28], $0x50  }
0x44: {  	[sflag:s28] =	ssyncset.done $0x0  }
0x45: {  	[sflag:s28] =	ssyncadd.s32 $0xFFFFFFB0  }
0x46: {  	_ =	swait.ge [sflag:s28], $0x50  }
0x47: {  	[sflag:s28] =	ssyncset.done $0x0  }
0x48: {  	[sflag:s28] =	ssyncadd.s32 $0xFFFFFFB0  }
0x49: {  	_ =	swait.ge [sflag:s28], $0x50  }
0x4a: {  	[sflag:s28] =	ssyncset.done $0x0  }
0x4b: {  	[sflag:s28] =	ssyncadd.s32 $0xFFFFFFB0  }
0x4c: {  	_ =	swait.ge [sflag:s28], $0x50  }
0x4d: {  	[sflag:s28] =	ssyncset.done $0x0  }
0x4e: {  	[sflag:s28] =	ssyncadd.s32 $0xFFFFFFB0  }
0x4f: {  	[tilespmem:s8], [sflag:$0x3] =	stream.indirect.gather [hbm4b:s11+s29], $0x80, s0, s29, $0xb8;
	[tilespmem:$0x1E400] =	vst v63  }
0x50: {  	_ = 	snop  }
0x51: {  	[tilespmem:s9], [sflag:$0x3] =	stream.indirect.gather [hbm4b:s11+s29], $0x80, s4, s29, $0xb8;
	[tilespmem:$0x1E400] =	vst v63  }
0x52: {  	_ =	swait.ge [sflag:s10], $0x2800  }
0x53: {  	[sflag:s10] =	ssyncset.done $0x0  }
0x54: {  	[sflag:s10] =	ssyncadd.s32 $0xFFFFD800  }
0x55: {  	_ =	swait.ge [sflag:s10], $0x2800  }
0x56: {  	[sflag:s10] =	ssyncset.done $0x0  }
0x57: {  	[sflag:s10] =	ssyncadd.s32 $0xFFFFD800  }
0x58: {  	[spmem:s1] =	stream.indirect.scatter.add.f32 [tilespmem:s30], [sflag:$0x4], $0x80, s23, s29, $0xb8;
	[tilespmem:$0x1E400] =	vst v63  }
0x59: {  	_ =	swait.ge [sflag:s22], $0x2800  }
0x5a: {  	[sflag:s22] =	ssyncset.done $0x0  }
0x5b: {  	[sflag:s22] =	ssyncadd.s32 $0xFFFFD800  }
0x5c: {  	[spmem:s1] =	stream.indirect.scatter.add.f32 [tilespmem:s31], [sflag:$0x4], $0x80, s26, s29, $0xb8;
	[tilespmem:$0x1E400] =	vst v63  }
0x5d: {  	_ =	swait.ge [sflag:s22], $0x2800  }
0x5e: {  	s14 =	sadd.s32 $0x0, s21;
	[sflag:s22] =	ssyncset.done $0x0;
	s17 =	rddreg [dreg:$0x4]  }
0x5f: {  	s16 =	sadd.s32 $0x28, s14;
	[sflag:s22] =	ssyncadd.s32 $0xFFFFD800;
	s15 =	sadd.s32 $0x0, s17  }
0x60: {  	[tilespmem:s2], [sflag:$0x1] =	stream.linear.gather [hbm4b:s16+s2], $0x50, $0x38;
	[tilespmem:$0x1E400] =	vst v63  }
0x61: {  	s18 =	sadd.s32 $0x28, s15  }
0x62: {  	[tilespmem:s23], [sflag:$0x1] =	stream.linear.gather [hbm4b:s18+s2], $0x50, $0x38;
	[tilespmem:$0x1E400] =	vst v63  }
0x63: {  	s17 =	sadd.s32 $0x32, s14  }
0x64: {  	[tilespmem:s24], [sflag:$0x1] =	stream.linear.gather [hbm4b:s17+s2], $0x50, $0x38;
	[tilespmem:$0x1E400] =	vst v63  }
0x65: {  	s18 =	sadd.s32 $0x32, s15  }
0x66: {  	[tilespmem:s26], [sflag:$0x1] =	stream.linear.gather [hbm4b:s18+s2], $0x50, $0x38;
	[tilespmem:$0x1E400] =	vst v63  }
0x67: {  	_ =	swait.ge [sflag:s28], $0x50  }
0x68: {  	[sflag:s28] =	ssyncset.done $0x0  }
0x69: {  	[sflag:s28] =	ssyncadd.s32 $0xFFFFFFB0  }
0x6a: {  	_ =	swait.ge [sflag:s28], $0x50  }
0x6b: {  	[sflag:s28] =	ssyncset.done $0x0  }
0x6c: {  	[sflag:s28] =	ssyncadd.s32 $0xFFFFFFB0  }
0x6d: {  	_ =	swait.ge [sflag:s28], $0x50  }
0x6e: {  	[sflag:s28] =	ssyncset.done $0x0  }
0x6f: {  	[sflag:s28] =	ssyncadd.s32 $0xFFFFFFB0  }
0x70: {  	_ =	swait.ge [sflag:s28], $0x50  }
0x71: {  	[sflag:s28] =	ssyncset.done $0x0  }
0x72: {  	[sflag:s28] =	ssyncadd.s32 $0xFFFFFFB0  }
0x73: {  	[tilespmem:s30], [sflag:$0x2] =	stream.indirect.gather [hbm4b:s11+s29], $0x80, s2, s29, $0xb8;
	[tilespmem:$0x1E400] =	vst v63  }
0x74: {  	_ = 	snop  }
0x75: {  	[tilespmem:s31], [sflag:$0x2] =	stream.indirect.gather [hbm4b:s11+s29], $0x80, s24, s29, $0xb8;
	[tilespmem:$0x1E400] =	vst v63  }
0x76: {  	_ =	swait.ge [sflag:s12], $0x2800  }
0x77: {  	[sflag:s12] =	ssyncset.done $0x0  }
0x78: {  	[sflag:s12] =	ssyncadd.s32 $0xFFFFD800  }
0x79: {  	_ =	swait.ge [sflag:s12], $0x2800  }
0x7a: {  	[sflag:s12] =	ssyncset.done $0x0  }
0x7b: {  	[sflag:s12] =	ssyncadd.s32 $0xFFFFD800  }
0x7c: {  	[spmem:s1] =	stream.indirect.scatter.add.f32 [tilespmem:s8], [sflag:$0x4], $0x80, s3, s29, $0xb8;
	[tilespmem:$0x1E400] =	vst v63  }
0x7d: {  	_ =	swait.ge [sflag:s22], $0x2800  }
0x7e: {  	[sflag:s22] =	ssyncset.done $0x0  }
0x7f: {  	[sflag:s22] =	ssyncadd.s32 $0xFFFFD800  }
0x80: {  	[spmem:s1] =	stream.indirect.scatter.add.f32 [tilespmem:s9], [sflag:$0x4], $0x80, s7, s29, $0xb8;
	[tilespmem:$0x1E400] =	vst v63  }
0x81: {  	_ =	swait.ge [sflag:s22], $0x2800  }
0x82: {  	[sflag:s22] =	ssyncset.done $0x0  }
0x83: {  	s17 =	sadd.s32 $0x3C, s14;
	[sflag:s22] =	ssyncadd.s32 $0xFFFFD800  }
0x84: {  	[tilespmem:s0], [sflag:$0x1] =	stream.linear.gather [hbm4b:s17+s2], $0x50, $0x38;
	[tilespmem:$0x1E400] =	vst v63  }
0x85: {  	s18 =	sadd.s32 $0x3C, s15  }
0x86: {  	[tilespmem:s3], [sflag:$0x1] =	stream.linear.gather [hbm4b:s18+s2], $0x50, $0x38;
	[tilespmem:$0x1E400] =	vst v63  }
0x87: {  	s14 =	sadd.s32 $0x46, s14  }
0x88: {  	[tilespmem:s4], [sflag:$0x1] =	stream.linear.gather [hbm4b:s14+s2], $0x50, $0x38;
	[tilespmem:$0x1E400] =	vst v63  }
0x89: {  	s15 =	sadd.s32 $0x46, s15;
	s14 =	simm.s32 $0x28  }
.LBB2_2:
0x8a: {  	[tilespmem:s7], [sflag:$0x1] =	stream.linear.gather [hbm4b:s15+s2], $0x50, $0x38;
	[tilespmem:$0x1E400] =	vst v63  }
0x8b: {  	_ =	swait.ge [sflag:s28], $0x50  }
0x8c: {  	[sflag:s28] =	ssyncset.done $0x0  }
0x8d: {  	[sflag:s28] =	ssyncadd.s32 $0xFFFFFFB0  }
0x8e: {  	_ =	swait.ge [sflag:s28], $0x50  }
0x8f: {  	[sflag:s28] =	ssyncset.done $0x0  }
0x90: {  	[sflag:s28] =	ssyncadd.s32 $0xFFFFFFB0  }
0x91: {  	_ =	swait.ge [sflag:s28], $0x50  }
0x92: {  	[sflag:s28] =	ssyncset.done $0x0  }
0x93: {  	[sflag:s28] =	ssyncadd.s32 $0xFFFFFFB0  }
0x94: {  	_ =	swait.ge [sflag:s28], $0x50  }
0x95: {  	[sflag:s28] =	ssyncset.done $0x0  }
0x96: {  	[sflag:s28] =	ssyncadd.s32 $0xFFFFFFB0  }
0x97: {  	[tilespmem:s8], [sflag:$0x3] =	stream.indirect.gather [hbm4b:s11+s29], $0x80, s0, s29, $0xb8;
	[tilespmem:$0x1E400] =	vst v63  }
0x98: {  	_ = 	snop  }
0x99: {  	[tilespmem:s9], [sflag:$0x3] =	stream.indirect.gather [hbm4b:s11+s29], $0x80, s4, s29, $0xb8;
	[tilespmem:$0x1E400] =	vst v63  }
0x9a: {  	_ =	swait.ge [sflag:s10], $0x2800  }
0x9b: {  	[sflag:s10] =	ssyncset.done $0x0  }
0x9c: {  	[sflag:s10] =	ssyncadd.s32 $0xFFFFD800  }
0x9d: {  	_ =	swait.ge [sflag:s10], $0x2800  }
0x9e: {  	[sflag:s10] =	ssyncset.done $0x0  }
0x9f: {  	[sflag:s10] =	ssyncadd.s32 $0xFFFFD800  }
0xa0: {  	[spmem:s1] =	stream.indirect.scatter.add.f32 [tilespmem:s30], [sflag:$0x4], $0x80, s23, s29, $0xb8;
	[tilespmem:$0x1E400] =	vst v63  }
0xa1: {  	_ =	swait.ge [sflag:s22], $0x2800  }
0xa2: {  	[sflag:s22] =	ssyncset.done $0x0  }
0xa3: {  	[sflag:s22] =	ssyncadd.s32 $0xFFFFD800  }
0xa4: {  	[spmem:s1] =	stream.indirect.scatter.add.f32 [tilespmem:s31], [sflag:$0x4], $0x80, s26, s29, $0xb8;
	[tilespmem:$0x1E400] =	vst v63  }
0xa5: {  	s16 =	smov.u32 s14;
	_ =	swait.ge [sflag:s22], $0x2800  }
0xa6: {  	s15 =	sadd.s32 s16, s21;
	[sflag:s22] =	ssyncset.done $0x0;
	s17 =	rddreg [dreg:$0x4]  }
0xa7: {  	s18 =	sadd.s32 $0x28, s15;
	[sflag:s22] =	ssyncadd.s32 $0xFFFFD800;
	s16 =	sadd.s32 s16, s17  }
0xa8: {  	[tilespmem:s2], [sflag:$0x1] =	stream.linear.gather [hbm4b:s18+s2], $0x50, $0x38;
	[tilespmem:$0x1E400] =	vst v63  }
0xa9: {  	s17 =	sadd.s32 $0x28, s16  }
0xaa: {  	[tilespmem:s23], [sflag:$0x1] =	stream.linear.gather [hbm4b:s17+s2], $0x50, $0x38;
	[tilespmem:$0x1E400] =	vst v63  }
0xab: {  	s18 =	sadd.s32 $0x32, s15  }
0xac: {  	[tilespmem:s24], [sflag:$0x1] =	stream.linear.gather [hbm4b:s18+s2], $0x50, $0x38;
	[tilespmem:$0x1E400] =	vst v63  }
0xad: {  	s17 =	sadd.s32 $0x32, s16  }
0xae: {  	[tilespmem:s26], [sflag:$0x1] =	stream.linear.gather [hbm4b:s17+s2], $0x50, $0x38;
	[tilespmem:$0x1E400] =	vst v63  }
0xaf: {  	_ =	swait.ge [sflag:s28], $0x50  }
0xb0: {  	[sflag:s28] =	ssyncset.done $0x0  }
0xb1: {  	[sflag:s28] =	ssyncadd.s32 $0xFFFFFFB0  }
0xb2: {  	_ =	swait.ge [sflag:s28], $0x50  }
0xb3: {  	[sflag:s28] =	ssyncset.done $0x0  }
0xb4: {  	[sflag:s28] =	ssyncadd.s32 $0xFFFFFFB0  }
0xb5: {  	_ =	swait.ge [sflag:s28], $0x50  }
0xb6: {  	[sflag:s28] =	ssyncset.done $0x0  }
0xb7: {  	[sflag:s28] =	ssyncadd.s32 $0xFFFFFFB0  }
0xb8: {  	_ =	swait.ge [sflag:s28], $0x50  }
0xb9: {  	[sflag:s28] =	ssyncset.done $0x0  }
0xba: {  	[sflag:s28] =	ssyncadd.s32 $0xFFFFFFB0  }
0xbb: {  	[tilespmem:s30], [sflag:$0x2] =	stream.indirect.gather [hbm4b:s11+s29], $0x80, s2, s29, $0xb8;
	[tilespmem:$0x1E400] =	vst v63  }
0xbc: {  	_ = 	snop  }
0xbd: {  	[tilespmem:s31], [sflag:$0x2] =	stream.indirect.gather [hbm4b:s11+s29], $0x80, s24, s29, $0xb8;
	[tilespmem:$0x1E400] =	vst v63  }
0xbe: {  	_ =	swait.ge [sflag:s12], $0x2800  }
0xbf: {  	[sflag:s12] =	ssyncset.done $0x0  }
0xc0: {  	[sflag:s12] =	ssyncadd.s32 $0xFFFFD800  }
0xc1: {  	_ =	swait.ge [sflag:s12], $0x2800  }
0xc2: {  	[sflag:s12] =	ssyncset.done $0x0  }
0xc3: {  	[sflag:s12] =	ssyncadd.s32 $0xFFFFD800  }
0xc4: {  	[spmem:s1] =	stream.indirect.scatter.add.f32 [tilespmem:s8], [sflag:$0x4], $0x80, s3, s29, $0xb8;
	[tilespmem:$0x1E400] =	vst v63  }
0xc5: {  	_ =	swait.ge [sflag:s22], $0x2800  }
0xc6: {  	[sflag:s22] =	ssyncset.done $0x0  }
0xc7: {  	[sflag:s22] =	ssyncadd.s32 $0xFFFFD800  }
0xc8: {  	[spmem:s1] =	stream.indirect.scatter.add.f32 [tilespmem:s9], [sflag:$0x4], $0x80, s7, s29, $0xb8;
	[tilespmem:$0x1E400] =	vst v63  }
0xc9: {  	_ =	swait.ge [sflag:s22], $0x2800  }
0xca: {  	[sflag:s22] =	ssyncset.done $0x0  }
0xcb: {  	p1 =	sne.s32 s14, $0x488;
	s17 =	sadd.s32 $0x3C, s15;
	[sflag:s22] =	ssyncadd.s32 $0xFFFFD800  }
0xcc: {  	[tilespmem:s0], [sflag:$0x1] =	stream.linear.gather [hbm4b:s17+s2], $0x50, $0x38;
	[tilespmem:$0x1E400] =	vst v63  }
.Ltmp0:
0xcd: {  	_ = 	snop;
	(pc) =	sbr.rel @p1 .LBB2_2-.Ltmp0, $4  }
0xce: {  	s18 =	sadd.s32 $0x3C, s16  }
0xcf: {  	[tilespmem:s3], [sflag:$0x1] =	stream.linear.gather [hbm4b:s18+s2], $0x50, $0x38;
	[tilespmem:$0x1E400] =	vst v63  }
0xd0: {  	s14 =	sadd.s32 $0x28, s14;
	s17 =	sadd.s32 $0x46, s15;
	s15 =	sadd.s32 $0x46, s16  }
0xd1: {  	[tilespmem:s4], [sflag:$0x1] =	stream.linear.gather [hbm4b:s17+s2], $0x50, $0x38;
	[tilespmem:$0x1E400] =	vst v63  }
0xd2: {  	[tilespmem:s7], [sflag:$0x1] =	stream.linear.gather [hbm4b:s15+s2], $0x50, $0x38;
	[tilespmem:$0x1E400] =	vst v63  }
0xd3: {  	_ =	swait.ge [sflag:s28], $0x50  }
0xd4: {  	[sflag:s28] =	ssyncset.done $0x0  }
0xd5: {  	[sflag:s28] =	ssyncadd.s32 $0xFFFFFFB0  }
0xd6: {  	_ =	swait.ge [sflag:s28], $0x50  }
0xd7: {  	[sflag:s28] =	ssyncset.done $0x0  }
0xd8: {  	[sflag:s28] =	ssyncadd.s32 $0xFFFFFFB0  }
0xd9: {  	_ =	swait.ge [sflag:s28], $0x50  }
0xda: {  	[sflag:s28] =	ssyncset.done $0x0  }
0xdb: {  	[sflag:s28] =	ssyncadd.s32 $0xFFFFFFB0  }
0xdc: {  	_ =	swait.ge [sflag:s28], $0x50  }
0xdd: {  	[sflag:s28] =	ssyncset.done $0x0  }
0xde: {  	[sflag:s28] =	ssyncadd.s32 $0xFFFFFFB0  }
0xdf: {  	[tilespmem:s8], [sflag:$0x3] =	stream.indirect.gather [hbm4b:s11+s29], $0x80, s0, s29, $0xb8;
	[tilespmem:$0x1E400] =	vst v63  }
0xe0: {  	_ = 	snop  }
0xe1: {  	[tilespmem:s9], [sflag:$0x3] =	stream.indirect.gather [hbm4b:s11+s29], $0x80, s4, s29, $0xb8;
	[tilespmem:$0x1E400] =	vst v63  }
0xe2: {  	_ =	swait.ge [sflag:s10], $0x2800  }
0xe3: {  	[sflag:s10] =	ssyncset.done $0x0  }
0xe4: {  	[sflag:s10] =	ssyncadd.s32 $0xFFFFD800  }
0xe5: {  	_ =	swait.ge [sflag:s10], $0x2800  }
0xe6: {  	[sflag:s10] =	ssyncset.done $0x0  }
0xe7: {  	[sflag:s10] =	ssyncadd.s32 $0xFFFFD800  }
0xe8: {  	[spmem:s1] =	stream.indirect.scatter.add.f32 [tilespmem:s30], [sflag:$0x4], $0x80, s23, s29, $0xb8;
	[tilespmem:$0x1E400] =	vst v63  }
0xe9: {  	_ =	swait.ge [sflag:s22], $0x2800  }
0xea: {  	[sflag:s22] =	ssyncset.done $0x0  }
0xeb: {  	[sflag:s22] =	ssyncadd.s32 $0xFFFFD800  }
0xec: {  	[spmem:s1] =	stream.indirect.scatter.add.f32 [tilespmem:s31], [sflag:$0x4], $0x80, s26, s29, $0xb8;
	[tilespmem:$0x1E400] =	vst v63  }
0xed: {  	_ =	swait.ge [sflag:s22], $0x2800  }
0xee: {  	[sflag:s22] =	ssyncset.done $0x0  }
0xef: {  	[sflag:s22] =	ssyncadd.s32 $0xFFFFD800  }
0xf0: {  	_ =	swait.ge [sflag:s12], $0x2800  }
0xf1: {  	[sflag:s12] =	ssyncset.done $0x0  }
0xf2: {  	[sflag:s12] =	ssyncadd.s32 $0xFFFFD800  }
0xf3: {  	_ =	swait.ge [sflag:s12], $0x2800  }
0xf4: {  	[sflag:s12] =	ssyncset.done $0x0  }
0xf5: {  	[sflag:s12] =	ssyncadd.s32 $0xFFFFD800  }
0xf6: {  	[spmem:s1] =	stream.indirect.scatter.add.f32 [tilespmem:s8], [sflag:$0x4], $0x80, s3, s29, $0xb8;
	[tilespmem:$0x1E400] =	vst v63  }
0xf7: {  	_ =	swait.ge [sflag:s22], $0x2800  }
0xf8: {  	[sflag:s22] =	ssyncset.done $0x0  }
0xf9: {  	[sflag:s22] =	ssyncadd.s32 $0xFFFFD800  }
0xfa: {  	[spmem:s1] =	stream.indirect.scatter.add.f32 [tilespmem:s9], [sflag:$0x4], $0x80, s7, s29, $0xb8;
	[tilespmem:$0x1E400] =	vst v63  }
0xfb: {  	_ =	swait.ge [sflag:s22], $0x2800  }
0xfc: {  	[sflag:s22] =	ssyncset.done $0x0  }
0xfd: {  	s14 =	rddreg [dreg:$0xe];
	[sflag:s22] =	ssyncadd.s32 $0xFFFFD800  }
0xfe: {  	[tilespmem:s0], [sflag:$0x1] =	stream.linear.gather [hbm4b:s14+s2], $0x50, $0x38;
	[tilespmem:$0x1E400] =	vst v63  }
0xff: {  	s18 =	rddreg [dreg:$0xf]  }
0x100: {  	[tilespmem:s3], [sflag:$0x1] =	stream.linear.gather [hbm4b:s18+s2], $0x50, $0x38;
	[tilespmem:$0x1E400] =	vst v63  }
0x101: {  	_ =	swait.ge [sflag:s28], $0x50  }
0x102: {  	[sflag:s28] =	ssyncset.done $0x0  }
0x103: {  	[sflag:s28] =	ssyncadd.s32 $0xFFFFFFB0  }
0x104: {  	_ =	swait.ge [sflag:s28], $0x50  }
0x105: {  	[sflag:s28] =	ssyncset.done $0x0  }
0x106: {  	[sflag:s28] =	ssyncadd.s32 $0xFFFFFFB0  }
0x107: {  	[tilespmem:s8], [sflag:$0x3] =	stream.indirect.gather [hbm4b:s11+s29], $0x80, s0, s29, $0xb8;
	[tilespmem:$0x1E400] =	vst v63  }
0x108: {  	_ =	swait.ge [sflag:s12], $0x2800  }
0x109: {  	[sflag:s12] =	ssyncset.done $0x0  }
0x10a: {  	[sflag:s12] =	ssyncadd.s32 $0xFFFFD800  }
0x10b: {  	[spmem:s1] =	stream.indirect.scatter.add.f32 [tilespmem:s8], [sflag:$0x4], $0x80, s3, s29, $0xb8;
	[tilespmem:$0x1E400] =	vst v63  }
0x10c: {  	_ =	swait.ge [sflag:s22], $0x2800  }
0x10d: {  	[sflag:s22] =	ssyncset.done $0x0  }
0x10e: {  	[sflag:s22] =	ssyncadd.s32 $0xFFFFD800  }
0x10f: {  	s14 =	simm.s32 @p0 $0x4;
	[bflag:$0x0] =	sbarrier.arrive $0xFFFF  }
0x110: {  	[hbm:s19], [sflag:s6] =	dma.local @p0 [spmem:s25], $0x1900  }
0x111: {  	s13 =	sadd.s32 $0x1, s13;
	_ =	swait.ge @p0 [sflag:s14], $0x1900  }
0x112: {  	p1 =	sne.s32 s13, s20;
	[sflag:s14] =	ssyncset.done @p0 $0x0  }
0x113: {  	s15 =	rddreg [dreg:$0x10];
	[sflag:s14] =	ssyncadd.s32 @p0 $0xFFFFE700;
	s14 =	sshrl.u32 @!p0 s5, $0x3  }
0x114: {  	[hbm:s15], [sflag:s6] =	dma.local @!p0 [spmem:s14], $0x2800  }
.Ltmp1:
0x115: {  	_ = 	snop;
	(pc) =	sbr.rel @p1 .LBB2_1-.Ltmp1, $4  }
0x116: {  	s14 =	simm.s32 @!p0 $0x4  }
0x117: {  	_ =	swait.ge @!p0 [sflag:s14], $0x2800  }
0x118: {  	[sflag:s14] =	ssyncset.done @!p0 $0x0  }
0x119: {  	[sflag:s14] =	ssyncadd.s32 @!p0 $0xFFFFD800  }
0x11a: {  	_ =	sfence.sel $0x180000  }
0x11b: {  	[bflag:$0x0] =	sbarrier.arrive $0xFFFF  }
0x11c: {  	_ =	strace $0x90000047  }
0x11d: {  	s0 =	stileid.u32;
	[bflag:$0x2] =	sbarrier.arrive $0xFFFF  }
0x11e: {  	p0 =	sne.s32 s0, $0x0;
	s0 =	rddreg [dreg:$0x3]  }
0x11f: {  	s0 =	sadd.s32 @!p0 $0x100000, s0  }
0x120: {  	[sflag:s0] =	ssyncadd.tile.s32 @!p0 $0x1;
	_ =	shalt  }
.Lfunc_end2:
_tile_overlayer_lowered:
.L_overlay_start_2:
0x121: {  	(tag) =	ssettag $0x2  }
0x122: {  	s0 =	rddreg [dreg:$0x0];
	s2 =	stileid.u32  }
0x123: {  	s1 =	rddreg [dreg:$0x1];
	p0 =	sne.s32 s2, $0x0  }
0x124: {  	s3 =	rddreg [dreg:$0x2];
	[bflag:$0x3] =	sbarrier.arrive $0xFFFF;
	s2 =	simm.s32 @!p0 $0x1C04  }
0x125: {  	[timem:s3], [sflag:s2] =	dma.local @!p0 [hbm:s0], s1  }
0x126: {  	s0 =	simm.s32 @!p0 $0x4  }
0x127: {  	_ =	swait.ge @!p0 [sflag:s0], s1  }
0x128: {  	s1 =	ssub.s32 @!p0 $0x0, s1;
	[sflag:s0] =	ssyncset.done @!p0 $0x0  }
0x129: {  	[sflag:s0] =	ssyncadd.s32 @!p0 s1  }
0x12a: {  	[bflag:$0x3] =	sbarrier.arrive $0xFFFF  }
0x12b: {  	_ =	shalt  }

</sc_bundles>
